<compile_context>
chip_gen: v7x
topology: tpu7x:2x2x1
jax: 0.10.2.dev20260603
libtpu: 0.0.44.dev20260713+nightly
codegen_flags: <defaults>
</compile_context>

<pallas_src>
import functools

import jax
import jax.numpy as jnp
from jax import lax
from jax.experimental import pallas as pl
from jax.experimental.pallas import tpu as pltpu
from jax.experimental.pallas import tpu_sc as plsc

NC = 2
NS = 16
NW = NC * NS
LANES = 16
CHUNK = 128
DEGW = 8


def _sc_mesh():
    return plsc.VectorSubcoreMesh(core_axis_name="c", subcore_axis_name="s",
                                  num_cores=NC, num_subcores=NS)


def _make_deg(nch, npad):
    rpt = npad // NS
    nch2 = nch // 2

    @functools.partial(
        pl.kernel,
        out_type=jax.ShapeDtypeStruct((NC, npad, DEGW), jnp.float32),
        mesh=_sc_mesh(),
        scratch_types=[
            pltpu.VMEM((nch2, CHUNK), jnp.int32),
            pltpu.VMEM((CHUNK, DEGW), jnp.float32),
            pltpu.VMEM_SHARED((npad, DEGW), jnp.float32),
        ],
        compiler_params=pltpu.CompilerParams(use_tc_tiling_on_sc=False),
    )
    def degk(dstp, ones, zeros8, out, idx_v, ones_v, acc):
        c = lax.axis_index("c")
        s = lax.axis_index("s")
        pltpu.sync_copy(dstp.at[s, pl.ds(c * nch2, nch2)], idx_v)
        pltpu.sync_copy(ones, ones_v)
        pltpu.sync_copy(zeros8, acc.at[pl.ds(s * rpt, rpt)])
        plsc.subcore_barrier()

        def body(j, carry):
            pltpu.sync_copy(ones_v, acc.at[idx_v.at[j]], add=True)
            return carry

        lax.fori_loop(0, nch2, body, 0)
        plsc.subcore_barrier()
        pltpu.sync_copy(acc.at[pl.ds(s * rpt, rpt)],
                        out.at[c, pl.ds(s * rpt, rpt)])

    return degk


QCH = 2


def _make_scatter_rows(n, dh, nch, npad):
    rpt = npad // NS
    nq = nch // QCH

    @functools.partial(
        pl.kernel,
        out_type=jax.ShapeDtypeStruct((NC, npad, dh), jnp.float32),
        mesh=_sc_mesh(),
        scratch_types=[
            pltpu.VMEM((nq, QCH * CHUNK), jnp.int32),
            pltpu.VMEM((nq, QCH * CHUNK), jnp.int32),
            pltpu.VMEM((QCH * CHUNK, dh), jnp.float32),
            pltpu.VMEM((QCH * CHUNK, dh), jnp.float32),
            pltpu.VMEM_SHARED((npad, dh), jnp.float32),
            pltpu.SemaphoreType.DMA,
            pltpu.SemaphoreType.DMA,
        ],
        compiler_params=pltpu.CompilerParams(use_tc_tiling_on_sc=False),
    )
    def scatk(tab_lo, tab_hi, srcp, dstp, zeros, out,
              src_v, dst_v, rows0, rows1, acc, sem0, sem1):
        c = lax.axis_index("c")
        s = lax.axis_index("s")
        pltpu.sync_copy(srcp.at[s], src_v)
        pltpu.sync_copy(dstp.at[s], dst_v)
        pltpu.sync_copy(zeros, acc.at[pl.ds(s * rpt, rpt)])
        plsc.subcore_barrier()

        def run(table):
            pltpu.async_copy(table.at[src_v.at[0]], rows0, sem0)
            pltpu.async_copy(table.at[src_v.at[1]], rows1, sem1)

            def pair(q2, carry):
                for b in range(2):
                    rows = rows0 if b == 0 else rows1
                    sem = sem0 if b == 0 else sem1
                    q = q2 * 2 + b
                    pltpu.make_async_copy(table.at[src_v.at[q]], rows,
                                          sem).wait()
                    pltpu.sync_copy(rows, acc.at[dst_v.at[q]], add=True)

                    @pl.when(q + 2 < nq)
                    def _issue():
                        pltpu.async_copy(table.at[src_v.at[q + 2]], rows, sem)

                return carry

            lax.fori_loop(0, nq // 2, pair, 0)

        @pl.when(c == 0)
        def _lo():
            run(tab_lo)

        @pl.when(c == 1)
        def _hi():
            run(tab_hi)

        plsc.subcore_barrier()
        pltpu.sync_copy(acc.at[pl.ds(s * rpt, rpt)],
                        out.at[c, pl.ds(s * rpt, rpt)])

    return scatk


def _make_readout(n, nch):
    nch2 = nch // 2

    @functools.partial(
        pl.kernel,
        out_type=jax.ShapeDtypeStruct((NC, NS, LANES), jnp.float32),
        mesh=_sc_mesh(),
        scratch_types=[
            pltpu.VMEM((nch2, CHUNK), jnp.int32),
            pltpu.VMEM((nch2, CHUNK), jnp.int32),
            pltpu.VMEM((n,), jnp.float32),
            pltpu.VMEM((LANES,), jnp.float32),
        ],
        compiler_params=pltpu.CompilerParams(needs_layout_passes=False),
    )
    def readk(p_hbm, srcp, dstp, out, src_v, dst_v, p_v, acc_v):
        c = lax.axis_index("c")
        s = lax.axis_index("s")
        pltpu.sync_copy(srcp.at[s, pl.ds(c * nch2, nch2)], src_v)
        pltpu.sync_copy(dstp.at[s, pl.ds(c * nch2, nch2)], dst_v)
        pltpu.sync_copy(p_hbm, p_v)

        def body(j, acc):
            for i in range(CHUNK // LANES):
                idx = src_v[j, pl.ds(i * LANES, LANES)]
                dvec = dst_v[j, pl.ds(i * LANES, LANES)]
                pv = plsc.load_gather(p_v, [idx])
                acc = acc + jnp.where(dvec == 0, pv,
                                      jnp.zeros((LANES,), jnp.float32))
            return acc

        acc = lax.fori_loop(0, nch2, body,
                            jnp.zeros((LANES,), jnp.float32))
        acc_v[...] = acc
        pltpu.sync_copy(acc_v, out.at[c, s])

    return readk



_BR = 1000


def _mm_body(x_ref, w_ref, o_ref):
    o_ref[...] = jnp.dot(x_ref[...], w_ref[...],
                         preferred_element_type=jnp.float32)


def _matmul(x, w):
    n, d = x.shape
    nb = n // _BR
    return pl.pallas_call(
        _mm_body,
        grid=(nb,),
        in_specs=[pl.BlockSpec((_BR, d), lambda i: (i, 0)),
                  pl.BlockSpec((d, w.shape[1]), lambda i: (0, 0))],
        out_specs=pl.BlockSpec((_BR, w.shape[1]), lambda i: (i, 0)),
        out_shape=jax.ShapeDtypeStruct((n, w.shape[1]), jnp.float32),
    )(x, w)


def _prep_body(d0_ref, d1_ref, h_ref, dinv_ref, lo_ref, hi_ref):
    dv = lax.rsqrt(d0_ref[...] + d1_ref[...] + 1.0)
    dinv_ref[...] = dv
    hs = h_ref[...] * dv
    dh = hs.shape[1] // 2
    lo_ref[...] = hs[:, :dh]
    hi_ref[...] = hs[:, dh:]


def _prep(d0, d1, h1):
    n, d = h1.shape
    nb = n // _BR
    dh = d // 2
    return pl.pallas_call(
        _prep_body,
        grid=(nb,),
        in_specs=[pl.BlockSpec((_BR, 1), lambda i: (i, 0)),
                  pl.BlockSpec((_BR, 1), lambda i: (i, 0)),
                  pl.BlockSpec((_BR, d), lambda i: (i, 0))],
        out_specs=[pl.BlockSpec((_BR, 1), lambda i: (i, 0)),
                   pl.BlockSpec((_BR, dh), lambda i: (i, 0)),
                   pl.BlockSpec((_BR, dh), lambda i: (i, 0))],
        out_shape=[jax.ShapeDtypeStruct((n, 1), jnp.float32),
                   jax.ShapeDtypeStruct((n, dh), jnp.float32),
                   jax.ShapeDtypeStruct((n, dh), jnp.float32)],
    )(d0, d1, h1)


def _layer_body(alo_ref, ahi_ref, h_ref, dinv_ref, b_ref, w_ref,
                h2_ref, lo_ref, hi_ref):
    dv = dinv_ref[...]
    a = jnp.concatenate([alo_ref[...], ahi_ref[...]], axis=1)
    z = jnp.maximum(a * dv + h_ref[...] * (dv * dv) + b_ref[...], 0.0)
    h2 = jnp.dot(z, w_ref[...], preferred_element_type=jnp.float32)
    h2_ref[...] = h2
    hs = h2 * dv
    dh = hs.shape[1] // 2
    lo_ref[...] = hs[:, :dh]
    hi_ref[...] = hs[:, dh:]


def _layer(alo, ahi, h1, dinv, b, w):
    n, d = h1.shape
    nb = n // _BR
    dh = d // 2
    return pl.pallas_call(
        _layer_body,
        grid=(nb,),
        in_specs=[pl.BlockSpec((_BR, dh), lambda i: (i, 0)),
                  pl.BlockSpec((_BR, dh), lambda i: (i, 0)),
                  pl.BlockSpec((_BR, d), lambda i: (i, 0)),
                  pl.BlockSpec((_BR, 1), lambda i: (i, 0)),
                  pl.BlockSpec((1, d), lambda i: (0, 0)),
                  pl.BlockSpec((d, d), lambda i: (0, 0))],
        out_specs=[pl.BlockSpec((_BR, d), lambda i: (i, 0)),
                   pl.BlockSpec((_BR, dh), lambda i: (i, 0)),
                   pl.BlockSpec((_BR, dh), lambda i: (i, 0))],
        out_shape=[jax.ShapeDtypeStruct((n, d), jnp.float32),
                   jax.ShapeDtypeStruct((n, dh), jnp.float32),
                   jax.ShapeDtypeStruct((n, dh), jnp.float32)],
    )(alo, ahi, h1, dinv, b, w)


def _read_body(alo_ref, ahi_ref, h_ref, dinv_ref, b_ref, fw_ref,
               p_ref, q_ref):
    dv = dinv_ref[...]
    a = jnp.concatenate([alo_ref[...], ahi_ref[...]], axis=1)
    z = jnp.maximum(a * dv + h_ref[...] * (dv * dv) + b_ref[...], 0.0)
    fw = fw_ref[...]
    d = h_ref.shape[1]
    q_ref[...] = jnp.dot(z, fw[0:d, :], preferred_element_type=jnp.float32)
    p_ref[...] = jnp.dot(z, fw[d:2 * d, :], preferred_element_type=jnp.float32)


def _read(alo, ahi, h2, dinv, b, fw):
    n, d = h2.shape
    nb = n // _BR
    dh = d // 2
    return pl.pallas_call(
        _read_body,
        grid=(nb,),
        in_specs=[pl.BlockSpec((_BR, dh), lambda i: (i, 0)),
                  pl.BlockSpec((_BR, dh), lambda i: (i, 0)),
                  pl.BlockSpec((_BR, d), lambda i: (i, 0)),
                  pl.BlockSpec((_BR, 1), lambda i: (i, 0)),
                  pl.BlockSpec((1, d), lambda i: (0, 0)),
                  pl.BlockSpec((2 * d, 1), lambda i: (0, 0))],
        out_specs=[pl.BlockSpec((_BR, 1), lambda i: (i, 0)),
                   pl.BlockSpec((_BR, 1), lambda i: (i, 0))],
        out_shape=[jax.ShapeDtypeStruct((n, 1), jnp.float32),
                   jax.ShapeDtypeStruct((n, 1), jnp.float32)],
    )(alo, ahi, h2, dinv, b, fw)


def kernel(x, edge_index, concentration, W1, b1, W2, b2, fc_W, fc_b):
    n, d = x.shape
    dh = d // 2
    e = edge_index.shape[1]
    nch = 16 * (-(-e // (NS * CHUNK * 16)))
    ept = nch * CHUNK
    epad = ept * NS
    npad = -(-(n + 1) // (NS * 8)) * (NS * 8)
    rpt = npad // NS

    src = edge_index[0]
    dst = edge_index[1]
    padn = epad - e
    srcp = jnp.concatenate(
        [src, jnp.zeros((padn,), jnp.int32)]).reshape(NS, nch, CHUNK)
    dstp = jnp.concatenate(
        [dst, jnp.full((padn,), n, jnp.int32)]).reshape(NS, nch, CHUNK)
    ones8 = jnp.ones((CHUNK, DEGW), jnp.float32)
    zeros8 = jnp.zeros((rpt, DEGW), jnp.float32)
    zerosd = jnp.zeros((rpt, dh), jnp.float32)

    degk = _make_deg(nch, npad)
    scatk = _make_scatter_rows(n, dh, nch, npad)
    readk = _make_readout(n, nch)

    degout = degk(dstp, ones8, zeros8)
    h1 = _matmul(x, W1)

    d0 = degout[0, :n, 0:1]
    d1 = degout[1, :n, 0:1]
    dinv, hs1lo, hs1hi = _prep(d0, d1, h1)

    src4 = srcp.reshape(NS, nch // QCH, QCH * CHUNK)
    dst4 = dstp.reshape(NS, nch // QCH, QCH * CHUNK)
    acc1 = scatk(hs1lo, hs1hi, src4, dst4, zerosd)
    h2, hs2lo, hs2hi = _layer(acc1[0, :n], acc1[1, :n], h1, dinv,
                              b1.reshape(1, d), W2)
    acc2 = scatk(hs2lo, hs2hi, src4, dst4, zerosd)
    p, q = _read(acc2[0, :n], acc2[1, :n], h2, dinv,
                 b2.reshape(1, d), fc_W)

    pr = readk(p.reshape(-1), srcp, dstp)
    segp = jnp.sum(pr)
    cnt = jnp.maximum(degout[0, 0, 0] + degout[1, 0, 0], 1.0)
    return q[0] + segp / cnt + fc_b

# --- scband reference (transcript-rebuilt; emitter-appended) ---
"""Pipeline reference for scband-gcnpredictor-64793876627497 (READ-ONLY COPY).

The authoritative reference and input builder live on the scoring server;
editing this copy changes nothing except your own understanding.
"""

import jax, jax.numpy as jnp
import numpy as np

N = 10000
E = 320000
D_IN = 128
D_H = 128
D_OUT = 1


def setup_inputs(seed: int = 0) -> dict:
    key = jax.random.key(seed)
    ks = jax.random.split(key, 10)
    x = jax.random.normal(ks[0], (N, D_IN), dtype=jnp.float32)
    edge_index = jax.random.randint(ks[1], (2, E), 0, N, dtype=jnp.int32)
    concentration = jax.random.uniform(ks[2], (N,), dtype=jnp.float32)
    # GCNConv lin weights (stored as (in, out) for x @ W) and biases
    W1 = jax.random.normal(ks[3], (D_IN, D_H), dtype=jnp.float32) / np.sqrt(D_IN)
    b1 = jnp.zeros((D_H,), dtype=jnp.float32)
    W2 = jax.random.normal(ks[4], (D_H, D_H), dtype=jnp.float32) / np.sqrt(D_H)
    b2 = jnp.zeros((D_H,), dtype=jnp.float32)
    fc_W = jax.random.normal(ks[5], (2 * D_H, D_OUT), dtype=jnp.float32) / np.sqrt(2 * D_H)
    fc_b = jnp.zeros((D_OUT,), dtype=jnp.float32)
    return {"x": x, "edge_index": edge_index, "concentration": concentration,
            "W1": W1, "b1": b1, "W2": W2, "b2": b2, "fc_W": fc_W, "fc_b": fc_b}


def _gcn_conv(x, edge_index, W, b):
    # PyG GCNConv: add self-loops, symmetric normalization D^-1/2 (A+I) D^-1/2 X W + b
    n = x.shape[0]
    loops = jnp.arange(n, dtype=edge_index.dtype)
    src = jnp.concatenate([edge_index[0], loops])
    dst = jnp.concatenate([edge_index[1], loops])
    deg = jax.ops.segment_sum(jnp.ones_like(src, dtype=x.dtype), dst, num_segments=n)
    dinv = jnp.where(deg > 0, deg ** -0.5, 0.0)
    norm = dinv[src] * dinv[dst]
    h = x @ W
    msg = h[src] * norm[:, None]
    out = jax.ops.segment_sum(msg, dst, num_segments=n)
    return out + b


def reference(x, edge_index, concentration, W1, b1, W2, b2, fc_W, fc_b):
    h = jax.nn.relu(_gcn_conv(x, edge_index, W1, b1))
    h = jax.nn.relu(_gcn_conv(h, edge_index, W2, b2))
    target_node_idx = 0
    target_features = h[target_node_idx]
    mask = (edge_index[1] == target_node_idx).astype(h.dtype)
    cnt = jnp.maximum(jnp.sum(mask), 1.0)
    # mean over features of source nodes of edges pointing into node 0
    gathered = h[edge_index[0]]
    neighbor_features = jnp.sum(gathered * mask[:, None], axis=0) / cnt
    # neighbor_concentrations computed in original forward but unused in output
    _ = concentration[edge_index[0]] * mask
    combined = jnp.concatenate([target_features, neighbor_features])
    out = combined @ fc_W + fc_b
    return out.reshape(-1)

if __name__ == "__main__":
    import jax
    _d = setup_inputs()
    print(jax.jit(kernel)(*tuple(_d.values())))

</pallas_src>

<mosaic_0001>
#map = affine_map<(d0, d1) -> (0, 0)>
#map1 = affine_map<(d0, d1) -> (0, 0, 0)>
module attributes {stable_mosaic.version = 14 : i64} {
  func.func @scatk(%arg0: i32, %arg1: i32, %arg2: memref<10000x64xf32, #tpu.memory_space<hbm>>, %arg3: memref<10000x64xf32, #tpu.memory_space<hbm>>, %arg4: memref<16x80x256xi32, #tpu.memory_space<hbm>>, %arg5: memref<16x80x256xi32, #tpu.memory_space<hbm>>, %arg6: memref<632x64xf32, #tpu.memory_space<hbm>>, %arg7: memref<2x10112x64xf32, #tpu.memory_space<hbm>>, %arg8: memref<80x256xi32, #tpu.memory_space<vmem>>, %arg9: memref<80x256xi32, #tpu.memory_space<vmem>>, %arg10: memref<256x64xf32, #tpu.memory_space<vmem>>, %arg11: memref<256x64xf32, #tpu.memory_space<vmem>>, %arg12: memref<10112x64xf32, #tpu.memory_space<vmem_shared>>, %arg13: memref<!tpu.dma_semaphore, #tpu.memory_space<semaphore_mem>>, %arg14: memref<!tpu.dma_semaphore, #tpu.memory_space<semaphore_mem>>) attributes {dimension_semantics = [#tpu.dimension_semantics<core_parallel>, #tpu.dimension_semantics<subcore_parallel>], iteration_bounds = array<i64: 2, 16>, scalar_prefetch = 0 : i64, scratch_operands = 7 : i64, tpu.core_type = #tpu.core_type<sc_vector_subcore>, window_params = [{transform_indices = #map}, {transform_indices = #map}, {transform_indices = #map1}, {transform_indices = #map1}, {transform_indices = #map}, {transform_indices = #map1}]} {
    "tpu.region"() ({
      %run_scoped3A = tpu.sem_alloc : memref<!tpu.dma_semaphore, #tpu.memory_space<semaphore_mem>>
      %dma_start3A = arith.constant 0 : i32
      %dma_start3A_13 = arith.constant 0 : i32
      %dma_start3A_14 = tpu.memref_slice %arg4[%arg1, %dma_start3A, %dma_start3A_13] : memref<16x80x256xi32, #tpu.memory_space<hbm>> -> memref<1x80x256xi32, #tpu.memory_space<hbm>>
      %dma_start3A_15 = tpu.memref_squeeze %dma_start3A_14 : memref<1x80x256xi32, #tpu.memory_space<hbm>> -> memref<80x256xi32, #tpu.memory_space<hbm>>
      %dma_start3A_16 = arith.constant 0 : i32
      %dma_start3A_17 = arith.constant 0 : i32
      %dma_start3A_18 = tpu.memref_slice %arg4[%arg1, %dma_start3A_16, %dma_start3A_17] : memref<16x80x256xi32, #tpu.memory_space<hbm>> -> memref<1x80x256xi32, #tpu.memory_space<hbm>>
      %dma_start3A_19 = tpu.memref_squeeze %dma_start3A_18 : memref<1x80x256xi32, #tpu.memory_space<hbm>> -> memref<80x256xi32, #tpu.memory_space<hbm>>
      tpu.enqueue_dma source(%dma_start3A_19 : memref<80x256xi32, #tpu.memory_space<hbm>>) target(%arg8 : memref<80x256xi32, #tpu.memory_space<vmem>>) target_semaphore(%run_scoped3A : memref<!tpu.dma_semaphore, #tpu.memory_space<semaphore_mem>>)
      %dma_wait3A = arith.constant 0 : i32
      %dma_wait3A_20 = arith.constant 0 : i32
      %dma_wait3A_21 = tpu.memref_slice %arg4[%arg1, %dma_wait3A, %dma_wait3A_20] : memref<16x80x256xi32, #tpu.memory_space<hbm>> -> memref<1x80x256xi32, #tpu.memory_space<hbm>>
      %dma_wait3A_22 = tpu.memref_squeeze %dma_wait3A_21 : memref<1x80x256xi32, #tpu.memory_space<hbm>> -> memref<80x256xi32, #tpu.memory_space<hbm>>
      %dma_wait3A_23 = arith.constant 0 : i32
      %dma_wait3A_24 = arith.constant 0 : i32
      %dma_wait3A_25 = tpu.memref_slice %arg4[%arg1, %dma_wait3A_23, %dma_wait3A_24] : memref<16x80x256xi32, #tpu.memory_space<hbm>> -> memref<1x80x256xi32, #tpu.memory_space<hbm>>
      %dma_wait3A_26 = tpu.memref_squeeze %dma_wait3A_25 : memref<1x80x256xi32, #tpu.memory_space<hbm>> -> memref<80x256xi32, #tpu.memory_space<hbm>>
      tpu.wait_dma2 semaphore(%run_scoped3A : memref<!tpu.dma_semaphore, #tpu.memory_space<semaphore_mem>>) src(%dma_wait3A_26 : memref<80x256xi32, #tpu.memory_space<hbm>>) dst(%arg8 : memref<80x256xi32, #tpu.memory_space<vmem>>)
      tpu.yield
    }) : () -> ()
    "tpu.region"() ({
      %run_scoped3A = tpu.sem_alloc : memref<!tpu.dma_semaphore, #tpu.memory_space<semaphore_mem>>
      %dma_start3A = arith.constant 0 : i32
      %dma_start3A_13 = arith.constant 0 : i32
      %dma_start3A_14 = tpu.memref_slice %arg5[%arg1, %dma_start3A, %dma_start3A_13] : memref<16x80x256xi32, #tpu.memory_space<hbm>> -> memref<1x80x256xi32, #tpu.memory_space<hbm>>
      %dma_start3A_15 = tpu.memref_squeeze %dma_start3A_14 : memref<1x80x256xi32, #tpu.memory_space<hbm>> -> memref<80x256xi32, #tpu.memory_space<hbm>>
      %dma_start3A_16 = arith.constant 0 : i32
      %dma_start3A_17 = arith.constant 0 : i32
      %dma_start3A_18 = tpu.memref_slice %arg5[%arg1, %dma_start3A_16, %dma_start3A_17] : memref<16x80x256xi32, #tpu.memory_space<hbm>> -> memref<1x80x256xi32, #tpu.memory_space<hbm>>
      %dma_start3A_19 = tpu.memref_squeeze %dma_start3A_18 : memref<1x80x256xi32, #tpu.memory_space<hbm>> -> memref<80x256xi32, #tpu.memory_space<hbm>>
      tpu.enqueue_dma source(%dma_start3A_19 : memref<80x256xi32, #tpu.memory_space<hbm>>) target(%arg9 : memref<80x256xi32, #tpu.memory_space<vmem>>) target_semaphore(%run_scoped3A : memref<!tpu.dma_semaphore, #tpu.memory_space<semaphore_mem>>)
      %dma_wait3A = arith.constant 0 : i32
      %dma_wait3A_20 = arith.constant 0 : i32
      %dma_wait3A_21 = tpu.memref_slice %arg5[%arg1, %dma_wait3A, %dma_wait3A_20] : memref<16x80x256xi32, #tpu.memory_space<hbm>> -> memref<1x80x256xi32, #tpu.memory_space<hbm>>
      %dma_wait3A_22 = tpu.memref_squeeze %dma_wait3A_21 : memref<1x80x256xi32, #tpu.memory_space<hbm>> -> memref<80x256xi32, #tpu.memory_space<hbm>>
      %dma_wait3A_23 = arith.constant 0 : i32
      %dma_wait3A_24 = arith.constant 0 : i32
      %dma_wait3A_25 = tpu.memref_slice %arg5[%arg1, %dma_wait3A_23, %dma_wait3A_24] : memref<16x80x256xi32, #tpu.memory_space<hbm>> -> memref<1x80x256xi32, #tpu.memory_space<hbm>>
      %dma_wait3A_26 = tpu.memref_squeeze %dma_wait3A_25 : memref<1x80x256xi32, #tpu.memory_space<hbm>> -> memref<80x256xi32, #tpu.memory_space<hbm>>
      tpu.wait_dma2 semaphore(%run_scoped3A : memref<!tpu.dma_semaphore, #tpu.memory_space<semaphore_mem>>) src(%dma_wait3A_26 : memref<80x256xi32, #tpu.memory_space<hbm>>) dst(%arg9 : memref<80x256xi32, #tpu.memory_space<vmem>>)
      tpu.yield
    }) : () -> ()
    %mul3A = arith.constant 632 : i32
    %mul3A_0 = arith.muli %arg1, %mul3A : i32
    "tpu.region"() ({
      %run_scoped3A = tpu.sem_alloc : memref<!tpu.dma_semaphore, #tpu.memory_space<semaphore_mem>>
      %dma_start3A = arith.constant 0 : i32
      %dma_start3A_13 = tpu.memref_slice %arg12[%mul3A_0, %dma_start3A] : memref<10112x64xf32, #tpu.memory_space<vmem_shared>> -> memref<632x64xf32, #tpu.memory_space<vmem_shared>>
      tpu.enqueue_dma source(%arg6 : memref<632x64xf32, #tpu.memory_space<hbm>>) target(%dma_start3A_13 : memref<632x64xf32, #tpu.memory_space<vmem_shared>>) target_semaphore(%run_scoped3A : memref<!tpu.dma_semaphore, #tpu.memory_space<semaphore_mem>>)
      %dma_wait3A = arith.constant 0 : i32
      %dma_wait3A_14 = tpu.memref_slice %arg12[%mul3A_0, %dma_wait3A] : memref<10112x64xf32, #tpu.memory_space<vmem_shared>> -> memref<632x64xf32, #tpu.memory_space<vmem_shared>>
      tpu.wait_dma2 semaphore(%run_scoped3A : memref<!tpu.dma_semaphore, #tpu.memory_space<semaphore_mem>>) src(%arg6 : memref<632x64xf32, #tpu.memory_space<hbm>>) dst(%dma_wait3A_14 : memref<632x64xf32, #tpu.memory_space<vmem_shared>>)
      tpu.yield
    }) : () -> ()
    %barrier3A = arith.constant 0 : index
    tpu.barrier barrier_id(%barrier3A)
    %eq3A = arith.constant 0 : i32
    %eq3A_1 = arith.cmpi eq, %arg0, %eq3A : i32
    %convert_element_type3A = arith.extui %eq3A_1 : i1 to i32
    %cond3A = arith.constant 0 : i32
    %cond3A_2 = arith.cmpi ne, %convert_element_type3A, %cond3A : i32
    scf.if %cond3A_2 {
      %dma_start3A = arith.constant 0 : i32
      %dma_start3A_13 = arith.constant 0 : i32
      %dma_start3A_14 = tpu.memref_slice %arg8[%dma_start3A, %dma_start3A_13] : memref<80x256xi32, #tpu.memory_space<vmem>> -> memref<1x256xi32, #tpu.memory_space<vmem>>
      %dma_start3A_15 = tpu.memref_squeeze %dma_start3A_14 : memref<1x256xi32, #tpu.memory_space<vmem>> -> memref<256xi32, #tpu.memory_space<vmem>>
      %dma_start3A_16 = arith.constant 0 : i32
      %dma_start3A_17 = arith.constant 0 : i32
      %dma_start3A_18 = tpu.memref_slice %arg2[%dma_start3A_16, %dma_start3A_17] : memref<10000x64xf32, #tpu.memory_space<hbm>> -> memref<10000x64xf32, #tpu.memory_space<hbm>>
      tpu.enqueue_indirect_dma source(%dma_start3A_18 : memref<10000x64xf32, #tpu.memory_space<hbm>>) target(%arg10 : memref<256x64xf32, #tpu.memory_space<vmem>>) offsets(%dma_start3A_15 : memref<256xi32, #tpu.memory_space<vmem>>) semaphore(%arg13 : memref<!tpu.dma_semaphore, #tpu.memory_space<semaphore_mem>>)
      %dma_start3A_19 = arith.constant 1 : i32
      %dma_start3A_20 = arith.constant 0 : i32
      %dma_start3A_21 = tpu.memref_slice %arg8[%dma_start3A_19, %dma_start3A_20] : memref<80x256xi32, #tpu.memory_space<vmem>> -> memref<1x256xi32, #tpu.memory_space<vmem>>
      %dma_start3A_22 = tpu.memref_squeeze %dma_start3A_21 : memref<1x256xi32, #tpu.memory_space<vmem>> -> memref<256xi32, #tpu.memory_space<vmem>>
      %dma_start3A_23 = arith.constant 0 : i32
      %dma_start3A_24 = arith.constant 0 : i32
      %dma_start3A_25 = tpu.memref_slice %arg2[%dma_start3A_23, %dma_start3A_24] : memref<10000x64xf32, #tpu.memory_space<hbm>> -> memref<10000x64xf32, #tpu.memory_space<hbm>>
      tpu.enqueue_indirect_dma source(%dma_start3A_25 : memref<10000x64xf32, #tpu.memory_space<hbm>>) target(%arg11 : memref<256x64xf32, #tpu.memory_space<vmem>>) offsets(%dma_start3A_22 : memref<256xi32, #tpu.memory_space<vmem>>) semaphore(%arg14 : memref<!tpu.dma_semaphore, #tpu.memory_space<semaphore_mem>>)
      %scan3A = arith.constant 0 : i32
      %scan3A_26 = arith.constant 0 : i32
      %scan3A_27 = arith.constant 40 : i32
      %scan3A_28 = arith.addi %scan3A_26, %scan3A_27 : i32
      %scan3A_29 = arith.constant 1 : i32
      scf.for %scan3A_31 = %scan3A_26 to %scan3A_28 step %scan3A_29  : i32 {
        %mul3A_32 = arith.constant 2 : i32
        %mul3A_33 = arith.muli %scan3A_31, %mul3A_32 : i32
        %add3A = arith.constant 0 : i32
        %add3A_34 = arith.addi %mul3A_33, %add3A : i32
        %dma_wait3A = arith.constant 0 : i32
        %dma_wait3A_35 = tpu.memref_slice %arg8[%add3A_34, %dma_wait3A] : memref<80x256xi32, #tpu.memory_space<vmem>> -> memref<1x256xi32, #tpu.memory_space<vmem>>
        %dma_wait3A_36 = tpu.memref_squeeze %dma_wait3A_35 : memref<1x256xi32, #tpu.memory_space<vmem>> -> memref<256xi32, #tpu.memory_space<vmem>>
        %dma_wait3A_37 = arith.constant 0 : i32
        %dma_wait3A_38 = arith.constant 0 : i32
        %dma_wait3A_39 = tpu.memref_slice %arg2[%dma_wait3A_37, %dma_wait3A_38] : memref<10000x64xf32, #tpu.memory_space<hbm>> -> memref<10000x64xf32, #tpu.memory_space<hbm>>
        tpu.wait_indirect_dma semaphore(%arg13 : memref<!tpu.dma_semaphore, #tpu.memory_space<semaphore_mem>>) src(%dma_wait3A_39 : memref<10000x64xf32, #tpu.memory_space<hbm>>) dst(%arg10 : memref<256x64xf32, #tpu.memory_space<vmem>>)
        "tpu.region"() ({
          %run_scoped3A = tpu.sem_alloc : memref<!tpu.dma_semaphore, #tpu.memory_space<semaphore_mem>>
          %dma_start3A_63 = arith.constant 0 : i32
          %dma_start3A_64 = tpu.memref_slice %arg9[%add3A_34, %dma_start3A_63] : memref<80x256xi32, #tpu.memory_space<vmem>> -> memref<1x256xi32, #tpu.memory_space<vmem>>
          %dma_start3A_65 = tpu.memref_squeeze %dma_start3A_64 : memref<1x256xi32, #tpu.memory_space<vmem>> -> memref<256xi32, #tpu.memory_space<vmem>>
          %dma_start3A_66 = arith.constant 0 : i32
          %dma_start3A_67 = arith.constant 0 : i32
          %dma_start3A_68 = tpu.memref_slice %arg12[%dma_start3A_66, %dma_start3A_67] : memref<10112x64xf32, #tpu.memory_space<vmem_shared>> -> memref<10112x64xf32, #tpu.memory_space<vmem_shared>>
          tpu.enqueue_indirect_dma source(%arg10 : memref<256x64xf32, #tpu.memory_space<vmem>>) target(%dma_start3A_68 : memref<10112x64xf32, #tpu.memory_space<vmem_shared>>) offsets(%dma_start3A_65 : memref<256xi32, #tpu.memory_space<vmem>>) semaphore(%run_scoped3A : memref<!tpu.dma_semaphore, #tpu.memory_space<semaphore_mem>>) {add = true}
          %dma_wait3A_69 = arith.constant 0 : i32
          %dma_wait3A_70 = tpu.memref_slice %arg9[%add3A_34, %dma_wait3A_69] : memref<80x256xi32, #tpu.memory_space<vmem>> -> memref<1x256xi32, #tpu.memory_space<vmem>>
          %dma_wait3A_71 = tpu.memref_squeeze %dma_wait3A_70 : memref<1x256xi32, #tpu.memory_space<vmem>> -> memref<256xi32, #tpu.memory_space<vmem>>
          %dma_wait3A_72 = arith.constant 0 : i32
          %dma_wait3A_73 = arith.constant 0 : i32
          %dma_wait3A_74 = tpu.memref_slice %arg12[%dma_wait3A_72, %dma_wait3A_73] : memref<10112x64xf32, #tpu.memory_space<vmem_shared>> -> memref<10112x64xf32, #tpu.memory_space<vmem_shared>>
          tpu.wait_indirect_dma semaphore(%run_scoped3A : memref<!tpu.dma_semaphore, #tpu.memory_space<semaphore_mem>>) src(%arg10 : memref<256x64xf32, #tpu.memory_space<vmem>>) dst(%dma_wait3A_74 : memref<10112x64xf32, #tpu.memory_space<vmem_shared>>)
          tpu.yield
        }) : () -> ()
        %add3A_40 = arith.constant 2 : i32
        %add3A_41 = arith.addi %add3A_34, %add3A_40 : i32
        %lt3A = arith.constant 80 : i32
        %lt3A_42 = arith.cmpi slt, %add3A_41, %lt3A : i32
        %convert_element_type3A_43 = arith.extui %lt3A_42 : i1 to i32
        %cond3A_44 = arith.constant 0 : i32
        %cond3A_45 = arith.cmpi ne, %convert_element_type3A_43, %cond3A_44 : i32
        scf.if %cond3A_45 {
          %add3A_63 = arith.constant 2 : i32
          %add3A_64 = arith.addi %add3A_34, %add3A_63 : i32
          %dma_start3A_65 = arith.constant 0 : i32
          %dma_start3A_66 = tpu.memref_slice %arg8[%add3A_64, %dma_start3A_65] : memref<80x256xi32, #tpu.memory_space<vmem>> -> memref<1x256xi32, #tpu.memory_space<vmem>>
          %dma_start3A_67 = tpu.memref_squeeze %dma_start3A_66 : memref<1x256xi32, #tpu.memory_space<vmem>> -> memref<256xi32, #tpu.memory_space<vmem>>
          %dma_start3A_68 = arith.constant 0 : i32
          %dma_start3A_69 = arith.constant 0 : i32
          %dma_start3A_70 = tpu.memref_slice %arg2[%dma_start3A_68, %dma_start3A_69] : memref<10000x64xf32, #tpu.memory_space<hbm>> -> memref<10000x64xf32, #tpu.memory_space<hbm>>
          tpu.enqueue_indirect_dma source(%dma_start3A_70 : memref<10000x64xf32, #tpu.memory_space<hbm>>) target(%arg10 : memref<256x64xf32, #tpu.memory_space<vmem>>) offsets(%dma_start3A_67 : memref<256xi32, #tpu.memory_space<vmem>>) semaphore(%arg13 : memref<!tpu.dma_semaphore, #tpu.memory_space<semaphore_mem>>)
        } else {
        }
        %mul3A_46 = arith.constant 2 : i32
        %mul3A_47 = arith.muli %scan3A_31, %mul3A_46 : i32
        %add3A_48 = arith.constant 1 : i32
        %add3A_49 = arith.addi %mul3A_47, %add3A_48 : i32
        %dma_wait3A_50 = arith.constant 0 : i32
        %dma_wait3A_51 = tpu.memref_slice %arg8[%add3A_49, %dma_wait3A_50] : memref<80x256xi32, #tpu.memory_space<vmem>> -> memref<1x256xi32, #tpu.memory_space<vmem>>
        %dma_wait3A_52 = tpu.memref_squeeze %dma_wait3A_51 : memref<1x256xi32, #tpu.memory_space<vmem>> -> memref<256xi32, #tpu.memory_space<vmem>>
        %dma_wait3A_53 = arith.constant 0 : i32
        %dma_wait3A_54 = arith.constant 0 : i32
        %dma_wait3A_55 = tpu.memref_slice %arg2[%dma_wait3A_53, %dma_wait3A_54] : memref<10000x64xf32, #tpu.memory_space<hbm>> -> memref<10000x64xf32, #tpu.memory_space<hbm>>
        tpu.wait_indirect_dma semaphore(%arg14 : memref<!tpu.dma_semaphore, #tpu.memory_space<semaphore_mem>>) src(%dma_wait3A_55 : memref<10000x64xf32, #tpu.memory_space<hbm>>) dst(%arg11 : memref<256x64xf32, #tpu.memory_space<vmem>>)
        "tpu.region"() ({
          %run_scoped3A = tpu.sem_alloc : memref<!tpu.dma_semaphore, #tpu.memory_space<semaphore_mem>>
          %dma_start3A_63 = arith.constant 0 : i32
          %dma_start3A_64 = tpu.memref_slice %arg9[%add3A_49, %dma_start3A_63] : memref<80x256xi32, #tpu.memory_space<vmem>> -> memref<1x256xi32, #tpu.memory_space<vmem>>
          %dma_start3A_65 = tpu.memref_squeeze %dma_start3A_64 : memref<1x256xi32, #tpu.memory_space<vmem>> -> memref<256xi32, #tpu.memory_space<vmem>>
          %dma_start3A_66 = arith.constant 0 : i32
          %dma_start3A_67 = arith.constant 0 : i32
          %dma_start3A_68 = tpu.memref_slice %arg12[%dma_start3A_66, %dma_start3A_67] : memref<10112x64xf32, #tpu.memory_space<vmem_shared>> -> memref<10112x64xf32, #tpu.memory_space<vmem_shared>>
          tpu.enqueue_indirect_dma source(%arg11 : memref<256x64xf32, #tpu.memory_space<vmem>>) target(%dma_start3A_68 : memref<10112x64xf32, #tpu.memory_space<vmem_shared>>) offsets(%dma_start3A_65 : memref<256xi32, #tpu.memory_space<vmem>>) semaphore(%run_scoped3A : memref<!tpu.dma_semaphore, #tpu.memory_space<semaphore_mem>>) {add = true}
          %dma_wait3A_69 = arith.constant 0 : i32
          %dma_wait3A_70 = tpu.memref_slice %arg9[%add3A_49, %dma_wait3A_69] : memref<80x256xi32, #tpu.memory_space<vmem>> -> memref<1x256xi32, #tpu.memory_space<vmem>>
          %dma_wait3A_71 = tpu.memref_squeeze %dma_wait3A_70 : memref<1x256xi32, #tpu.memory_space<vmem>> -> memref<256xi32, #tpu.memory_space<vmem>>
          %dma_wait3A_72 = arith.constant 0 : i32
          %dma_wait3A_73 = arith.constant 0 : i32
          %dma_wait3A_74 = tpu.memref_slice %arg12[%dma_wait3A_72, %dma_wait3A_73] : memref<10112x64xf32, #tpu.memory_space<vmem_shared>> -> memref<10112x64xf32, #tpu.memory_space<vmem_shared>>
          tpu.wait_indirect_dma semaphore(%run_scoped3A : memref<!tpu.dma_semaphore, #tpu.memory_space<semaphore_mem>>) src(%arg11 : memref<256x64xf32, #tpu.memory_space<vmem>>) dst(%dma_wait3A_74 : memref<10112x64xf32, #tpu.memory_space<vmem_shared>>)
          tpu.yield
        }) : () -> ()
        %add3A_56 = arith.constant 2 : i32
        %add3A_57 = arith.addi %add3A_49, %add3A_56 : i32
        %lt3A_58 = arith.constant 80 : i32
        %lt3A_59 = arith.cmpi slt, %add3A_57, %lt3A_58 : i32
        %convert_element_type3A_60 = arith.extui %lt3A_59 : i1 to i32
        %cond3A_61 = arith.constant 0 : i32
        %cond3A_62 = arith.cmpi ne, %convert_element_type3A_60, %cond3A_61 : i32
        scf.if %cond3A_62 {
          %add3A_63 = arith.constant 2 : i32
          %add3A_64 = arith.addi %add3A_49, %add3A_63 : i32
          %dma_start3A_65 = arith.constant 0 : i32
          %dma_start3A_66 = tpu.memref_slice %arg8[%add3A_64, %dma_start3A_65] : memref<80x256xi32, #tpu.memory_space<vmem>> -> memref<1x256xi32, #tpu.memory_space<vmem>>
          %dma_start3A_67 = tpu.memref_squeeze %dma_start3A_66 : memref<1x256xi32, #tpu.memory_space<vmem>> -> memref<256xi32, #tpu.memory_space<vmem>>
          %dma_start3A_68 = arith.constant 0 : i32
          %dma_start3A_69 = arith.constant 0 : i32
          %dma_start3A_70 = tpu.memref_slice %arg2[%dma_start3A_68, %dma_start3A_69] : memref<10000x64xf32, #tpu.memory_space<hbm>> -> memref<10000x64xf32, #tpu.memory_space<hbm>>
          tpu.enqueue_indirect_dma source(%dma_start3A_70 : memref<10000x64xf32, #tpu.memory_space<hbm>>) target(%arg11 : memref<256x64xf32, #tpu.memory_space<vmem>>) offsets(%dma_start3A_67 : memref<256xi32, #tpu.memory_space<vmem>>) semaphore(%arg14 : memref<!tpu.dma_semaphore, #tpu.memory_space<semaphore_mem>>)
        } else {
        }
      }
      %scan3A_30 = arith.constant 40 : i32
    } else {
    }
    %eq3A_3 = arith.constant 1 : i32
    %eq3A_4 = arith.cmpi eq, %arg0, %eq3A_3 : i32
    %convert_element_type3A_5 = arith.extui %eq3A_4 : i1 to i32
    %cond3A_6 = arith.constant 0 : i32
    %cond3A_7 = arith.cmpi ne, %convert_element_type3A_5, %cond3A_6 : i32
    scf.if %cond3A_7 {
      %dma_start3A = arith.constant 0 : i32
      %dma_start3A_13 = arith.constant 0 : i32
      %dma_start3A_14 = tpu.memref_slice %arg8[%dma_start3A, %dma_start3A_13] : memref<80x256xi32, #tpu.memory_space<vmem>> -> memref<1x256xi32, #tpu.memory_space<vmem>>
      %dma_start3A_15 = tpu.memref_squeeze %dma_start3A_14 : memref<1x256xi32, #tpu.memory_space<vmem>> -> memref<256xi32, #tpu.memory_space<vmem>>
      %dma_start3A_16 = arith.constant 0 : i32
      %dma_start3A_17 = arith.constant 0 : i32
      %dma_start3A_18 = tpu.memref_slice %arg3[%dma_start3A_16, %dma_start3A_17] : memref<10000x64xf32, #tpu.memory_space<hbm>> -> memref<10000x64xf32, #tpu.memory_space<hbm>>
      tpu.enqueue_indirect_dma source(%dma_start3A_18 : memref<10000x64xf32, #tpu.memory_space<hbm>>) target(%arg10 : memref<256x64xf32, #tpu.memory_space<vmem>>) offsets(%dma_start3A_15 : memref<256xi32, #tpu.memory_space<vmem>>) semaphore(%arg13 : memref<!tpu.dma_semaphore, #tpu.memory_space<semaphore_mem>>)
      %dma_start3A_19 = arith.constant 1 : i32
      %dma_start3A_20 = arith.constant 0 : i32
      %dma_start3A_21 = tpu.memref_slice %arg8[%dma_start3A_19, %dma_start3A_20] : memref<80x256xi32, #tpu.memory_space<vmem>> -> memref<1x256xi32, #tpu.memory_space<vmem>>
      %dma_start3A_22 = tpu.memref_squeeze %dma_start3A_21 : memref<1x256xi32, #tpu.memory_space<vmem>> -> memref<256xi32, #tpu.memory_space<vmem>>
      %dma_start3A_23 = arith.constant 0 : i32
      %dma_start3A_24 = arith.constant 0 : i32
      %dma_start3A_25 = tpu.memref_slice %arg3[%dma_start3A_23, %dma_start3A_24] : memref<10000x64xf32, #tpu.memory_space<hbm>> -> memref<10000x64xf32, #tpu.memory_space<hbm>>
      tpu.enqueue_indirect_dma source(%dma_start3A_25 : memref<10000x64xf32, #tpu.memory_space<hbm>>) target(%arg11 : memref<256x64xf32, #tpu.memory_space<vmem>>) offsets(%dma_start3A_22 : memref<256xi32, #tpu.memory_space<vmem>>) semaphore(%arg14 : memref<!tpu.dma_semaphore, #tpu.memory_space<semaphore_mem>>)
      %scan3A = arith.constant 0 : i32
      %scan3A_26 = arith.constant 0 : i32
      %scan3A_27 = arith.constant 40 : i32
      %scan3A_28 = arith.addi %scan3A_26, %scan3A_27 : i32
      %scan3A_29 = arith.constant 1 : i32
      scf.for %scan3A_31 = %scan3A_26 to %scan3A_28 step %scan3A_29  : i32 {
        %mul3A_32 = arith.constant 2 : i32
        %mul3A_33 = arith.muli %scan3A_31, %mul3A_32 : i32
        %add3A = arith.constant 0 : i32
        %add3A_34 = arith.addi %mul3A_33, %add3A : i32
        %dma_wait3A = arith.constant 0 : i32
        %dma_wait3A_35 = tpu.memref_slice %arg8[%add3A_34, %dma_wait3A] : memref<80x256xi32, #tpu.memory_space<vmem>> -> memref<1x256xi32, #tpu.memory_space<vmem>>
        %dma_wait3A_36 = tpu.memref_squeeze %dma_wait3A_35 : memref<1x256xi32, #tpu.memory_space<vmem>> -> memref<256xi32, #tpu.memory_space<vmem>>
        %dma_wait3A_37 = arith.constant 0 : i32
        %dma_wait3A_38 = arith.constant 0 : i32
        %dma_wait3A_39 = tpu.memref_slice %arg3[%dma_wait3A_37, %dma_wait3A_38] : memref<10000x64xf32, #tpu.memory_space<hbm>> -> memref<10000x64xf32, #tpu.memory_space<hbm>>
        tpu.wait_indirect_dma semaphore(%arg13 : memref<!tpu.dma_semaphore, #tpu.memory_space<semaphore_mem>>) src(%dma_wait3A_39 : memref<10000x64xf32, #tpu.memory_space<hbm>>) dst(%arg10 : memref<256x64xf32, #tpu.memory_space<vmem>>)
        "tpu.region"() ({
          %run_scoped3A = tpu.sem_alloc : memref<!tpu.dma_semaphore, #tpu.memory_space<semaphore_mem>>
          %dma_start3A_63 = arith.constant 0 : i32
          %dma_start3A_64 = tpu.memref_slice %arg9[%add3A_34, %dma_start3A_63] : memref<80x256xi32, #tpu.memory_space<vmem>> -> memref<1x256xi32, #tpu.memory_space<vmem>>
          %dma_start3A_65 = tpu.memref_squeeze %dma_start3A_64 : memref<1x256xi32, #tpu.memory_space<vmem>> -> memref<256xi32, #tpu.memory_space<vmem>>
          %dma_start3A_66 = arith.constant 0 : i32
          %dma_start3A_67 = arith.constant 0 : i32
          %dma_start3A_68 = tpu.memref_slice %arg12[%dma_start3A_66, %dma_start3A_67] : memref<10112x64xf32, #tpu.memory_space<vmem_shared>> -> memref<10112x64xf32, #tpu.memory_space<vmem_shared>>
          tpu.enqueue_indirect_dma source(%arg10 : memref<256x64xf32, #tpu.memory_space<vmem>>) target(%dma_start3A_68 : memref<10112x64xf32, #tpu.memory_space<vmem_shared>>) offsets(%dma_start3A_65 : memref<256xi32, #tpu.memory_space<vmem>>) semaphore(%run_scoped3A : memref<!tpu.dma_semaphore, #tpu.memory_space<semaphore_mem>>) {add = true}
          %dma_wait3A_69 = arith.constant 0 : i32
          %dma_wait3A_70 = tpu.memref_slice %arg9[%add3A_34, %dma_wait3A_69] : memref<80x256xi32, #tpu.memory_space<vmem>> -> memref<1x256xi32, #tpu.memory_space<vmem>>
          %dma_wait3A_71 = tpu.memref_squeeze %dma_wait3A_70 : memref<1x256xi32, #tpu.memory_space<vmem>> -> memref<256xi32, #tpu.memory_space<vmem>>
          %dma_wait3A_72 = arith.constant 0 : i32
          %dma_wait3A_73 = arith.constant 0 : i32
          %dma_wait3A_74 = tpu.memref_slice %arg12[%dma_wait3A_72, %dma_wait3A_73] : memref<10112x64xf32, #tpu.memory_space<vmem_shared>> -> memref<10112x64xf32, #tpu.memory_space<vmem_shared>>
          tpu.wait_indirect_dma semaphore(%run_scoped3A : memref<!tpu.dma_semaphore, #tpu.memory_space<semaphore_mem>>) src(%arg10 : memref<256x64xf32, #tpu.memory_space<vmem>>) dst(%dma_wait3A_74 : memref<10112x64xf32, #tpu.memory_space<vmem_shared>>)
          tpu.yield
        }) : () -> ()
        %add3A_40 = arith.constant 2 : i32
        %add3A_41 = arith.addi %add3A_34, %add3A_40 : i32
        %lt3A = arith.constant 80 : i32
        %lt3A_42 = arith.cmpi slt, %add3A_41, %lt3A : i32
        %convert_element_type3A_43 = arith.extui %lt3A_42 : i1 to i32
        %cond3A_44 = arith.constant 0 : i32
        %cond3A_45 = arith.cmpi ne, %convert_element_type3A_43, %cond3A_44 : i32
        scf.if %cond3A_45 {
          %add3A_63 = arith.constant 2 : i32
          %add3A_64 = arith.addi %add3A_34, %add3A_63 : i32
          %dma_start3A_65 = arith.constant 0 : i32
          %dma_start3A_66 = tpu.memref_slice %arg8[%add3A_64, %dma_start3A_65] : memref<80x256xi32, #tpu.memory_space<vmem>> -> memref<1x256xi32, #tpu.memory_space<vmem>>
          %dma_start3A_67 = tpu.memref_squeeze %dma_start3A_66 : memref<1x256xi32, #tpu.memory_space<vmem>> -> memref<256xi32, #tpu.memory_space<vmem>>
          %dma_start3A_68 = arith.constant 0 : i32
          %dma_start3A_69 = arith.constant 0 : i32
          %dma_start3A_70 = tpu.memref_slice %arg3[%dma_start3A_68, %dma_start3A_69] : memref<10000x64xf32, #tpu.memory_space<hbm>> -> memref<10000x64xf32, #tpu.memory_space<hbm>>
          tpu.enqueue_indirect_dma source(%dma_start3A_70 : memref<10000x64xf32, #tpu.memory_space<hbm>>) target(%arg10 : memref<256x64xf32, #tpu.memory_space<vmem>>) offsets(%dma_start3A_67 : memref<256xi32, #tpu.memory_space<vmem>>) semaphore(%arg13 : memref<!tpu.dma_semaphore, #tpu.memory_space<semaphore_mem>>)
        } else {
        }
        %mul3A_46 = arith.constant 2 : i32
        %mul3A_47 = arith.muli %scan3A_31, %mul3A_46 : i32
        %add3A_48 = arith.constant 1 : i32
        %add3A_49 = arith.addi %mul3A_47, %add3A_48 : i32
        %dma_wait3A_50 = arith.constant 0 : i32
        %dma_wait3A_51 = tpu.memref_slice %arg8[%add3A_49, %dma_wait3A_50] : memref<80x256xi32, #tpu.memory_space<vmem>> -> memref<1x256xi32, #tpu.memory_space<vmem>>
        %dma_wait3A_52 = tpu.memref_squeeze %dma_wait3A_51 : memref<1x256xi32, #tpu.memory_space<vmem>> -> memref<256xi32, #tpu.memory_space<vmem>>
        %dma_wait3A_53 = arith.constant 0 : i32
        %dma_wait3A_54 = arith.constant 0 : i32
        %dma_wait3A_55 = tpu.memref_slice %arg3[%dma_wait3A_53, %dma_wait3A_54] : memref<10000x64xf32, #tpu.memory_space<hbm>> -> memref<10000x64xf32, #tpu.memory_space<hbm>>
        tpu.wait_indirect_dma semaphore(%arg14 : memref<!tpu.dma_semaphore, #tpu.memory_space<semaphore_mem>>) src(%dma_wait3A_55 : memref<10000x64xf32, #tpu.memory_space<hbm>>) dst(%arg11 : memref<256x64xf32, #tpu.memory_space<vmem>>)
        "tpu.region"() ({
          %run_scoped3A = tpu.sem_alloc : memref<!tpu.dma_semaphore, #tpu.memory_space<semaphore_mem>>
          %dma_start3A_63 = arith.constant 0 : i32
          %dma_start3A_64 = tpu.memref_slice %arg9[%add3A_49, %dma_start3A_63] : memref<80x256xi32, #tpu.memory_space<vmem>> -> memref<1x256xi32, #tpu.memory_space<vmem>>
          %dma_start3A_65 = tpu.memref_squeeze %dma_start3A_64 : memref<1x256xi32, #tpu.memory_space<vmem>> -> memref<256xi32, #tpu.memory_space<vmem>>
          %dma_start3A_66 = arith.constant 0 : i32
          %dma_start3A_67 = arith.constant 0 : i32
          %dma_start3A_68 = tpu.memref_slice %arg12[%dma_start3A_66, %dma_start3A_67] : memref<10112x64xf32, #tpu.memory_space<vmem_shared>> -> memref<10112x64xf32, #tpu.memory_space<vmem_shared>>
          tpu.enqueue_indirect_dma source(%arg11 : memref<256x64xf32, #tpu.memory_space<vmem>>) target(%dma_start3A_68 : memref<10112x64xf32, #tpu.memory_space<vmem_shared>>) offsets(%dma_start3A_65 : memref<256xi32, #tpu.memory_space<vmem>>) semaphore(%run_scoped3A : memref<!tpu.dma_semaphore, #tpu.memory_space<semaphore_mem>>) {add = true}
          %dma_wait3A_69 = arith.constant 0 : i32
          %dma_wait3A_70 = tpu.memref_slice %arg9[%add3A_49, %dma_wait3A_69] : memref<80x256xi32, #tpu.memory_space<vmem>> -> memref<1x256xi32, #tpu.memory_space<vmem>>
          %dma_wait3A_71 = tpu.memref_squeeze %dma_wait3A_70 : memref<1x256xi32, #tpu.memory_space<vmem>> -> memref<256xi32, #tpu.memory_space<vmem>>
          %dma_wait3A_72 = arith.constant 0 : i32
          %dma_wait3A_73 = arith.constant 0 : i32
          %dma_wait3A_74 = tpu.memref_slice %arg12[%dma_wait3A_72, %dma_wait3A_73] : memref<10112x64xf32, #tpu.memory_space<vmem_shared>> -> memref<10112x64xf32, #tpu.memory_space<vmem_shared>>
          tpu.wait_indirect_dma semaphore(%run_scoped3A : memref<!tpu.dma_semaphore, #tpu.memory_space<semaphore_mem>>) src(%arg11 : memref<256x64xf32, #tpu.memory_space<vmem>>) dst(%dma_wait3A_74 : memref<10112x64xf32, #tpu.memory_space<vmem_shared>>)
          tpu.yield
        }) : () -> ()
        %add3A_56 = arith.constant 2 : i32
        %add3A_57 = arith.addi %add3A_49, %add3A_56 : i32
        %lt3A_58 = arith.constant 80 : i32
        %lt3A_59 = arith.cmpi slt, %add3A_57, %lt3A_58 : i32
        %convert_element_type3A_60 = arith.extui %lt3A_59 : i1 to i32
        %cond3A_61 = arith.constant 0 : i32
        %cond3A_62 = arith.cmpi ne, %convert_element_type3A_60, %cond3A_61 : i32
        scf.if %cond3A_62 {
          %add3A_63 = arith.constant 2 : i32
          %add3A_64 = arith.addi %add3A_49, %add3A_63 : i32
          %dma_start3A_65 = arith.constant 0 : i32
          %dma_start3A_66 = tpu.memref_slice %arg8[%add3A_64, %dma_start3A_65] : memref<80x256xi32, #tpu.memory_space<vmem>> -> memref<1x256xi32, #tpu.memory_space<vmem>>
          %dma_start3A_67 = tpu.memref_squeeze %dma_start3A_66 : memref<1x256xi32, #tpu.memory_space<vmem>> -> memref<256xi32, #tpu.memory_space<vmem>>
          %dma_start3A_68 = arith.constant 0 : i32
          %dma_start3A_69 = arith.constant 0 : i32
          %dma_start3A_70 = tpu.memref_slice %arg3[%dma_start3A_68, %dma_start3A_69] : memref<10000x64xf32, #tpu.memory_space<hbm>> -> memref<10000x64xf32, #tpu.memory_space<hbm>>
          tpu.enqueue_indirect_dma source(%dma_start3A_70 : memref<10000x64xf32, #tpu.memory_space<hbm>>) target(%arg11 : memref<256x64xf32, #tpu.memory_space<vmem>>) offsets(%dma_start3A_67 : memref<256xi32, #tpu.memory_space<vmem>>) semaphore(%arg14 : memref<!tpu.dma_semaphore, #tpu.memory_space<semaphore_mem>>)
        } else {
        }
      }
      %scan3A_30 = arith.constant 40 : i32
    } else {
    }
    %barrier3A_8 = arith.constant 0 : index
    tpu.barrier barrier_id(%barrier3A_8)
    %mul3A_9 = arith.constant 632 : i32
    %mul3A_10 = arith.muli %arg1, %mul3A_9 : i32
    %mul3A_11 = arith.constant 632 : i32
    %mul3A_12 = arith.muli %arg1, %mul3A_11 : i32
    "tpu.region"() ({
      %run_scoped3A = tpu.sem_alloc : memref<!tpu.dma_semaphore, #tpu.memory_space<semaphore_mem>>
      %dma_start3A = arith.constant 0 : i32
      %dma_start3A_13 = tpu.memref_slice %arg7[%arg0, %mul3A_12, %dma_start3A] : memref<2x10112x64xf32, #tpu.memory_space<hbm>> -> memref<1x632x64xf32, #tpu.memory_space<hbm>>
      %dma_start3A_14 = tpu.memref_squeeze %dma_start3A_13 : memref<1x632x64xf32, #tpu.memory_space<hbm>> -> memref<632x64xf32, #tpu.memory_space<hbm>>
      %dma_start3A_15 = arith.constant 0 : i32
      %dma_start3A_16 = tpu.memref_slice %arg12[%mul3A_10, %dma_start3A_15] : memref<10112x64xf32, #tpu.memory_space<vmem_shared>> -> memref<632x64xf32, #tpu.memory_space<vmem_shared>>
      tpu.enqueue_dma source(%dma_start3A_16 : memref<632x64xf32, #tpu.memory_space<vmem_shared>>) target(%dma_start3A_14 : memref<632x64xf32, #tpu.memory_space<hbm>>) target_semaphore(%run_scoped3A : memref<!tpu.dma_semaphore, #tpu.memory_space<semaphore_mem>>)
      %dma_wait3A = arith.constant 0 : i32
      %dma_wait3A_17 = tpu.memref_slice %arg7[%arg0, %mul3A_12, %dma_wait3A] : memref<2x10112x64xf32, #tpu.memory_space<hbm>> -> memref<1x632x64xf32, #tpu.memory_space<hbm>>
      %dma_wait3A_18 = tpu.memref_squeeze %dma_wait3A_17 : memref<1x632x64xf32, #tpu.memory_space<hbm>> -> memref<632x64xf32, #tpu.memory_space<hbm>>
      %dma_wait3A_19 = arith.constant 0 : i32
      %dma_wait3A_20 = tpu.memref_slice %arg12[%mul3A_10, %dma_wait3A_19] : memref<10112x64xf32, #tpu.memory_space<vmem_shared>> -> memref<632x64xf32, #tpu.memory_space<vmem_shared>>
      tpu.wait_dma2 semaphore(%run_scoped3A : memref<!tpu.dma_semaphore, #tpu.memory_space<semaphore_mem>>) src(%dma_wait3A_20 : memref<632x64xf32, #tpu.memory_space<vmem_shared>>) dst(%dma_wait3A_18 : memref<632x64xf32, #tpu.memory_space<hbm>>)
      tpu.yield
    }) : () -> ()
    return
  }
}

#map = affine_map<(d0, d1) -> (0, 0, 0)>
#map1 = affine_map<(d0, d1) -> (0, 0)>
module attributes {stable_mosaic.version = 14 : i64} {
  func.func @degk(%arg0: i32, %arg1: i32, %arg2: memref<16x160x128xi32, #tpu.memory_space<hbm>>, %arg3: memref<128x8xf32, #tpu.memory_space<hbm>>, %arg4: memref<632x8xf32, #tpu.memory_space<hbm>>, %arg5: memref<2x10112x8xf32, #tpu.memory_space<hbm>>, %arg6: memref<80x128xi32, #tpu.memory_space<vmem>>, %arg7: memref<128x8xf32, #tpu.memory_space<vmem>>, %arg8: memref<10112x8xf32, #tpu.memory_space<vmem_shared>>) attributes {dimension_semantics = [#tpu.dimension_semantics<core_parallel>, #tpu.dimension_semantics<subcore_parallel>], iteration_bounds = array<i64: 2, 16>, scalar_prefetch = 0 : i64, scratch_operands = 3 : i64, tpu.core_type = #tpu.core_type<sc_vector_subcore>, window_params = [{transform_indices = #map}, {transform_indices = #map1}, {transform_indices = #map1}, {transform_indices = #map}]} {
    %mul3A = arith.constant 80 : i32
    %mul3A_0 = arith.muli %arg0, %mul3A : i32
    "tpu.region"() ({
      %run_scoped3A = tpu.sem_alloc : memref<!tpu.dma_semaphore, #tpu.memory_space<semaphore_mem>>
      %dma_start3A = arith.constant 0 : i32
      %dma_start3A_13 = tpu.memref_slice %arg2[%arg1, %mul3A_0, %dma_start3A] : memref<16x160x128xi32, #tpu.memory_space<hbm>> -> memref<1x80x128xi32, #tpu.memory_space<hbm>>
      %dma_start3A_14 = tpu.memref_squeeze %dma_start3A_13 : memref<1x80x128xi32, #tpu.memory_space<hbm>> -> memref<80x128xi32, #tpu.memory_space<hbm>>
      %dma_start3A_15 = arith.constant 0 : i32
      %dma_start3A_16 = tpu.memref_slice %arg2[%arg1, %mul3A_0, %dma_start3A_15] : memref<16x160x128xi32, #tpu.memory_space<hbm>> -> memref<1x80x128xi32, #tpu.memory_space<hbm>>
      %dma_start3A_17 = tpu.memref_squeeze %dma_start3A_16 : memref<1x80x128xi32, #tpu.memory_space<hbm>> -> memref<80x128xi32, #tpu.memory_space<hbm>>
      tpu.enqueue_dma source(%dma_start3A_17 : memref<80x128xi32, #tpu.memory_space<hbm>>) target(%arg6 : memref<80x128xi32, #tpu.memory_space<vmem>>) target_semaphore(%run_scoped3A : memref<!tpu.dma_semaphore, #tpu.memory_space<semaphore_mem>>)
      %dma_wait3A = arith.constant 0 : i32
      %dma_wait3A_18 = tpu.memref_slice %arg2[%arg1, %mul3A_0, %dma_wait3A] : memref<16x160x128xi32, #tpu.memory_space<hbm>> -> memref<1x80x128xi32, #tpu.memory_space<hbm>>
      %dma_wait3A_19 = tpu.memref_squeeze %dma_wait3A_18 : memref<1x80x128xi32, #tpu.memory_space<hbm>> -> memref<80x128xi32, #tpu.memory_space<hbm>>
      %dma_wait3A_20 = arith.constant 0 : i32
      %dma_wait3A_21 = tpu.memref_slice %arg2[%arg1, %mul3A_0, %dma_wait3A_20] : memref<16x160x128xi32, #tpu.memory_space<hbm>> -> memref<1x80x128xi32, #tpu.memory_space<hbm>>
      %dma_wait3A_22 = tpu.memref_squeeze %dma_wait3A_21 : memref<1x80x128xi32, #tpu.memory_space<hbm>> -> memref<80x128xi32, #tpu.memory_space<hbm>>
      tpu.wait_dma2 semaphore(%run_scoped3A : memref<!tpu.dma_semaphore, #tpu.memory_space<semaphore_mem>>) src(%dma_wait3A_22 : memref<80x128xi32, #tpu.memory_space<hbm>>) dst(%arg6 : memref<80x128xi32, #tpu.memory_space<vmem>>)
      tpu.yield
    }) : () -> ()
    "tpu.region"() ({
      %run_scoped3A = tpu.sem_alloc : memref<!tpu.dma_semaphore, #tpu.memory_space<semaphore_mem>>
      tpu.enqueue_dma source(%arg3 : memref<128x8xf32, #tpu.memory_space<hbm>>) target(%arg7 : memref<128x8xf32, #tpu.memory_space<vmem>>) target_semaphore(%run_scoped3A : memref<!tpu.dma_semaphore, #tpu.memory_space<semaphore_mem>>)
      tpu.wait_dma2 semaphore(%run_scoped3A : memref<!tpu.dma_semaphore, #tpu.memory_space<semaphore_mem>>) src(%arg3 : memref<128x8xf32, #tpu.memory_space<hbm>>) dst(%arg7 : memref<128x8xf32, #tpu.memory_space<vmem>>)
      tpu.yield
    }) : () -> ()
    %mul3A_1 = arith.constant 632 : i32
    %mul3A_2 = arith.muli %arg1, %mul3A_1 : i32
    "tpu.region"() ({
      %run_scoped3A = tpu.sem_alloc : memref<!tpu.dma_semaphore, #tpu.memory_space<semaphore_mem>>
      %dma_start3A = arith.constant 0 : i32
      %dma_start3A_13 = tpu.memref_slice %arg8[%mul3A_2, %dma_start3A] : memref<10112x8xf32, #tpu.memory_space<vmem_shared>> -> memref<632x8xf32, #tpu.memory_space<vmem_shared>>
      tpu.enqueue_dma source(%arg4 : memref<632x8xf32, #tpu.memory_space<hbm>>) target(%dma_start3A_13 : memref<632x8xf32, #tpu.memory_space<vmem_shared>>) target_semaphore(%run_scoped3A : memref<!tpu.dma_semaphore, #tpu.memory_space<semaphore_mem>>)
      %dma_wait3A = arith.constant 0 : i32
      %dma_wait3A_14 = tpu.memref_slice %arg8[%mul3A_2, %dma_wait3A] : memref<10112x8xf32, #tpu.memory_space<vmem_shared>> -> memref<632x8xf32, #tpu.memory_space<vmem_shared>>
      tpu.wait_dma2 semaphore(%run_scoped3A : memref<!tpu.dma_semaphore, #tpu.memory_space<semaphore_mem>>) src(%arg4 : memref<632x8xf32, #tpu.memory_space<hbm>>) dst(%dma_wait3A_14 : memref<632x8xf32, #tpu.memory_space<vmem_shared>>)
      tpu.yield
    }) : () -> ()
    %barrier3A = arith.constant 0 : index
    tpu.barrier barrier_id(%barrier3A)
    %scan3A = arith.constant 0 : i32
    %scan3A_3 = arith.constant 0 : i32
    %scan3A_4 = arith.constant 80 : i32
    %scan3A_5 = arith.addi %scan3A_3, %scan3A_4 : i32
    %scan3A_6 = arith.constant 1 : i32
    scf.for %scan3A_13 = %scan3A_3 to %scan3A_5 step %scan3A_6  : i32 {
      "tpu.region"() ({
        %run_scoped3A = tpu.sem_alloc : memref<!tpu.dma_semaphore, #tpu.memory_space<semaphore_mem>>
        %dma_start3A = arith.constant 0 : i32
        %dma_start3A_14 = tpu.memref_slice %arg6[%scan3A_13, %dma_start3A] : memref<80x128xi32, #tpu.memory_space<vmem>> -> memref<1x128xi32, #tpu.memory_space<vmem>>
        %dma_start3A_15 = tpu.memref_squeeze %dma_start3A_14 : memref<1x128xi32, #tpu.memory_space<vmem>> -> memref<128xi32, #tpu.memory_space<vmem>>
        %dma_start3A_16 = arith.constant 0 : i32
        %dma_start3A_17 = arith.constant 0 : i32
        %dma_start3A_18 = tpu.memref_slice %arg8[%dma_start3A_16, %dma_start3A_17] : memref<10112x8xf32, #tpu.memory_space<vmem_shared>> -> memref<10112x8xf32, #tpu.memory_space<vmem_shared>>
        tpu.enqueue_indirect_dma source(%arg7 : memref<128x8xf32, #tpu.memory_space<vmem>>) target(%dma_start3A_18 : memref<10112x8xf32, #tpu.memory_space<vmem_shared>>) offsets(%dma_start3A_15 : memref<128xi32, #tpu.memory_space<vmem>>) semaphore(%run_scoped3A : memref<!tpu.dma_semaphore, #tpu.memory_space<semaphore_mem>>) {add = true}
        %dma_wait3A = arith.constant 0 : i32
        %dma_wait3A_19 = tpu.memref_slice %arg6[%scan3A_13, %dma_wait3A] : memref<80x128xi32, #tpu.memory_space<vmem>> -> memref<1x128xi32, #tpu.memory_space<vmem>>
        %dma_wait3A_20 = tpu.memref_squeeze %dma_wait3A_19 : memref<1x128xi32, #tpu.memory_space<vmem>> -> memref<128xi32, #tpu.memory_space<vmem>>
        %dma_wait3A_21 = arith.constant 0 : i32
        %dma_wait3A_22 = arith.constant 0 : i32
        %dma_wait3A_23 = tpu.memref_slice %arg8[%dma_wait3A_21, %dma_wait3A_22] : memref<10112x8xf32, #tpu.memory_space<vmem_shared>> -> memref<10112x8xf32, #tpu.memory_space<vmem_shared>>
        tpu.wait_indirect_dma semaphore(%run_scoped3A : memref<!tpu.dma_semaphore, #tpu.memory_space<semaphore_mem>>) src(%arg7 : memref<128x8xf32, #tpu.memory_space<vmem>>) dst(%dma_wait3A_23 : memref<10112x8xf32, #tpu.memory_space<vmem_shared>>)
        tpu.yield
      }) : () -> ()
    }
    %scan3A_7 = arith.constant 80 : i32
    %barrier3A_8 = arith.constant 0 : index
    tpu.barrier barrier_id(%barrier3A_8)
    %mul3A_9 = arith.constant 632 : i32
    %mul3A_10 = arith.muli %arg1, %mul3A_9 : i32
    %mul3A_11 = arith.constant 632 : i32
    %mul3A_12 = arith.muli %arg1, %mul3A_11 : i32
    "tpu.region"() ({
      %run_scoped3A = tpu.sem_alloc : memref<!tpu.dma_semaphore, #tpu.memory_space<semaphore_mem>>
      %dma_start3A = arith.constant 0 : i32
      %dma_start3A_13 = tpu.memref_slice %arg5[%arg0, %mul3A_12, %dma_start3A] : memref<2x10112x8xf32, #tpu.memory_space<hbm>> -> memref<1x632x8xf32, #tpu.memory_space<hbm>>
      %dma_start3A_14 = tpu.memref_squeeze %dma_start3A_13 : memref<1x632x8xf32, #tpu.memory_space<hbm>> -> memref<632x8xf32, #tpu.memory_space<hbm>>
      %dma_start3A_15 = arith.constant 0 : i32
      %dma_start3A_16 = tpu.memref_slice %arg8[%mul3A_10, %dma_start3A_15] : memref<10112x8xf32, #tpu.memory_space<vmem_shared>> -> memref<632x8xf32, #tpu.memory_space<vmem_shared>>
      tpu.enqueue_dma source(%dma_start3A_16 : memref<632x8xf32, #tpu.memory_space<vmem_shared>>) target(%dma_start3A_14 : memref<632x8xf32, #tpu.memory_space<hbm>>) target_semaphore(%run_scoped3A : memref<!tpu.dma_semaphore, #tpu.memory_space<semaphore_mem>>)
      %dma_wait3A = arith.constant 0 : i32
      %dma_wait3A_17 = tpu.memref_slice %arg5[%arg0, %mul3A_12, %dma_wait3A] : memref<2x10112x8xf32, #tpu.memory_space<hbm>> -> memref<1x632x8xf32, #tpu.memory_space<hbm>>
      %dma_wait3A_18 = tpu.memref_squeeze %dma_wait3A_17 : memref<1x632x8xf32, #tpu.memory_space<hbm>> -> memref<632x8xf32, #tpu.memory_space<hbm>>
      %dma_wait3A_19 = arith.constant 0 : i32
      %dma_wait3A_20 = tpu.memref_slice %arg8[%mul3A_10, %dma_wait3A_19] : memref<10112x8xf32, #tpu.memory_space<vmem_shared>> -> memref<632x8xf32, #tpu.memory_space<vmem_shared>>
      tpu.wait_dma2 semaphore(%run_scoped3A : memref<!tpu.dma_semaphore, #tpu.memory_space<semaphore_mem>>) src(%dma_wait3A_20 : memref<632x8xf32, #tpu.memory_space<vmem_shared>>) dst(%dma_wait3A_18 : memref<632x8xf32, #tpu.memory_space<hbm>>)
      tpu.yield
    }) : () -> ()
    return
  }
}

#map = affine_map<(d0, d1) -> (0)>
#map1 = affine_map<(d0, d1) -> (0, 0, 0)>
module attributes {stable_mosaic.version = 14 : i64} {
  func.func @readk(%arg0: i32, %arg1: i32, %arg2: memref<10000xf32, #tpu.memory_space<hbm>>, %arg3: memref<16x160x128xi32, #tpu.memory_space<hbm>>, %arg4: memref<16x160x128xi32, #tpu.memory_space<hbm>>, %arg5: memref<2x16x16xf32, #tpu.memory_space<hbm>>, %arg6: memref<80x128xi32, #tpu.memory_space<vmem>>, %arg7: memref<80x128xi32, #tpu.memory_space<vmem>>, %arg8: memref<10000xf32, #tpu.memory_space<vmem>>, %arg9: memref<16xf32, #tpu.memory_space<vmem>>) attributes {dimension_semantics = [#tpu.dimension_semantics<core_parallel>, #tpu.dimension_semantics<subcore_parallel>], iteration_bounds = array<i64: 2, 16>, scalar_prefetch = 0 : i64, scratch_operands = 4 : i64, tpu.core_type = #tpu.core_type<sc_vector_subcore>, window_params = [{transform_indices = #map}, {transform_indices = #map1}, {transform_indices = #map1}, {transform_indices = #map1}]} {
    %mul3A = arith.constant 80 : i32
    %mul3A_0 = arith.muli %arg0, %mul3A : i32
    "tpu.region"() ({
      %run_scoped3A = tpu.sem_alloc : memref<!tpu.dma_semaphore, #tpu.memory_space<semaphore_mem>>
      %dma_start3A = arith.constant 0 : i32
      %dma_start3A_10 = tpu.memref_slice %arg3[%arg1, %mul3A_0, %dma_start3A] : memref<16x160x128xi32, #tpu.memory_space<hbm>> -> memref<1x80x128xi32, #tpu.memory_space<hbm>>
      %dma_start3A_11 = tpu.memref_squeeze %dma_start3A_10 : memref<1x80x128xi32, #tpu.memory_space<hbm>> -> memref<80x128xi32, #tpu.memory_space<hbm>>
      %dma_start3A_12 = arith.constant 0 : i32
      %dma_start3A_13 = tpu.memref_slice %arg3[%arg1, %mul3A_0, %dma_start3A_12] : memref<16x160x128xi32, #tpu.memory_space<hbm>> -> memref<1x80x128xi32, #tpu.memory_space<hbm>>
      %dma_start3A_14 = tpu.memref_squeeze %dma_start3A_13 : memref<1x80x128xi32, #tpu.memory_space<hbm>> -> memref<80x128xi32, #tpu.memory_space<hbm>>
      tpu.enqueue_dma source(%dma_start3A_14 : memref<80x128xi32, #tpu.memory_space<hbm>>) target(%arg6 : memref<80x128xi32, #tpu.memory_space<vmem>>) target_semaphore(%run_scoped3A : memref<!tpu.dma_semaphore, #tpu.memory_space<semaphore_mem>>)
      %dma_wait3A = arith.constant 0 : i32
      %dma_wait3A_15 = tpu.memref_slice %arg3[%arg1, %mul3A_0, %dma_wait3A] : memref<16x160x128xi32, #tpu.memory_space<hbm>> -> memref<1x80x128xi32, #tpu.memory_space<hbm>>
      %dma_wait3A_16 = tpu.memref_squeeze %dma_wait3A_15 : memref<1x80x128xi32, #tpu.memory_space<hbm>> -> memref<80x128xi32, #tpu.memory_space<hbm>>
      %dma_wait3A_17 = arith.constant 0 : i32
      %dma_wait3A_18 = tpu.memref_slice %arg3[%arg1, %mul3A_0, %dma_wait3A_17] : memref<16x160x128xi32, #tpu.memory_space<hbm>> -> memref<1x80x128xi32, #tpu.memory_space<hbm>>
      %dma_wait3A_19 = tpu.memref_squeeze %dma_wait3A_18 : memref<1x80x128xi32, #tpu.memory_space<hbm>> -> memref<80x128xi32, #tpu.memory_space<hbm>>
      tpu.wait_dma2 semaphore(%run_scoped3A : memref<!tpu.dma_semaphore, #tpu.memory_space<semaphore_mem>>) src(%dma_wait3A_19 : memref<80x128xi32, #tpu.memory_space<hbm>>) dst(%arg6 : memref<80x128xi32, #tpu.memory_space<vmem>>)
      tpu.yield
    }) : () -> ()
    %mul3A_1 = arith.constant 80 : i32
    %mul3A_2 = arith.muli %arg0, %mul3A_1 : i32
    "tpu.region"() ({
      %run_scoped3A = tpu.sem_alloc : memref<!tpu.dma_semaphore, #tpu.memory_space<semaphore_mem>>
      %dma_start3A = arith.constant 0 : i32
      %dma_start3A_10 = tpu.memref_slice %arg4[%arg1, %mul3A_2, %dma_start3A] : memref<16x160x128xi32, #tpu.memory_space<hbm>> -> memref<1x80x128xi32, #tpu.memory_space<hbm>>
      %dma_start3A_11 = tpu.memref_squeeze %dma_start3A_10 : memref<1x80x128xi32, #tpu.memory_space<hbm>> -> memref<80x128xi32, #tpu.memory_space<hbm>>
      %dma_start3A_12 = arith.constant 0 : i32
      %dma_start3A_13 = tpu.memref_slice %arg4[%arg1, %mul3A_2, %dma_start3A_12] : memref<16x160x128xi32, #tpu.memory_space<hbm>> -> memref<1x80x128xi32, #tpu.memory_space<hbm>>
      %dma_start3A_14 = tpu.memref_squeeze %dma_start3A_13 : memref<1x80x128xi32, #tpu.memory_space<hbm>> -> memref<80x128xi32, #tpu.memory_space<hbm>>
      tpu.enqueue_dma source(%dma_start3A_14 : memref<80x128xi32, #tpu.memory_space<hbm>>) target(%arg7 : memref<80x128xi32, #tpu.memory_space<vmem>>) target_semaphore(%run_scoped3A : memref<!tpu.dma_semaphore, #tpu.memory_space<semaphore_mem>>)
      %dma_wait3A = arith.constant 0 : i32
      %dma_wait3A_15 = tpu.memref_slice %arg4[%arg1, %mul3A_2, %dma_wait3A] : memref<16x160x128xi32, #tpu.memory_space<hbm>> -> memref<1x80x128xi32, #tpu.memory_space<hbm>>
      %dma_wait3A_16 = tpu.memref_squeeze %dma_wait3A_15 : memref<1x80x128xi32, #tpu.memory_space<hbm>> -> memref<80x128xi32, #tpu.memory_space<hbm>>
      %dma_wait3A_17 = arith.constant 0 : i32
      %dma_wait3A_18 = tpu.memref_slice %arg4[%arg1, %mul3A_2, %dma_wait3A_17] : memref<16x160x128xi32, #tpu.memory_space<hbm>> -> memref<1x80x128xi32, #tpu.memory_space<hbm>>
      %dma_wait3A_19 = tpu.memref_squeeze %dma_wait3A_18 : memref<1x80x128xi32, #tpu.memory_space<hbm>> -> memref<80x128xi32, #tpu.memory_space<hbm>>
      tpu.wait_dma2 semaphore(%run_scoped3A : memref<!tpu.dma_semaphore, #tpu.memory_space<semaphore_mem>>) src(%dma_wait3A_19 : memref<80x128xi32, #tpu.memory_space<hbm>>) dst(%arg7 : memref<80x128xi32, #tpu.memory_space<vmem>>)
      tpu.yield
    }) : () -> ()
    "tpu.region"() ({
      %run_scoped3A = tpu.sem_alloc : memref<!tpu.dma_semaphore, #tpu.memory_space<semaphore_mem>>
      tpu.enqueue_dma source(%arg2 : memref<10000xf32, #tpu.memory_space<hbm>>) target(%arg8 : memref<10000xf32, #tpu.memory_space<vmem>>) target_semaphore(%run_scoped3A : memref<!tpu.dma_semaphore, #tpu.memory_space<semaphore_mem>>)
      tpu.wait_dma2 semaphore(%run_scoped3A : memref<!tpu.dma_semaphore, #tpu.memory_space<semaphore_mem>>) src(%arg2 : memref<10000xf32, #tpu.memory_space<hbm>>) dst(%arg8 : memref<10000xf32, #tpu.memory_space<vmem>>)
      tpu.yield
    }) : () -> ()
    %broadcast_in_dim3A = arith.constant 0.000000e+00 : f32
    %broadcast_in_dim3A_3 = vector.broadcast %broadcast_in_dim3A : f32 to vector<16xf32>
    %scan3A = arith.constant 0 : i32
    %scan3A_4 = arith.constant 80 : i32
    %scan3A_5 = arith.addi %scan3A, %scan3A_4 : i32
    %scan3A_6 = arith.constant 1 : i32
    %scan3A_7 = scf.for %scan3A_10 = %scan3A to %scan3A_5 step %scan3A_6 iter_args(%scan3A_11 = %broadcast_in_dim3A_3) -> (vector<16xf32>)  : i32 {
      %get3A = arith.index_cast %scan3A_10 : i32 to index
      %get3A_12 = arith.constant 0 : index
      %get3A_13 = tpu.vector_load %arg6[%get3A, %get3A_12] {strides = array<i32>} : memref<80x128xi32, #tpu.memory_space<vmem>>, vector<16xi32>,
      %get3A_14 = arith.index_cast %scan3A_10 : i32 to index
      %get3A_15 = arith.constant 0 : index
      %get3A_16 = tpu.vector_load %arg7[%get3A_14, %get3A_15] {strides = array<i32>} : memref<80x128xi32, #tpu.memory_space<vmem>>, vector<16xi32>,
      %gather3A = tpu.vector_load_idx %arg8[%get3A_13] : memref<10000xf32, #tpu.memory_space<vmem>>[vector<16xi32>], vector<16xf32>,
      %eq3A = arith.constant 0 : i32
      %eq3A_17 = vector.broadcast %eq3A : i32 to vector<16xi32>
      %eq3A_18 = arith.cmpi eq, %get3A_16, %eq3A_17 : vector<16xi32>
      %broadcast_in_dim3A_19 = arith.constant 0.000000e+00 : f32
      %broadcast_in_dim3A_20 = vector.broadcast %broadcast_in_dim3A_19 : f32 to vector<16xf32>
      %select_n3A = arith.select %eq3A_18, %gather3A, %broadcast_in_dim3A_20 : vector<16xi1>, vector<16xf32>
      %add3A = arith.addf %scan3A_11, %select_n3A : vector<16xf32>
      %get3A_21 = arith.index_cast %scan3A_10 : i32 to index
      %get3A_22 = arith.constant 16 : index
      %get3A_23 = tpu.vector_load %arg6[%get3A_21, %get3A_22] {strides = array<i32>} : memref<80x128xi32, #tpu.memory_space<vmem>>, vector<16xi32>,
      %get3A_24 = arith.index_cast %scan3A_10 : i32 to index
      %get3A_25 = arith.constant 16 : index
      %get3A_26 = tpu.vector_load %arg7[%get3A_24, %get3A_25] {strides = array<i32>} : memref<80x128xi32, #tpu.memory_space<vmem>>, vector<16xi32>,
      %gather3A_27 = tpu.vector_load_idx %arg8[%get3A_23] : memref<10000xf32, #tpu.memory_space<vmem>>[vector<16xi32>], vector<16xf32>,
      %eq3A_28 = arith.constant 0 : i32
      %eq3A_29 = vector.broadcast %eq3A_28 : i32 to vector<16xi32>
      %eq3A_30 = arith.cmpi eq, %get3A_26, %eq3A_29 : vector<16xi32>
      %broadcast_in_dim3A_31 = arith.constant 0.000000e+00 : f32
      %broadcast_in_dim3A_32 = vector.broadcast %broadcast_in_dim3A_31 : f32 to vector<16xf32>
      %select_n3A_33 = arith.select %eq3A_30, %gather3A_27, %broadcast_in_dim3A_32 : vector<16xi1>, vector<16xf32>
      %add3A_34 = arith.addf %add3A, %select_n3A_33 : vector<16xf32>
      %get3A_35 = arith.index_cast %scan3A_10 : i32 to index
      %get3A_36 = arith.constant 32 : index
      %get3A_37 = tpu.vector_load %arg6[%get3A_35, %get3A_36] {strides = array<i32>} : memref<80x128xi32, #tpu.memory_space<vmem>>, vector<16xi32>,
      %get3A_38 = arith.index_cast %scan3A_10 : i32 to index
      %get3A_39 = arith.constant 32 : index
      %get3A_40 = tpu.vector_load %arg7[%get3A_38, %get3A_39] {strides = array<i32>} : memref<80x128xi32, #tpu.memory_space<vmem>>, vector<16xi32>,
      %gather3A_41 = tpu.vector_load_idx %arg8[%get3A_37] : memref<10000xf32, #tpu.memory_space<vmem>>[vector<16xi32>], vector<16xf32>,
      %eq3A_42 = arith.constant 0 : i32
      %eq3A_43 = vector.broadcast %eq3A_42 : i32 to vector<16xi32>
      %eq3A_44 = arith.cmpi eq, %get3A_40, %eq3A_43 : vector<16xi32>
      %broadcast_in_dim3A_45 = arith.constant 0.000000e+00 : f32
      %broadcast_in_dim3A_46 = vector.broadcast %broadcast_in_dim3A_45 : f32 to vector<16xf32>
      %select_n3A_47 = arith.select %eq3A_44, %gather3A_41, %broadcast_in_dim3A_46 : vector<16xi1>, vector<16xf32>
      %add3A_48 = arith.addf %add3A_34, %select_n3A_47 : vector<16xf32>
      %get3A_49 = arith.index_cast %scan3A_10 : i32 to index
      %get3A_50 = arith.constant 48 : index
      %get3A_51 = tpu.vector_load %arg6[%get3A_49, %get3A_50] {strides = array<i32>} : memref<80x128xi32, #tpu.memory_space<vmem>>, vector<16xi32>,
      %get3A_52 = arith.index_cast %scan3A_10 : i32 to index
      %get3A_53 = arith.constant 48 : index
      %get3A_54 = tpu.vector_load %arg7[%get3A_52, %get3A_53] {strides = array<i32>} : memref<80x128xi32, #tpu.memory_space<vmem>>, vector<16xi32>,
      %gather3A_55 = tpu.vector_load_idx %arg8[%get3A_51] : memref<10000xf32, #tpu.memory_space<vmem>>[vector<16xi32>], vector<16xf32>,
      %eq3A_56 = arith.constant 0 : i32
      %eq3A_57 = vector.broadcast %eq3A_56 : i32 to vector<16xi32>
      %eq3A_58 = arith.cmpi eq, %get3A_54, %eq3A_57 : vector<16xi32>
      %broadcast_in_dim3A_59 = arith.constant 0.000000e+00 : f32
      %broadcast_in_dim3A_60 = vector.broadcast %broadcast_in_dim3A_59 : f32 to vector<16xf32>
      %select_n3A_61 = arith.select %eq3A_58, %gather3A_55, %broadcast_in_dim3A_60 : vector<16xi1>, vector<16xf32>
      %add3A_62 = arith.addf %add3A_48, %select_n3A_61 : vector<16xf32>
      %get3A_63 = arith.index_cast %scan3A_10 : i32 to index
      %get3A_64 = arith.constant 64 : index
      %get3A_65 = tpu.vector_load %arg6[%get3A_63, %get3A_64] {strides = array<i32>} : memref<80x128xi32, #tpu.memory_space<vmem>>, vector<16xi32>,
      %get3A_66 = arith.index_cast %scan3A_10 : i32 to index
      %get3A_67 = arith.constant 64 : index
      %get3A_68 = tpu.vector_load %arg7[%get3A_66, %get3A_67] {strides = array<i32>} : memref<80x128xi32, #tpu.memory_space<vmem>>, vector<16xi32>,
      %gather3A_69 = tpu.vector_load_idx %arg8[%get3A_65] : memref<10000xf32, #tpu.memory_space<vmem>>[vector<16xi32>], vector<16xf32>,
      %eq3A_70 = arith.constant 0 : i32
      %eq3A_71 = vector.broadcast %eq3A_70 : i32 to vector<16xi32>
      %eq3A_72 = arith.cmpi eq, %get3A_68, %eq3A_71 : vector<16xi32>
      %broadcast_in_dim3A_73 = arith.constant 0.000000e+00 : f32
      %broadcast_in_dim3A_74 = vector.broadcast %broadcast_in_dim3A_73 : f32 to vector<16xf32>
      %select_n3A_75 = arith.select %eq3A_72, %gather3A_69, %broadcast_in_dim3A_74 : vector<16xi1>, vector<16xf32>
      %add3A_76 = arith.addf %add3A_62, %select_n3A_75 : vector<16xf32>
      %get3A_77 = arith.index_cast %scan3A_10 : i32 to index
      %get3A_78 = arith.constant 80 : index
      %get3A_79 = tpu.vector_load %arg6[%get3A_77, %get3A_78] {strides = array<i32>} : memref<80x128xi32, #tpu.memory_space<vmem>>, vector<16xi32>,
      %get3A_80 = arith.index_cast %scan3A_10 : i32 to index
      %get3A_81 = arith.constant 80 : index
      %get3A_82 = tpu.vector_load %arg7[%get3A_80, %get3A_81] {strides = array<i32>} : memref<80x128xi32, #tpu.memory_space<vmem>>, vector<16xi32>,
      %gather3A_83 = tpu.vector_load_idx %arg8[%get3A_79] : memref<10000xf32, #tpu.memory_space<vmem>>[vector<16xi32>], vector<16xf32>,
      %eq3A_84 = arith.constant 0 : i32
      %eq3A_85 = vector.broadcast %eq3A_84 : i32 to vector<16xi32>
      %eq3A_86 = arith.cmpi eq, %get3A_82, %eq3A_85 : vector<16xi32>
      %broadcast_in_dim3A_87 = arith.constant 0.000000e+00 : f32
      %broadcast_in_dim3A_88 = vector.broadcast %broadcast_in_dim3A_87 : f32 to vector<16xf32>
      %select_n3A_89 = arith.select %eq3A_86, %gather3A_83, %broadcast_in_dim3A_88 : vector<16xi1>, vector<16xf32>
      %add3A_90 = arith.addf %add3A_76, %select_n3A_89 : vector<16xf32>
      %get3A_91 = arith.index_cast %scan3A_10 : i32 to index
      %get3A_92 = arith.constant 96 : index
      %get3A_93 = tpu.vector_load %arg6[%get3A_91, %get3A_92] {strides = array<i32>} : memref<80x128xi32, #tpu.memory_space<vmem>>, vector<16xi32>,
      %get3A_94 = arith.index_cast %scan3A_10 : i32 to index
      %get3A_95 = arith.constant 96 : index
      %get3A_96 = tpu.vector_load %arg7[%get3A_94, %get3A_95] {strides = array<i32>} : memref<80x128xi32, #tpu.memory_space<vmem>>, vector<16xi32>,
      %gather3A_97 = tpu.vector_load_idx %arg8[%get3A_93] : memref<10000xf32, #tpu.memory_space<vmem>>[vector<16xi32>], vector<16xf32>,
      %eq3A_98 = arith.constant 0 : i32
      %eq3A_99 = vector.broadcast %eq3A_98 : i32 to vector<16xi32>
      %eq3A_100 = arith.cmpi eq, %get3A_96, %eq3A_99 : vector<16xi32>
      %broadcast_in_dim3A_101 = arith.constant 0.000000e+00 : f32
      %broadcast_in_dim3A_102 = vector.broadcast %broadcast_in_dim3A_101 : f32 to vector<16xf32>
      %select_n3A_103 = arith.select %eq3A_100, %gather3A_97, %broadcast_in_dim3A_102 : vector<16xi1>, vector<16xf32>
      %add3A_104 = arith.addf %add3A_90, %select_n3A_103 : vector<16xf32>
      %get3A_105 = arith.index_cast %scan3A_10 : i32 to index
      %get3A_106 = arith.constant 112 : index
      %get3A_107 = tpu.vector_load %arg6[%get3A_105, %get3A_106] {strides = array<i32>} : memref<80x128xi32, #tpu.memory_space<vmem>>, vector<16xi32>,
      %get3A_108 = arith.index_cast %scan3A_10 : i32 to index
      %get3A_109 = arith.constant 112 : index
      %get3A_110 = tpu.vector_load %arg7[%get3A_108, %get3A_109] {strides = array<i32>} : memref<80x128xi32, #tpu.memory_space<vmem>>, vector<16xi32>,
      %gather3A_111 = tpu.vector_load_idx %arg8[%get3A_107] : memref<10000xf32, #tpu.memory_space<vmem>>[vector<16xi32>], vector<16xf32>,
      %eq3A_112 = arith.constant 0 : i32
      %eq3A_113 = vector.broadcast %eq3A_112 : i32 to vector<16xi32>
      %eq3A_114 = arith.cmpi eq, %get3A_110, %eq3A_113 : vector<16xi32>
      %broadcast_in_dim3A_115 = arith.constant 0.000000e+00 : f32
      %broadcast_in_dim3A_116 = vector.broadcast %broadcast_in_dim3A_115 : f32 to vector<16xf32>
      %select_n3A_117 = arith.select %eq3A_114, %gather3A_111, %broadcast_in_dim3A_116 : vector<16xi1>, vector<16xf32>
      %add3A_118 = arith.addf %add3A_104, %select_n3A_117 : vector<16xf32>
      scf.yield %add3A_118 : vector<16xf32>
    }
    %scan3A_8 = arith.constant 80 : i32
    %swap3A = arith.constant 0 : index
    %swap3A_9 = tpu.vector_load %arg9[%swap3A] {strides = array<i32>} : memref<16xf32, #tpu.memory_space<vmem>>, vector<16xf32>,
    tpu.vector_store %arg9[%swap3A], %scan3A_7 {strides = array<i32>} : memref<16xf32, #tpu.memory_space<vmem>>, vector<16xf32>,
    "tpu.region"() ({
      %run_scoped3A = tpu.sem_alloc : memref<!tpu.dma_semaphore, #tpu.memory_space<semaphore_mem>>
      %dma_start3A = arith.constant 0 : i32
      %dma_start3A_10 = tpu.memref_slice %arg5[%arg0, %arg1, %dma_start3A] : memref<2x16x16xf32, #tpu.memory_space<hbm>> -> memref<1x1x16xf32, #tpu.memory_space<hbm>>
      %dma_start3A_11 = tpu.memref_squeeze %dma_start3A_10 : memref<1x1x16xf32, #tpu.memory_space<hbm>> -> memref<16xf32, #tpu.memory_space<hbm>>
      %dma_start3A_12 = arith.constant 0 : i32
      %dma_start3A_13 = tpu.memref_slice %arg5[%arg0, %arg1, %dma_start3A_12] : memref<2x16x16xf32, #tpu.memory_space<hbm>> -> memref<1x1x16xf32, #tpu.memory_space<hbm>>
      %dma_start3A_14 = tpu.memref_squeeze %dma_start3A_13 : memref<1x1x16xf32, #tpu.memory_space<hbm>> -> memref<16xf32, #tpu.memory_space<hbm>>
      tpu.enqueue_dma source(%arg9 : memref<16xf32, #tpu.memory_space<vmem>>) target(%dma_start3A_14 : memref<16xf32, #tpu.memory_space<hbm>>) target_semaphore(%run_scoped3A : memref<!tpu.dma_semaphore, #tpu.memory_space<semaphore_mem>>)
      %dma_wait3A = arith.constant 0 : i32
      %dma_wait3A_15 = tpu.memref_slice %arg5[%arg0, %arg1, %dma_wait3A] : memref<2x16x16xf32, #tpu.memory_space<hbm>> -> memref<1x1x16xf32, #tpu.memory_space<hbm>>
      %dma_wait3A_16 = tpu.memref_squeeze %dma_wait3A_15 : memref<1x1x16xf32, #tpu.memory_space<hbm>> -> memref<16xf32, #tpu.memory_space<hbm>>
      %dma_wait3A_17 = arith.constant 0 : i32
      %dma_wait3A_18 = tpu.memref_slice %arg5[%arg0, %arg1, %dma_wait3A_17] : memref<2x16x16xf32, #tpu.memory_space<hbm>> -> memref<1x1x16xf32, #tpu.memory_space<hbm>>
      %dma_wait3A_19 = tpu.memref_squeeze %dma_wait3A_18 : memref<1x1x16xf32, #tpu.memory_space<hbm>> -> memref<16xf32, #tpu.memory_space<hbm>>
      tpu.wait_dma2 semaphore(%run_scoped3A : memref<!tpu.dma_semaphore, #tpu.memory_space<semaphore_mem>>) src(%arg9 : memref<16xf32, #tpu.memory_space<vmem>>) dst(%dma_wait3A_19 : memref<16xf32, #tpu.memory_space<hbm>>)
      tpu.yield
    }) : () -> ()
    return
  }
}

#map = affine_map<(d0, d1) -> (0, 0)>
#map1 = affine_map<(d0, d1) -> (0, 0, 0)>
module attributes {stable_mosaic.version = 14 : i64} {
  func.func @scatk(%arg0: i32, %arg1: i32, %arg2: memref<10000x64xf32, #tpu.memory_space<hbm>>, %arg3: memref<10000x64xf32, #tpu.memory_space<hbm>>, %arg4: memref<16x80x256xi32, #tpu.memory_space<hbm>>, %arg5: memref<16x80x256xi32, #tpu.memory_space<hbm>>, %arg6: memref<632x64xf32, #tpu.memory_space<hbm>>, %arg7: memref<2x10112x64xf32, #tpu.memory_space<hbm>>, %arg8: memref<80x256xi32, #tpu.memory_space<vmem>>, %arg9: memref<80x256xi32, #tpu.memory_space<vmem>>, %arg10: memref<256x64xf32, #tpu.memory_space<vmem>>, %arg11: memref<256x64xf32, #tpu.memory_space<vmem>>, %arg12: memref<10112x64xf32, #tpu.memory_space<vmem_shared>>, %arg13: memref<!tpu.dma_semaphore, #tpu.memory_space<semaphore_mem>>, %arg14: memref<!tpu.dma_semaphore, #tpu.memory_space<semaphore_mem>>) attributes {dimension_semantics = [#tpu.dimension_semantics<core_parallel>, #tpu.dimension_semantics<subcore_parallel>], iteration_bounds = array<i64: 2, 16>, scalar_prefetch = 0 : i64, scratch_operands = 7 : i64, tpu.core_type = #tpu.core_type<sc_vector_subcore>, window_params = [{transform_indices = #map}, {transform_indices = #map}, {transform_indices = #map1}, {transform_indices = #map1}, {transform_indices = #map}, {transform_indices = #map1}]} {
    "tpu.region"() ({
      %run_scoped3A = tpu.sem_alloc : memref<!tpu.dma_semaphore, #tpu.memory_space<semaphore_mem>>
      %dma_start3A = arith.constant 0 : i32
      %dma_start3A_13 = arith.constant 0 : i32
      %dma_start3A_14 = tpu.memref_slice %arg4[%arg1, %dma_start3A, %dma_start3A_13] : memref<16x80x256xi32, #tpu.memory_space<hbm>> -> memref<1x80x256xi32, #tpu.memory_space<hbm>>
      %dma_start3A_15 = tpu.memref_squeeze %dma_start3A_14 : memref<1x80x256xi32, #tpu.memory_space<hbm>> -> memref<80x256xi32, #tpu.memory_space<hbm>>
      %dma_start3A_16 = arith.constant 0 : i32
      %dma_start3A_17 = arith.constant 0 : i32
      %dma_start3A_18 = tpu.memref_slice %arg4[%arg1, %dma_start3A_16, %dma_start3A_17] : memref<16x80x256xi32, #tpu.memory_space<hbm>> -> memref<1x80x256xi32, #tpu.memory_space<hbm>>
      %dma_start3A_19 = tpu.memref_squeeze %dma_start3A_18 : memref<1x80x256xi32, #tpu.memory_space<hbm>> -> memref<80x256xi32, #tpu.memory_space<hbm>>
      tpu.enqueue_dma source(%dma_start3A_19 : memref<80x256xi32, #tpu.memory_space<hbm>>) target(%arg8 : memref<80x256xi32, #tpu.memory_space<vmem>>) target_semaphore(%run_scoped3A : memref<!tpu.dma_semaphore, #tpu.memory_space<semaphore_mem>>)
      %dma_wait3A = arith.constant 0 : i32
      %dma_wait3A_20 = arith.constant 0 : i32
      %dma_wait3A_21 = tpu.memref_slice %arg4[%arg1, %dma_wait3A, %dma_wait3A_20] : memref<16x80x256xi32, #tpu.memory_space<hbm>> -> memref<1x80x256xi32, #tpu.memory_space<hbm>>
      %dma_wait3A_22 = tpu.memref_squeeze %dma_wait3A_21 : memref<1x80x256xi32, #tpu.memory_space<hbm>> -> memref<80x256xi32, #tpu.memory_space<hbm>>
      %dma_wait3A_23 = arith.constant 0 : i32
      %dma_wait3A_24 = arith.constant 0 : i32
      %dma_wait3A_25 = tpu.memref_slice %arg4[%arg1, %dma_wait3A_23, %dma_wait3A_24] : memref<16x80x256xi32, #tpu.memory_space<hbm>> -> memref<1x80x256xi32, #tpu.memory_space<hbm>>
      %dma_wait3A_26 = tpu.memref_squeeze %dma_wait3A_25 : memref<1x80x256xi32, #tpu.memory_space<hbm>> -> memref<80x256xi32, #tpu.memory_space<hbm>>
      tpu.wait_dma2 semaphore(%run_scoped3A : memref<!tpu.dma_semaphore, #tpu.memory_space<semaphore_mem>>) src(%dma_wait3A_26 : memref<80x256xi32, #tpu.memory_space<hbm>>) dst(%arg8 : memref<80x256xi32, #tpu.memory_space<vmem>>)
      tpu.yield
    }) : () -> ()
    "tpu.region"() ({
      %run_scoped3A = tpu.sem_alloc : memref<!tpu.dma_semaphore, #tpu.memory_space<semaphore_mem>>
      %dma_start3A = arith.constant 0 : i32
      %dma_start3A_13 = arith.constant 0 : i32
      %dma_start3A_14 = tpu.memref_slice %arg5[%arg1, %dma_start3A, %dma_start3A_13] : memref<16x80x256xi32, #tpu.memory_space<hbm>> -> memref<1x80x256xi32, #tpu.memory_space<hbm>>
      %dma_start3A_15 = tpu.memref_squeeze %dma_start3A_14 : memref<1x80x256xi32, #tpu.memory_space<hbm>> -> memref<80x256xi32, #tpu.memory_space<hbm>>
      %dma_start3A_16 = arith.constant 0 : i32
      %dma_start3A_17 = arith.constant 0 : i32
      %dma_start3A_18 = tpu.memref_slice %arg5[%arg1, %dma_start3A_16, %dma_start3A_17] : memref<16x80x256xi32, #tpu.memory_space<hbm>> -> memref<1x80x256xi32, #tpu.memory_space<hbm>>
      %dma_start3A_19 = tpu.memref_squeeze %dma_start3A_18 : memref<1x80x256xi32, #tpu.memory_space<hbm>> -> memref<80x256xi32, #tpu.memory_space<hbm>>
      tpu.enqueue_dma source(%dma_start3A_19 : memref<80x256xi32, #tpu.memory_space<hbm>>) target(%arg9 : memref<80x256xi32, #tpu.memory_space<vmem>>) target_semaphore(%run_scoped3A : memref<!tpu.dma_semaphore, #tpu.memory_space<semaphore_mem>>)
      %dma_wait3A = arith.constant 0 : i32
      %dma_wait3A_20 = arith.constant 0 : i32
      %dma_wait3A_21 = tpu.memref_slice %arg5[%arg1, %dma_wait3A, %dma_wait3A_20] : memref<16x80x256xi32, #tpu.memory_space<hbm>> -> memref<1x80x256xi32, #tpu.memory_space<hbm>>
      %dma_wait3A_22 = tpu.memref_squeeze %dma_wait3A_21 : memref<1x80x256xi32, #tpu.memory_space<hbm>> -> memref<80x256xi32, #tpu.memory_space<hbm>>
      %dma_wait3A_23 = arith.constant 0 : i32
      %dma_wait3A_24 = arith.constant 0 : i32
      %dma_wait3A_25 = tpu.memref_slice %arg5[%arg1, %dma_wait3A_23, %dma_wait3A_24] : memref<16x80x256xi32, #tpu.memory_space<hbm>> -> memref<1x80x256xi32, #tpu.memory_space<hbm>>
      %dma_wait3A_26 = tpu.memref_squeeze %dma_wait3A_25 : memref<1x80x256xi32, #tpu.memory_space<hbm>> -> memref<80x256xi32, #tpu.memory_space<hbm>>
      tpu.wait_dma2 semaphore(%run_scoped3A : memref<!tpu.dma_semaphore, #tpu.memory_space<semaphore_mem>>) src(%dma_wait3A_26 : memref<80x256xi32, #tpu.memory_space<hbm>>) dst(%arg9 : memref<80x256xi32, #tpu.memory_space<vmem>>)
      tpu.yield
    }) : () -> ()
    %mul3A = arith.constant 632 : i32
    %mul3A_0 = arith.muli %arg1, %mul3A : i32
    "tpu.region"() ({
      %run_scoped3A = tpu.sem_alloc : memref<!tpu.dma_semaphore, #tpu.memory_space<semaphore_mem>>
      %dma_start3A = arith.constant 0 : i32
      %dma_start3A_13 = tpu.memref_slice %arg12[%mul3A_0, %dma_start3A] : memref<10112x64xf32, #tpu.memory_space<vmem_shared>> -> memref<632x64xf32, #tpu.memory_space<vmem_shared>>
      tpu.enqueue_dma source(%arg6 : memref<632x64xf32, #tpu.memory_space<hbm>>) target(%dma_start3A_13 : memref<632x64xf32, #tpu.memory_space<vmem_shared>>) target_semaphore(%run_scoped3A : memref<!tpu.dma_semaphore, #tpu.memory_space<semaphore_mem>>)
      %dma_wait3A = arith.constant 0 : i32
      %dma_wait3A_14 = tpu.memref_slice %arg12[%mul3A_0, %dma_wait3A] : memref<10112x64xf32, #tpu.memory_space<vmem_shared>> -> memref<632x64xf32, #tpu.memory_space<vmem_shared>>
      tpu.wait_dma2 semaphore(%run_scoped3A : memref<!tpu.dma_semaphore, #tpu.memory_space<semaphore_mem>>) src(%arg6 : memref<632x64xf32, #tpu.memory_space<hbm>>) dst(%dma_wait3A_14 : memref<632x64xf32, #tpu.memory_space<vmem_shared>>)
      tpu.yield
    }) : () -> ()
    %barrier3A = arith.constant 0 : index
    tpu.barrier barrier_id(%barrier3A)
    %eq3A = arith.constant 0 : i32
    %eq3A_1 = arith.cmpi eq, %arg0, %eq3A : i32
    %convert_element_type3A = arith.extui %eq3A_1 : i1 to i32
    %cond3A = arith.constant 0 : i32
    %cond3A_2 = arith.cmpi ne, %convert_element_type3A, %cond3A : i32
    scf.if %cond3A_2 {
      %dma_start3A = arith.constant 0 : i32
      %dma_start3A_13 = arith.constant 0 : i32
      %dma_start3A_14 = tpu.memref_slice %arg8[%dma_start3A, %dma_start3A_13] : memref<80x256xi32, #tpu.memory_space<vmem>> -> memref<1x256xi32, #tpu.memory_space<vmem>>
      %dma_start3A_15 = tpu.memref_squeeze %dma_start3A_14 : memref<1x256xi32, #tpu.memory_space<vmem>> -> memref<256xi32, #tpu.memory_space<vmem>>
      %dma_start3A_16 = arith.constant 0 : i32
      %dma_start3A_17 = arith.constant 0 : i32
      %dma_start3A_18 = tpu.memref_slice %arg2[%dma_start3A_16, %dma_start3A_17] : memref<10000x64xf32, #tpu.memory_space<hbm>> -> memref<10000x64xf32, #tpu.memory_space<hbm>>
      tpu.enqueue_indirect_dma source(%dma_start3A_18 : memref<10000x64xf32, #tpu.memory_space<hbm>>) target(%arg10 : memref<256x64xf32, #tpu.memory_space<vmem>>) offsets(%dma_start3A_15 : memref<256xi32, #tpu.memory_space<vmem>>) semaphore(%arg13 : memref<!tpu.dma_semaphore, #tpu.memory_space<semaphore_mem>>)
      %dma_start3A_19 = arith.constant 1 : i32
      %dma_start3A_20 = arith.constant 0 : i32
      %dma_start3A_21 = tpu.memref_slice %arg8[%dma_start3A_19, %dma_start3A_20] : memref<80x256xi32, #tpu.memory_space<vmem>> -> memref<1x256xi32, #tpu.memory_space<vmem>>
      %dma_start3A_22 = tpu.memref_squeeze %dma_start3A_21 : memref<1x256xi32, #tpu.memory_space<vmem>> -> memref<256xi32, #tpu.memory_space<vmem>>
      %dma_start3A_23 = arith.constant 0 : i32
      %dma_start3A_24 = arith.constant 0 : i32
      %dma_start3A_25 = tpu.memref_slice %arg2[%dma_start3A_23, %dma_start3A_24] : memref<10000x64xf32, #tpu.memory_space<hbm>> -> memref<10000x64xf32, #tpu.memory_space<hbm>>
      tpu.enqueue_indirect_dma source(%dma_start3A_25 : memref<10000x64xf32, #tpu.memory_space<hbm>>) target(%arg11 : memref<256x64xf32, #tpu.memory_space<vmem>>) offsets(%dma_start3A_22 : memref<256xi32, #tpu.memory_space<vmem>>) semaphore(%arg14 : memref<!tpu.dma_semaphore, #tpu.memory_space<semaphore_mem>>)
      %scan3A = arith.constant 0 : i32
      %scan3A_26 = arith.constant 0 : i32
      %scan3A_27 = arith.constant 40 : i32
      %scan3A_28 = arith.addi %scan3A_26, %scan3A_27 : i32
      %scan3A_29 = arith.constant 1 : i32
      scf.for %scan3A_31 = %scan3A_26 to %scan3A_28 step %scan3A_29  : i32 {
        %mul3A_32 = arith.constant 2 : i32
        %mul3A_33 = arith.muli %scan3A_31, %mul3A_32 : i32
        %add3A = arith.constant 0 : i32
        %add3A_34 = arith.addi %mul3A_33, %add3A : i32
        %dma_wait3A = arith.constant 0 : i32
        %dma_wait3A_35 = tpu.memref_slice %arg8[%add3A_34, %dma_wait3A] : memref<80x256xi32, #tpu.memory_space<vmem>> -> memref<1x256xi32, #tpu.memory_space<vmem>>
        %dma_wait3A_36 = tpu.memref_squeeze %dma_wait3A_35 : memref<1x256xi32, #tpu.memory_space<vmem>> -> memref<256xi32, #tpu.memory_space<vmem>>
        %dma_wait3A_37 = arith.constant 0 : i32
        %dma_wait3A_38 = arith.constant 0 : i32
        %dma_wait3A_39 = tpu.memref_slice %arg2[%dma_wait3A_37, %dma_wait3A_38] : memref<10000x64xf32, #tpu.memory_space<hbm>> -> memref<10000x64xf32, #tpu.memory_space<hbm>>
        tpu.wait_indirect_dma semaphore(%arg13 : memref<!tpu.dma_semaphore, #tpu.memory_space<semaphore_mem>>) src(%dma_wait3A_39 : memref<10000x64xf32, #tpu.memory_space<hbm>>) dst(%arg10 : memref<256x64xf32, #tpu.memory_space<vmem>>)
        "tpu.region"() ({
          %run_scoped3A = tpu.sem_alloc : memref<!tpu.dma_semaphore, #tpu.memory_space<semaphore_mem>>
          %dma_start3A_63 = arith.constant 0 : i32
          %dma_start3A_64 = tpu.memref_slice %arg9[%add3A_34, %dma_start3A_63] : memref<80x256xi32, #tpu.memory_space<vmem>> -> memref<1x256xi32, #tpu.memory_space<vmem>>
          %dma_start3A_65 = tpu.memref_squeeze %dma_start3A_64 : memref<1x256xi32, #tpu.memory_space<vmem>> -> memref<256xi32, #tpu.memory_space<vmem>>
          %dma_start3A_66 = arith.constant 0 : i32
          %dma_start3A_67 = arith.constant 0 : i32
          %dma_start3A_68 = tpu.memref_slice %arg12[%dma_start3A_66, %dma_start3A_67] : memref<10112x64xf32, #tpu.memory_space<vmem_shared>> -> memref<10112x64xf32, #tpu.memory_space<vmem_shared>>
          tpu.enqueue_indirect_dma source(%arg10 : memref<256x64xf32, #tpu.memory_space<vmem>>) target(%dma_start3A_68 : memref<10112x64xf32, #tpu.memory_space<vmem_shared>>) offsets(%dma_start3A_65 : memref<256xi32, #tpu.memory_space<vmem>>) semaphore(%run_scoped3A : memref<!tpu.dma_semaphore, #tpu.memory_space<semaphore_mem>>) {add = true}
          %dma_wait3A_69 = arith.constant 0 : i32
          %dma_wait3A_70 = tpu.memref_slice %arg9[%add3A_34, %dma_wait3A_69] : memref<80x256xi32, #tpu.memory_space<vmem>> -> memref<1x256xi32, #tpu.memory_space<vmem>>
          %dma_wait3A_71 = tpu.memref_squeeze %dma_wait3A_70 : memref<1x256xi32, #tpu.memory_space<vmem>> -> memref<256xi32, #tpu.memory_space<vmem>>
          %dma_wait3A_72 = arith.constant 0 : i32
          %dma_wait3A_73 = arith.constant 0 : i32
          %dma_wait3A_74 = tpu.memref_slice %arg12[%dma_wait3A_72, %dma_wait3A_73] : memref<10112x64xf32, #tpu.memory_space<vmem_shared>> -> memref<10112x64xf32, #tpu.memory_space<vmem_shared>>
          tpu.wait_indirect_dma semaphore(%run_scoped3A : memref<!tpu.dma_semaphore, #tpu.memory_space<semaphore_mem>>) src(%arg10 : memref<256x64xf32, #tpu.memory_space<vmem>>) dst(%dma_wait3A_74 : memref<10112x64xf32, #tpu.memory_space<vmem_shared>>)
          tpu.yield
        }) : () -> ()
        %add3A_40 = arith.constant 2 : i32
        %add3A_41 = arith.addi %add3A_34, %add3A_40 : i32
        %lt3A = arith.constant 80 : i32
        %lt3A_42 = arith.cmpi slt, %add3A_41, %lt3A : i32
        %convert_element_type3A_43 = arith.extui %lt3A_42 : i1 to i32
        %cond3A_44 = arith.constant 0 : i32
        %cond3A_45 = arith.cmpi ne, %convert_element_type3A_43, %cond3A_44 : i32
        scf.if %cond3A_45 {
          %add3A_63 = arith.constant 2 : i32
          %add3A_64 = arith.addi %add3A_34, %add3A_63 : i32
          %dma_start3A_65 = arith.constant 0 : i32
          %dma_start3A_66 = tpu.memref_slice %arg8[%add3A_64, %dma_start3A_65] : memref<80x256xi32, #tpu.memory_space<vmem>> -> memref<1x256xi32, #tpu.memory_space<vmem>>
          %dma_start3A_67 = tpu.memref_squeeze %dma_start3A_66 : memref<1x256xi32, #tpu.memory_space<vmem>> -> memref<256xi32, #tpu.memory_space<vmem>>
          %dma_start3A_68 = arith.constant 0 : i32
          %dma_start3A_69 = arith.constant 0 : i32
          %dma_start3A_70 = tpu.memref_slice %arg2[%dma_start3A_68, %dma_start3A_69] : memref<10000x64xf32, #tpu.memory_space<hbm>> -> memref<10000x64xf32, #tpu.memory_space<hbm>>
          tpu.enqueue_indirect_dma source(%dma_start3A_70 : memref<10000x64xf32, #tpu.memory_space<hbm>>) target(%arg10 : memref<256x64xf32, #tpu.memory_space<vmem>>) offsets(%dma_start3A_67 : memref<256xi32, #tpu.memory_space<vmem>>) semaphore(%arg13 : memref<!tpu.dma_semaphore, #tpu.memory_space<semaphore_mem>>)
        } else {
        }
        %mul3A_46 = arith.constant 2 : i32
        %mul3A_47 = arith.muli %scan3A_31, %mul3A_46 : i32
        %add3A_48 = arith.constant 1 : i32
        %add3A_49 = arith.addi %mul3A_47, %add3A_48 : i32
        %dma_wait3A_50 = arith.constant 0 : i32
        %dma_wait3A_51 = tpu.memref_slice %arg8[%add3A_49, %dma_wait3A_50] : memref<80x256xi32, #tpu.memory_space<vmem>> -> memref<1x256xi32, #tpu.memory_space<vmem>>
        %dma_wait3A_52 = tpu.memref_squeeze %dma_wait3A_51 : memref<1x256xi32, #tpu.memory_space<vmem>> -> memref<256xi32, #tpu.memory_space<vmem>>
        %dma_wait3A_53 = arith.constant 0 : i32
        %dma_wait3A_54 = arith.constant 0 : i32
        %dma_wait3A_55 = tpu.memref_slice %arg2[%dma_wait3A_53, %dma_wait3A_54] : memref<10000x64xf32, #tpu.memory_space<hbm>> -> memref<10000x64xf32, #tpu.memory_space<hbm>>
        tpu.wait_indirect_dma semaphore(%arg14 : memref<!tpu.dma_semaphore, #tpu.memory_space<semaphore_mem>>) src(%dma_wait3A_55 : memref<10000x64xf32, #tpu.memory_space<hbm>>) dst(%arg11 : memref<256x64xf32, #tpu.memory_space<vmem>>)
        "tpu.region"() ({
          %run_scoped3A = tpu.sem_alloc : memref<!tpu.dma_semaphore, #tpu.memory_space<semaphore_mem>>
          %dma_start3A_63 = arith.constant 0 : i32
          %dma_start3A_64 = tpu.memref_slice %arg9[%add3A_49, %dma_start3A_63] : memref<80x256xi32, #tpu.memory_space<vmem>> -> memref<1x256xi32, #tpu.memory_space<vmem>>
          %dma_start3A_65 = tpu.memref_squeeze %dma_start3A_64 : memref<1x256xi32, #tpu.memory_space<vmem>> -> memref<256xi32, #tpu.memory_space<vmem>>
          %dma_start3A_66 = arith.constant 0 : i32
          %dma_start3A_67 = arith.constant 0 : i32
          %dma_start3A_68 = tpu.memref_slice %arg12[%dma_start3A_66, %dma_start3A_67] : memref<10112x64xf32, #tpu.memory_space<vmem_shared>> -> memref<10112x64xf32, #tpu.memory_space<vmem_shared>>
          tpu.enqueue_indirect_dma source(%arg11 : memref<256x64xf32, #tpu.memory_space<vmem>>) target(%dma_start3A_68 : memref<10112x64xf32, #tpu.memory_space<vmem_shared>>) offsets(%dma_start3A_65 : memref<256xi32, #tpu.memory_space<vmem>>) semaphore(%run_scoped3A : memref<!tpu.dma_semaphore, #tpu.memory_space<semaphore_mem>>) {add = true}
          %dma_wait3A_69 = arith.constant 0 : i32
          %dma_wait3A_70 = tpu.memref_slice %arg9[%add3A_49, %dma_wait3A_69] : memref<80x256xi32, #tpu.memory_space<vmem>> -> memref<1x256xi32, #tpu.memory_space<vmem>>
          %dma_wait3A_71 = tpu.memref_squeeze %dma_wait3A_70 : memref<1x256xi32, #tpu.memory_space<vmem>> -> memref<256xi32, #tpu.memory_space<vmem>>
          %dma_wait3A_72 = arith.constant 0 : i32
          %dma_wait3A_73 = arith.constant 0 : i32
          %dma_wait3A_74 = tpu.memref_slice %arg12[%dma_wait3A_72, %dma_wait3A_73] : memref<10112x64xf32, #tpu.memory_space<vmem_shared>> -> memref<10112x64xf32, #tpu.memory_space<vmem_shared>>
          tpu.wait_indirect_dma semaphore(%run_scoped3A : memref<!tpu.dma_semaphore, #tpu.memory_space<semaphore_mem>>) src(%arg11 : memref<256x64xf32, #tpu.memory_space<vmem>>) dst(%dma_wait3A_74 : memref<10112x64xf32, #tpu.memory_space<vmem_shared>>)
          tpu.yield
        }) : () -> ()
        %add3A_56 = arith.constant 2 : i32
        %add3A_57 = arith.addi %add3A_49, %add3A_56 : i32
        %lt3A_58 = arith.constant 80 : i32
        %lt3A_59 = arith.cmpi slt, %add3A_57, %lt3A_58 : i32
        %convert_element_type3A_60 = arith.extui %lt3A_59 : i1 to i32
        %cond3A_61 = arith.constant 0 : i32
        %cond3A_62 = arith.cmpi ne, %convert_element_type3A_60, %cond3A_61 : i32
        scf.if %cond3A_62 {
          %add3A_63 = arith.constant 2 : i32
          %add3A_64 = arith.addi %add3A_49, %add3A_63 : i32
          %dma_start3A_65 = arith.constant 0 : i32
          %dma_start3A_66 = tpu.memref_slice %arg8[%add3A_64, %dma_start3A_65] : memref<80x256xi32, #tpu.memory_space<vmem>> -> memref<1x256xi32, #tpu.memory_space<vmem>>
          %dma_start3A_67 = tpu.memref_squeeze %dma_start3A_66 : memref<1x256xi32, #tpu.memory_space<vmem>> -> memref<256xi32, #tpu.memory_space<vmem>>
          %dma_start3A_68 = arith.constant 0 : i32
          %dma_start3A_69 = arith.constant 0 : i32
          %dma_start3A_70 = tpu.memref_slice %arg2[%dma_start3A_68, %dma_start3A_69] : memref<10000x64xf32, #tpu.memory_space<hbm>> -> memref<10000x64xf32, #tpu.memory_space<hbm>>
          tpu.enqueue_indirect_dma source(%dma_start3A_70 : memref<10000x64xf32, #tpu.memory_space<hbm>>) target(%arg11 : memref<256x64xf32, #tpu.memory_space<vmem>>) offsets(%dma_start3A_67 : memref<256xi32, #tpu.memory_space<vmem>>) semaphore(%arg14 : memref<!tpu.dma_semaphore, #tpu.memory_space<semaphore_mem>>)
        } else {
        }
      }
      %scan3A_30 = arith.constant 40 : i32
    } else {
    }
    %eq3A_3 = arith.constant 1 : i32
    %eq3A_4 = arith.cmpi eq, %arg0, %eq3A_3 : i32
    %convert_element_type3A_5 = arith.extui %eq3A_4 : i1 to i32
    %cond3A_6 = arith.constant 0 : i32
    %cond3A_7 = arith.cmpi ne, %convert_element_type3A_5, %cond3A_6 : i32
    scf.if %cond3A_7 {
      %dma_start3A = arith.constant 0 : i32
      %dma_start3A_13 = arith.constant 0 : i32
      %dma_start3A_14 = tpu.memref_slice %arg8[%dma_start3A, %dma_start3A_13] : memref<80x256xi32, #tpu.memory_space<vmem>> -> memref<1x256xi32, #tpu.memory_space<vmem>>
      %dma_start3A_15 = tpu.memref_squeeze %dma_start3A_14 : memref<1x256xi32, #tpu.memory_space<vmem>> -> memref<256xi32, #tpu.memory_space<vmem>>
      %dma_start3A_16 = arith.constant 0 : i32
      %dma_start3A_17 = arith.constant 0 : i32
      %dma_start3A_18 = tpu.memref_slice %arg3[%dma_start3A_16, %dma_start3A_17] : memref<10000x64xf32, #tpu.memory_space<hbm>> -> memref<10000x64xf32, #tpu.memory_space<hbm>>
      tpu.enqueue_indirect_dma source(%dma_start3A_18 : memref<10000x64xf32, #tpu.memory_space<hbm>>) target(%arg10 : memref<256x64xf32, #tpu.memory_space<vmem>>) offsets(%dma_start3A_15 : memref<256xi32, #tpu.memory_space<vmem>>) semaphore(%arg13 : memref<!tpu.dma_semaphore, #tpu.memory_space<semaphore_mem>>)
      %dma_start3A_19 = arith.constant 1 : i32
      %dma_start3A_20 = arith.constant 0 : i32
      %dma_start3A_21 = tpu.memref_slice %arg8[%dma_start3A_19, %dma_start3A_20] : memref<80x256xi32, #tpu.memory_space<vmem>> -> memref<1x256xi32, #tpu.memory_space<vmem>>
      %dma_start3A_22 = tpu.memref_squeeze %dma_start3A_21 : memref<1x256xi32, #tpu.memory_space<vmem>> -> memref<256xi32, #tpu.memory_space<vmem>>
      %dma_start3A_23 = arith.constant 0 : i32
      %dma_start3A_24 = arith.constant 0 : i32
      %dma_start3A_25 = tpu.memref_slice %arg3[%dma_start3A_23, %dma_start3A_24] : memref<10000x64xf32, #tpu.memory_space<hbm>> -> memref<10000x64xf32, #tpu.memory_space<hbm>>
      tpu.enqueue_indirect_dma source(%dma_start3A_25 : memref<10000x64xf32, #tpu.memory_space<hbm>>) target(%arg11 : memref<256x64xf32, #tpu.memory_space<vmem>>) offsets(%dma_start3A_22 : memref<256xi32, #tpu.memory_space<vmem>>) semaphore(%arg14 : memref<!tpu.dma_semaphore, #tpu.memory_space<semaphore_mem>>)
      %scan3A = arith.constant 0 : i32
      %scan3A_26 = arith.constant 0 : i32
      %scan3A_27 = arith.constant 40 : i32
      %scan3A_28 = arith.addi %scan3A_26, %scan3A_27 : i32
      %scan3A_29 = arith.constant 1 : i32
      scf.for %scan3A_31 = %scan3A_26 to %scan3A_28 step %scan3A_29  : i32 {
        %mul3A_32 = arith.constant 2 : i32
        %mul3A_33 = arith.muli %scan3A_31, %mul3A_32 : i32
        %add3A = arith.constant 0 : i32
        %add3A_34 = arith.addi %mul3A_33, %add3A : i32
        %dma_wait3A = arith.constant 0 : i32
        %dma_wait3A_35 = tpu.memref_slice %arg8[%add3A_34, %dma_wait3A] : memref<80x256xi32, #tpu.memory_space<vmem>> -> memref<1x256xi32, #tpu.memory_space<vmem>>
        %dma_wait3A_36 = tpu.memref_squeeze %dma_wait3A_35 : memref<1x256xi32, #tpu.memory_space<vmem>> -> memref<256xi32, #tpu.memory_space<vmem>>
        %dma_wait3A_37 = arith.constant 0 : i32
        %dma_wait3A_38 = arith.constant 0 : i32
        %dma_wait3A_39 = tpu.memref_slice %arg3[%dma_wait3A_37, %dma_wait3A_38] : memref<10000x64xf32, #tpu.memory_space<hbm>> -> memref<10000x64xf32, #tpu.memory_space<hbm>>
        tpu.wait_indirect_dma semaphore(%arg13 : memref<!tpu.dma_semaphore, #tpu.memory_space<semaphore_mem>>) src(%dma_wait3A_39 : memref<10000x64xf32, #tpu.memory_space<hbm>>) dst(%arg10 : memref<256x64xf32, #tpu.memory_space<vmem>>)
        "tpu.region"() ({
          %run_scoped3A = tpu.sem_alloc : memref<!tpu.dma_semaphore, #tpu.memory_space<semaphore_mem>>
          %dma_start3A_63 = arith.constant 0 : i32
          %dma_start3A_64 = tpu.memref_slice %arg9[%add3A_34, %dma_start3A_63] : memref<80x256xi32, #tpu.memory_space<vmem>> -> memref<1x256xi32, #tpu.memory_space<vmem>>
          %dma_start3A_65 = tpu.memref_squeeze %dma_start3A_64 : memref<1x256xi32, #tpu.memory_space<vmem>> -> memref<256xi32, #tpu.memory_space<vmem>>
          %dma_start3A_66 = arith.constant 0 : i32
          %dma_start3A_67 = arith.constant 0 : i32
          %dma_start3A_68 = tpu.memref_slice %arg12[%dma_start3A_66, %dma_start3A_67] : memref<10112x64xf32, #tpu.memory_space<vmem_shared>> -> memref<10112x64xf32, #tpu.memory_space<vmem_shared>>
          tpu.enqueue_indirect_dma source(%arg10 : memref<256x64xf32, #tpu.memory_space<vmem>>) target(%dma_start3A_68 : memref<10112x64xf32, #tpu.memory_space<vmem_shared>>) offsets(%dma_start3A_65 : memref<256xi32, #tpu.memory_space<vmem>>) semaphore(%run_scoped3A : memref<!tpu.dma_semaphore, #tpu.memory_space<semaphore_mem>>) {add = true}
          %dma_wait3A_69 = arith.constant 0 : i32
          %dma_wait3A_70 = tpu.memref_slice %arg9[%add3A_34, %dma_wait3A_69] : memref<80x256xi32, #tpu.memory_space<vmem>> -> memref<1x256xi32, #tpu.memory_space<vmem>>
          %dma_wait3A_71 = tpu.memref_squeeze %dma_wait3A_70 : memref<1x256xi32, #tpu.memory_space<vmem>> -> memref<256xi32, #tpu.memory_space<vmem>>
          %dma_wait3A_72 = arith.constant 0 : i32
          %dma_wait3A_73 = arith.constant 0 : i32
          %dma_wait3A_74 = tpu.memref_slice %arg12[%dma_wait3A_72, %dma_wait3A_73] : memref<10112x64xf32, #tpu.memory_space<vmem_shared>> -> memref<10112x64xf32, #tpu.memory_space<vmem_shared>>
          tpu.wait_indirect_dma semaphore(%run_scoped3A : memref<!tpu.dma_semaphore, #tpu.memory_space<semaphore_mem>>) src(%arg10 : memref<256x64xf32, #tpu.memory_space<vmem>>) dst(%dma_wait3A_74 : memref<10112x64xf32, #tpu.memory_space<vmem_shared>>)
          tpu.yield
        }) : () -> ()
        %add3A_40 = arith.constant 2 : i32
        %add3A_41 = arith.addi %add3A_34, %add3A_40 : i32
        %lt3A = arith.constant 80 : i32
        %lt3A_42 = arith.cmpi slt, %add3A_41, %lt3A : i32
        %convert_element_type3A_43 = arith.extui %lt3A_42 : i1 to i32
        %cond3A_44 = arith.constant 0 : i32
        %cond3A_45 = arith.cmpi ne, %convert_element_type3A_43, %cond3A_44 : i32
        scf.if %cond3A_45 {
          %add3A_63 = arith.constant 2 : i32
          %add3A_64 = arith.addi %add3A_34, %add3A_63 : i32
          %dma_start3A_65 = arith.constant 0 : i32
          %dma_start3A_66 = tpu.memref_slice %arg8[%add3A_64, %dma_start3A_65] : memref<80x256xi32, #tpu.memory_space<vmem>> -> memref<1x256xi32, #tpu.memory_space<vmem>>
          %dma_start3A_67 = tpu.memref_squeeze %dma_start3A_66 : memref<1x256xi32, #tpu.memory_space<vmem>> -> memref<256xi32, #tpu.memory_space<vmem>>
          %dma_start3A_68 = arith.constant 0 : i32
          %dma_start3A_69 = arith.constant 0 : i32
          %dma_start3A_70 = tpu.memref_slice %arg3[%dma_start3A_68, %dma_start3A_69] : memref<10000x64xf32, #tpu.memory_space<hbm>> -> memref<10000x64xf32, #tpu.memory_space<hbm>>
          tpu.enqueue_indirect_dma source(%dma_start3A_70 : memref<10000x64xf32, #tpu.memory_space<hbm>>) target(%arg10 : memref<256x64xf32, #tpu.memory_space<vmem>>) offsets(%dma_start3A_67 : memref<256xi32, #tpu.memory_space<vmem>>) semaphore(%arg13 : memref<!tpu.dma_semaphore, #tpu.memory_space<semaphore_mem>>)
        } else {
        }
        %mul3A_46 = arith.constant 2 : i32
        %mul3A_47 = arith.muli %scan3A_31, %mul3A_46 : i32
        %add3A_48 = arith.constant 1 : i32
        %add3A_49 = arith.addi %mul3A_47, %add3A_48 : i32
        %dma_wait3A_50 = arith.constant 0 : i32
        %dma_wait3A_51 = tpu.memref_slice %arg8[%add3A_49, %dma_wait3A_50] : memref<80x256xi32, #tpu.memory_space<vmem>> -> memref<1x256xi32, #tpu.memory_space<vmem>>
        %dma_wait3A_52 = tpu.memref_squeeze %dma_wait3A_51 : memref<1x256xi32, #tpu.memory_space<vmem>> -> memref<256xi32, #tpu.memory_space<vmem>>
        %dma_wait3A_53 = arith.constant 0 : i32
        %dma_wait3A_54 = arith.constant 0 : i32
        %dma_wait3A_55 = tpu.memref_slice %arg3[%dma_wait3A_53, %dma_wait3A_54] : memref<10000x64xf32, #tpu.memory_space<hbm>> -> memref<10000x64xf32, #tpu.memory_space<hbm>>
        tpu.wait_indirect_dma semaphore(%arg14 : memref<!tpu.dma_semaphore, #tpu.memory_space<semaphore_mem>>) src(%dma_wait3A_55 : memref<10000x64xf32, #tpu.memory_space<hbm>>) dst(%arg11 : memref<256x64xf32, #tpu.memory_space<vmem>>)
        "tpu.region"() ({
          %run_scoped3A = tpu.sem_alloc : memref<!tpu.dma_semaphore, #tpu.memory_space<semaphore_mem>>
          %dma_start3A_63 = arith.constant 0 : i32
          %dma_start3A_64 = tpu.memref_slice %arg9[%add3A_49, %dma_start3A_63] : memref<80x256xi32, #tpu.memory_space<vmem>> -> memref<1x256xi32, #tpu.memory_space<vmem>>
          %dma_start3A_65 = tpu.memref_squeeze %dma_start3A_64 : memref<1x256xi32, #tpu.memory_space<vmem>> -> memref<256xi32, #tpu.memory_space<vmem>>
          %dma_start3A_66 = arith.constant 0 : i32
          %dma_start3A_67 = arith.constant 0 : i32
          %dma_start3A_68 = tpu.memref_slice %arg12[%dma_start3A_66, %dma_start3A_67] : memref<10112x64xf32, #tpu.memory_space<vmem_shared>> -> memref<10112x64xf32, #tpu.memory_space<vmem_shared>>
          tpu.enqueue_indirect_dma source(%arg11 : memref<256x64xf32, #tpu.memory_space<vmem>>) target(%dma_start3A_68 : memref<10112x64xf32, #tpu.memory_space<vmem_shared>>) offsets(%dma_start3A_65 : memref<256xi32, #tpu.memory_space<vmem>>) semaphore(%run_scoped3A : memref<!tpu.dma_semaphore, #tpu.memory_space<semaphore_mem>>) {add = true}
          %dma_wait3A_69 = arith.constant 0 : i32
          %dma_wait3A_70 = tpu.memref_slice %arg9[%add3A_49, %dma_wait3A_69] : memref<80x256xi32, #tpu.memory_space<vmem>> -> memref<1x256xi32, #tpu.memory_space<vmem>>
          %dma_wait3A_71 = tpu.memref_squeeze %dma_wait3A_70 : memref<1x256xi32, #tpu.memory_space<vmem>> -> memref<256xi32, #tpu.memory_space<vmem>>
          %dma_wait3A_72 = arith.constant 0 : i32
          %dma_wait3A_73 = arith.constant 0 : i32
          %dma_wait3A_74 = tpu.memref_slice %arg12[%dma_wait3A_72, %dma_wait3A_73] : memref<10112x64xf32, #tpu.memory_space<vmem_shared>> -> memref<10112x64xf32, #tpu.memory_space<vmem_shared>>
          tpu.wait_indirect_dma semaphore(%run_scoped3A : memref<!tpu.dma_semaphore, #tpu.memory_space<semaphore_mem>>) src(%arg11 : memref<256x64xf32, #tpu.memory_space<vmem>>) dst(%dma_wait3A_74 : memref<10112x64xf32, #tpu.memory_space<vmem_shared>>)
          tpu.yield
        }) : () -> ()
        %add3A_56 = arith.constant 2 : i32
        %add3A_57 = arith.addi %add3A_49, %add3A_56 : i32
        %lt3A_58 = arith.constant 80 : i32
        %lt3A_59 = arith.cmpi slt, %add3A_57, %lt3A_58 : i32
        %convert_element_type3A_60 = arith.extui %lt3A_59 : i1 to i32
        %cond3A_61 = arith.constant 0 : i32
        %cond3A_62 = arith.cmpi ne, %convert_element_type3A_60, %cond3A_61 : i32
        scf.if %cond3A_62 {
          %add3A_63 = arith.constant 2 : i32
          %add3A_64 = arith.addi %add3A_49, %add3A_63 : i32
          %dma_start3A_65 = arith.constant 0 : i32
          %dma_start3A_66 = tpu.memref_slice %arg8[%add3A_64, %dma_start3A_65] : memref<80x256xi32, #tpu.memory_space<vmem>> -> memref<1x256xi32, #tpu.memory_space<vmem>>
          %dma_start3A_67 = tpu.memref_squeeze %dma_start3A_66 : memref<1x256xi32, #tpu.memory_space<vmem>> -> memref<256xi32, #tpu.memory_space<vmem>>
          %dma_start3A_68 = arith.constant 0 : i32
          %dma_start3A_69 = arith.constant 0 : i32
          %dma_start3A_70 = tpu.memref_slice %arg3[%dma_start3A_68, %dma_start3A_69] : memref<10000x64xf32, #tpu.memory_space<hbm>> -> memref<10000x64xf32, #tpu.memory_space<hbm>>
          tpu.enqueue_indirect_dma source(%dma_start3A_70 : memref<10000x64xf32, #tpu.memory_space<hbm>>) target(%arg11 : memref<256x64xf32, #tpu.memory_space<vmem>>) offsets(%dma_start3A_67 : memref<256xi32, #tpu.memory_space<vmem>>) semaphore(%arg14 : memref<!tpu.dma_semaphore, #tpu.memory_space<semaphore_mem>>)
        } else {
        }
      }
      %scan3A_30 = arith.constant 40 : i32
    } else {
    }
    %barrier3A_8 = arith.constant 0 : index
    tpu.barrier barrier_id(%barrier3A_8)
    %mul3A_9 = arith.constant 632 : i32
    %mul3A_10 = arith.muli %arg1, %mul3A_9 : i32
    %mul3A_11 = arith.constant 632 : i32
    %mul3A_12 = arith.muli %arg1, %mul3A_11 : i32
    "tpu.region"() ({
      %run_scoped3A = tpu.sem_alloc : memref<!tpu.dma_semaphore, #tpu.memory_space<semaphore_mem>>
      %dma_start3A = arith.constant 0 : i32
      %dma_start3A_13 = tpu.memref_slice %arg7[%arg0, %mul3A_12, %dma_start3A] : memref<2x10112x64xf32, #tpu.memory_space<hbm>> -> memref<1x632x64xf32, #tpu.memory_space<hbm>>
      %dma_start3A_14 = tpu.memref_squeeze %dma_start3A_13 : memref<1x632x64xf32, #tpu.memory_space<hbm>> -> memref<632x64xf32, #tpu.memory_space<hbm>>
      %dma_start3A_15 = arith.constant 0 : i32
      %dma_start3A_16 = tpu.memref_slice %arg12[%mul3A_10, %dma_start3A_15] : memref<10112x64xf32, #tpu.memory_space<vmem_shared>> -> memref<632x64xf32, #tpu.memory_space<vmem_shared>>
      tpu.enqueue_dma source(%dma_start3A_16 : memref<632x64xf32, #tpu.memory_space<vmem_shared>>) target(%dma_start3A_14 : memref<632x64xf32, #tpu.memory_space<hbm>>) target_semaphore(%run_scoped3A : memref<!tpu.dma_semaphore, #tpu.memory_space<semaphore_mem>>)
      %dma_wait3A = arith.constant 0 : i32
      %dma_wait3A_17 = tpu.memref_slice %arg7[%arg0, %mul3A_12, %dma_wait3A] : memref<2x10112x64xf32, #tpu.memory_space<hbm>> -> memref<1x632x64xf32, #tpu.memory_space<hbm>>
      %dma_wait3A_18 = tpu.memref_squeeze %dma_wait3A_17 : memref<1x632x64xf32, #tpu.memory_space<hbm>> -> memref<632x64xf32, #tpu.memory_space<hbm>>
      %dma_wait3A_19 = arith.constant 0 : i32
      %dma_wait3A_20 = tpu.memref_slice %arg12[%mul3A_10, %dma_wait3A_19] : memref<10112x64xf32, #tpu.memory_space<vmem_shared>> -> memref<632x64xf32, #tpu.memory_space<vmem_shared>>
      tpu.wait_dma2 semaphore(%run_scoped3A : memref<!tpu.dma_semaphore, #tpu.memory_space<semaphore_mem>>) src(%dma_wait3A_20 : memref<632x64xf32, #tpu.memory_space<vmem_shared>>) dst(%dma_wait3A_18 : memref<632x64xf32, #tpu.memory_space<hbm>>)
      tpu.yield
    }) : () -> ()
    return
  }
}

module attributes {stable_mosaic.version = 14 : i64} {
  func.func @_mm_body(%arg0: i32, %arg1: memref<1000x128xf32, #tpu.memory_space<vmem>>, %arg2: memref<128x128xf32, #tpu.memory_space<vmem>>, %arg3: memref<1000x128xf32, #tpu.memory_space<vmem>>) attributes {dimension_semantics = [#tpu.dimension_semantics<arbitrary>], iteration_bounds = array<i64: 10>, scalar_prefetch = 0 : i64, scratch_operands = 0 : i64, tpu.core_type = #tpu.core_type<tc>, window_params = [{transform_indices = @transform_0, window_bounds = array<i64: 1000, 128>}, {pipeline_mode = #tpu.pipeline_mode<synchronous>, transform_indices = @transform_1, window_bounds = array<i64: 128, 128>}, {transform_indices = @transform_2, window_bounds = array<i64: 1000, 128>}]} {
    %get3A = arith.constant 0 : index
    %get3A_0 = arith.constant 0 : index
    %get3A_1 = vector.load %arg1[%get3A, %get3A_0] : memref<1000x128xf32, #tpu.memory_space<vmem>>, vector<1000x128xf32>
    %get3A_2 = arith.constant 0 : index
    %get3A_3 = arith.constant 0 : index
    %get3A_4 = vector.load %arg2[%get3A_2, %get3A_3] : memref<128x128xf32, #tpu.memory_space<vmem>>, vector<128x128xf32>
    %dot_general3A = arith.constant dense<0.000000e+00> : vector<1000x128xf32>
    %dot_general3A_5 = tpu.matmul %get3A_1, %get3A_4, %dot_general3A {dimension_numbers = #tpu.dot_dimension_numbers<[1], [0], [0], [1], [0, 0, 1, 1], [], []>, transpose_lhs_hint = false} : vector<1000x128xf32>, vector<128x128xf32>, vector<1000x128xf32> -> vector<1000x128xf32>
    %swap3A = arith.constant 0 : index
    %swap3A_6 = arith.constant 0 : index
    %swap3A_7 = vector.load %arg3[%swap3A, %swap3A_6] : memref<1000x128xf32, #tpu.memory_space<vmem>>, vector<1000x128xf32>
    tpu.vector_store %arg3[%swap3A, %swap3A_6], %dot_general3A_5 {strides = array<i32>} : memref<1000x128xf32, #tpu.memory_space<vmem>>, vector<1000x128xf32>,
    return
  }
  func.func @transform_0(%arg0: i32) -> (i32, i32) {
    %c0_i32 = arith.constant 0 : i32
    %c0_i32_0 = arith.constant 0 : i32
    return %arg0, %c0_i32 : i32, i32
  }
  func.func @transform_1(%arg0: i32) -> (i32, i32) {
    %c0_i32 = arith.constant 0 : i32
    %c0_i32_0 = arith.constant 0 : i32
    %c0_i32_1 = arith.constant 0 : i32
    return %c0_i32, %c0_i32_0 : i32, i32
  }
  func.func @transform_2(%arg0: i32) -> (i32, i32) {
    %c0_i32 = arith.constant 0 : i32
    %c0_i32_0 = arith.constant 0 : i32
    return %arg0, %c0_i32 : i32, i32
  }
}

module attributes {stable_mosaic.version = 14 : i64} {
  func.func @_prep_body(%arg0: i32, %arg1: memref<1000x1xf32, #tpu.memory_space<vmem>>, %arg2: memref<1000x1xf32, #tpu.memory_space<vmem>>, %arg3: memref<1000x128xf32, #tpu.memory_space<vmem>>, %arg4: memref<1000x1xf32, #tpu.memory_space<vmem>>, %arg5: memref<1000x64xf32, #tpu.memory_space<vmem>>, %arg6: memref<1000x64xf32, #tpu.memory_space<vmem>>) attributes {dimension_semantics = [#tpu.dimension_semantics<arbitrary>], iteration_bounds = array<i64: 10>, scalar_prefetch = 0 : i64, scratch_operands = 0 : i64, tpu.core_type = #tpu.core_type<tc>, window_params = [{transform_indices = @transform_0, window_bounds = array<i64: 1000, 1>}, {transform_indices = @transform_1, window_bounds = array<i64: 1000, 1>}, {transform_indices = @transform_2, window_bounds = array<i64: 1000, 128>}, {transform_indices = @transform_3, window_bounds = array<i64: 1000, 1>}, {transform_indices = @transform_4, window_bounds = array<i64: 1000, 64>}, {transform_indices = @transform_5, window_bounds = array<i64: 1000, 64>}]} {
    %get3A = arith.constant 0 : index
    %get3A_0 = arith.constant 0 : index
    %get3A_1 = vector.load %arg1[%get3A, %get3A_0] : memref<1000x1xf32, #tpu.memory_space<vmem>>, vector<1000x1xf32>
    %get3A_2 = arith.constant 0 : index
    %get3A_3 = arith.constant 0 : index
    %get3A_4 = vector.load %arg2[%get3A_2, %get3A_3] : memref<1000x1xf32, #tpu.memory_space<vmem>>, vector<1000x1xf32>
    %add3A = arith.addf %get3A_1, %get3A_4 : vector<1000x1xf32>
    %add3A_5 = arith.constant 1.000000e+00 : f32
    %add3A_6 = vector.broadcast %add3A_5 : f32 to vector<1000x1xf32>
    %add3A_7 = arith.addf %add3A, %add3A_6 : vector<1000x1xf32>
    %rsqrt3A = math.rsqrt %add3A_7 : vector<1000x1xf32>
    %swap3A = arith.constant 0 : index
    %swap3A_8 = arith.constant 0 : index
    %swap3A_9 = vector.load %arg4[%swap3A, %swap3A_8] : memref<1000x1xf32, #tpu.memory_space<vmem>>, vector<1000x1xf32>
    tpu.vector_store %arg4[%swap3A, %swap3A_8], %rsqrt3A {strides = array<i32>} : memref<1000x1xf32, #tpu.memory_space<vmem>>, vector<1000x1xf32>,
    %get3A_10 = arith.constant 0 : index
    %get3A_11 = arith.constant 0 : index
    %get3A_12 = vector.load %arg3[%get3A_10, %get3A_11] : memref<1000x128xf32, #tpu.memory_space<vmem>>, vector<1000x128xf32>
    %mul3A = vector.broadcast %rsqrt3A : vector<1000x1xf32> to vector<1000x128xf32>
    %mul3A_13 = arith.mulf %get3A_12, %mul3A : vector<1000x128xf32>
    %slice3A = vector.extract_strided_slice %mul3A_13 {offsets = [0, 0], sizes = [1000, 64], strides = [1, 1]} : vector<1000x128xf32> to vector<1000x64xf32>
    %swap3A_14 = arith.constant 0 : index
    %swap3A_15 = arith.constant 0 : index
    %swap3A_16 = vector.load %arg5[%swap3A_14, %swap3A_15] : memref<1000x64xf32, #tpu.memory_space<vmem>>, vector<1000x64xf32>
    tpu.vector_store %arg5[%swap3A_14, %swap3A_15], %slice3A {strides = array<i32>} : memref<1000x64xf32, #tpu.memory_space<vmem>>, vector<1000x64xf32>,
    %slice3A_17 = vector.extract_strided_slice %mul3A_13 {offsets = [0, 64], sizes = [1000, 64], strides = [1, 1]} : vector<1000x128xf32> to vector<1000x64xf32>
    %swap3A_18 = arith.constant 0 : index
    %swap3A_19 = arith.constant 0 : index
    %swap3A_20 = vector.load %arg6[%swap3A_18, %swap3A_19] : memref<1000x64xf32, #tpu.memory_space<vmem>>, vector<1000x64xf32>
    tpu.vector_store %arg6[%swap3A_18, %swap3A_19], %slice3A_17 {strides = array<i32>} : memref<1000x64xf32, #tpu.memory_space<vmem>>, vector<1000x64xf32>,
    return
  }
  func.func @transform_0(%arg0: i32) -> (i32, i32) {
    %c0_i32 = arith.constant 0 : i32
    %c0_i32_0 = arith.constant 0 : i32
    return %arg0, %c0_i32 : i32, i32
  }
  func.func @transform_1(%arg0: i32) -> (i32, i32) {
    %c0_i32 = arith.constant 0 : i32
    %c0_i32_0 = arith.constant 0 : i32
    return %arg0, %c0_i32 : i32, i32
  }
  func.func @transform_2(%arg0: i32) -> (i32, i32) {
    %c0_i32 = arith.constant 0 : i32
    %c0_i32_0 = arith.constant 0 : i32
    return %arg0, %c0_i32 : i32, i32
  }
  func.func @transform_3(%arg0: i32) -> (i32, i32) {
    %c0_i32 = arith.constant 0 : i32
    %c0_i32_0 = arith.constant 0 : i32
    return %arg0, %c0_i32 : i32, i32
  }
  func.func @transform_4(%arg0: i32) -> (i32, i32) {
    %c0_i32 = arith.constant 0 : i32
    %c0_i32_0 = arith.constant 0 : i32
    return %arg0, %c0_i32 : i32, i32
  }
  func.func @transform_5(%arg0: i32) -> (i32, i32) {
    %c0_i32 = arith.constant 0 : i32
    %c0_i32_0 = arith.constant 0 : i32
    return %arg0, %c0_i32 : i32, i32
  }
}

module attributes {stable_mosaic.version = 14 : i64} {
  func.func @_layer_body(%arg0: i32, %arg1: memref<1000x64xf32, #tpu.memory_space<vmem>>, %arg2: memref<1000x64xf32, #tpu.memory_space<vmem>>, %arg3: memref<1000x128xf32, #tpu.memory_space<vmem>>, %arg4: memref<1000x1xf32, #tpu.memory_space<vmem>>, %arg5: memref<1x128xf32, #tpu.memory_space<vmem>>, %arg6: memref<128x128xf32, #tpu.memory_space<vmem>>, %arg7: memref<1000x128xf32, #tpu.memory_space<vmem>>, %arg8: memref<1000x64xf32, #tpu.memory_space<vmem>>, %arg9: memref<1000x64xf32, #tpu.memory_space<vmem>>) attributes {dimension_semantics = [#tpu.dimension_semantics<arbitrary>], iteration_bounds = array<i64: 10>, scalar_prefetch = 0 : i64, scratch_operands = 0 : i64, tpu.core_type = #tpu.core_type<tc>, window_params = [{transform_indices = @transform_0, window_bounds = array<i64: 1000, 64>}, {transform_indices = @transform_1, window_bounds = array<i64: 1000, 64>}, {transform_indices = @transform_2, window_bounds = array<i64: 1000, 128>}, {transform_indices = @transform_3, window_bounds = array<i64: 1000, 1>}, {pipeline_mode = #tpu.pipeline_mode<synchronous>, transform_indices = @transform_4, window_bounds = array<i64: 1, 128>}, {pipeline_mode = #tpu.pipeline_mode<synchronous>, transform_indices = @transform_5, window_bounds = array<i64: 128, 128>}, {transform_indices = @transform_6, window_bounds = array<i64: 1000, 128>}, {transform_indices = @transform_7, window_bounds = array<i64: 1000, 64>}, {transform_indices = @transform_8, window_bounds = array<i64: 1000, 64>}]} {
    %get3A = arith.constant 0 : index
    %get3A_0 = arith.constant 0 : index
    %get3A_1 = vector.load %arg4[%get3A, %get3A_0] : memref<1000x1xf32, #tpu.memory_space<vmem>>, vector<1000x1xf32>
    %get3A_2 = arith.constant 0 : index
    %get3A_3 = arith.constant 0 : index
    %get3A_4 = vector.load %arg1[%get3A_2, %get3A_3] : memref<1000x64xf32, #tpu.memory_space<vmem>>, vector<1000x64xf32>
    %get3A_5 = arith.constant 0 : index
    %get3A_6 = arith.constant 0 : index
    %get3A_7 = vector.load %arg2[%get3A_5, %get3A_6] : memref<1000x64xf32, #tpu.memory_space<vmem>>, vector<1000x64xf32>
    %concatenate3A = tpu.concatenate %get3A_4, %get3A_7 in 1 : vector<1000x64xf32>, vector<1000x64xf32> -> vector<1000x128xf32>
    %mul3A = vector.broadcast %get3A_1 : vector<1000x1xf32> to vector<1000x128xf32>
    %mul3A_8 = arith.mulf %concatenate3A, %mul3A : vector<1000x128xf32>
    %get3A_9 = arith.constant 0 : index
    %get3A_10 = arith.constant 0 : index
    %get3A_11 = vector.load %arg3[%get3A_9, %get3A_10] : memref<1000x128xf32, #tpu.memory_space<vmem>>, vector<1000x128xf32>
    %mul3A_12 = arith.mulf %get3A_1, %get3A_1 : vector<1000x1xf32>
    %mul3A_13 = vector.broadcast %mul3A_12 : vector<1000x1xf32> to vector<1000x128xf32>
    %mul3A_14 = arith.mulf %get3A_11, %mul3A_13 : vector<1000x128xf32>
    %add3A = arith.addf %mul3A_8, %mul3A_14 : vector<1000x128xf32>
    %get3A_15 = arith.constant 0 : index
    %get3A_16 = arith.constant 0 : index
    %get3A_17 = vector.load %arg5[%get3A_15, %get3A_16] : memref<1x128xf32, #tpu.memory_space<vmem>>, vector<1x128xf32>
    %add3A_18 = vector.broadcast %get3A_17 : vector<1x128xf32> to vector<1000x128xf32>
    %add3A_19 = arith.addf %add3A, %add3A_18 : vector<1000x128xf32>
    %max3A = arith.constant 0.000000e+00 : f32
    %max3A_20 = vector.broadcast %max3A : f32 to vector<1000x128xf32>
    %max3A_21 = arith.maximumf %add3A_19, %max3A_20 : vector<1000x128xf32>
    %get3A_22 = arith.constant 0 : index
    %get3A_23 = arith.constant 0 : index
    %get3A_24 = vector.load %arg6[%get3A_22, %get3A_23] : memref<128x128xf32, #tpu.memory_space<vmem>>, vector<128x128xf32>
    %dot_general3A = arith.constant dense<0.000000e+00> : vector<1000x128xf32>
    %dot_general3A_25 = tpu.matmul %max3A_21, %get3A_24, %dot_general3A {dimension_numbers = #tpu.dot_dimension_numbers<[1], [0], [0], [1], [0, 0, 1, 1], [], []>, transpose_lhs_hint = false} : vector<1000x128xf32>, vector<128x128xf32>, vector<1000x128xf32> -> vector<1000x128xf32>
    %swap3A = arith.constant 0 : index
    %swap3A_26 = arith.constant 0 : index
    %swap3A_27 = vector.load %arg7[%swap3A, %swap3A_26] : memref<1000x128xf32, #tpu.memory_space<vmem>>, vector<1000x128xf32>
    tpu.vector_store %arg7[%swap3A, %swap3A_26], %dot_general3A_25 {strides = array<i32>} : memref<1000x128xf32, #tpu.memory_space<vmem>>, vector<1000x128xf32>,
    %mul3A_28 = vector.broadcast %get3A_1 : vector<1000x1xf32> to vector<1000x128xf32>
    %mul3A_29 = arith.mulf %dot_general3A_25, %mul3A_28 : vector<1000x128xf32>
    %slice3A = vector.extract_strided_slice %mul3A_29 {offsets = [0, 0], sizes = [1000, 64], strides = [1, 1]} : vector<1000x128xf32> to vector<1000x64xf32>
    %swap3A_30 = arith.constant 0 : index
    %swap3A_31 = arith.constant 0 : index
    %swap3A_32 = vector.load %arg8[%swap3A_30, %swap3A_31] : memref<1000x64xf32, #tpu.memory_space<vmem>>, vector<1000x64xf32>
    tpu.vector_store %arg8[%swap3A_30, %swap3A_31], %slice3A {strides = array<i32>} : memref<1000x64xf32, #tpu.memory_space<vmem>>, vector<1000x64xf32>,
    %slice3A_33 = vector.extract_strided_slice %mul3A_29 {offsets = [0, 64], sizes = [1000, 64], strides = [1, 1]} : vector<1000x128xf32> to vector<1000x64xf32>
    %swap3A_34 = arith.constant 0 : index
    %swap3A_35 = arith.constant 0 : index
    %swap3A_36 = vector.load %arg9[%swap3A_34, %swap3A_35] : memref<1000x64xf32, #tpu.memory_space<vmem>>, vector<1000x64xf32>
    tpu.vector_store %arg9[%swap3A_34, %swap3A_35], %slice3A_33 {strides = array<i32>} : memref<1000x64xf32, #tpu.memory_space<vmem>>, vector<1000x64xf32>,
    return
  }
  func.func @transform_0(%arg0: i32) -> (i32, i32) {
    %c0_i32 = arith.constant 0 : i32
    %c0_i32_0 = arith.constant 0 : i32
    return %arg0, %c0_i32 : i32, i32
  }
  func.func @transform_1(%arg0: i32) -> (i32, i32) {
    %c0_i32 = arith.constant 0 : i32
    %c0_i32_0 = arith.constant 0 : i32
    return %arg0, %c0_i32 : i32, i32
  }
  func.func @transform_2(%arg0: i32) -> (i32, i32) {
    %c0_i32 = arith.constant 0 : i32
    %c0_i32_0 = arith.constant 0 : i32
    return %arg0, %c0_i32 : i32, i32
  }
  func.func @transform_3(%arg0: i32) -> (i32, i32) {
    %c0_i32 = arith.constant 0 : i32
    %c0_i32_0 = arith.constant 0 : i32
    return %arg0, %c0_i32 : i32, i32
  }
  func.func @transform_4(%arg0: i32) -> (i32, i32) {
    %c0_i32 = arith.constant 0 : i32
    %c0_i32_0 = arith.constant 0 : i32
    %c0_i32_1 = arith.constant 0 : i32
    return %c0_i32, %c0_i32_0 : i32, i32
  }
  func.func @transform_5(%arg0: i32) -> (i32, i32) {
    %c0_i32 = arith.constant 0 : i32
    %c0_i32_0 = arith.constant 0 : i32
    %c0_i32_1 = arith.constant 0 : i32
    return %c0_i32, %c0_i32_0 : i32, i32
  }
  func.func @transform_6(%arg0: i32) -> (i32, i32) {
    %c0_i32 = arith.constant 0 : i32
    %c0_i32_0 = arith.constant 0 : i32
    return %arg0, %c0_i32 : i32, i32
  }
  func.func @transform_7(%arg0: i32) -> (i32, i32) {
    %c0_i32 = arith.constant 0 : i32
    %c0_i32_0 = arith.constant 0 : i32
    return %arg0, %c0_i32 : i32, i32
  }
  func.func @transform_8(%arg0: i32) -> (i32, i32) {
    %c0_i32 = arith.constant 0 : i32
    %c0_i32_0 = arith.constant 0 : i32
    return %arg0, %c0_i32 : i32, i32
  }
}

module attributes {stable_mosaic.version = 14 : i64} {
  func.func @_read_body(%arg0: i32, %arg1: memref<1000x64xf32, #tpu.memory_space<vmem>>, %arg2: memref<1000x64xf32, #tpu.memory_space<vmem>>, %arg3: memref<1000x128xf32, #tpu.memory_space<vmem>>, %arg4: memref<1000x1xf32, #tpu.memory_space<vmem>>, %arg5: memref<1x128xf32, #tpu.memory_space<vmem>>, %arg6: memref<256x1xf32, #tpu.memory_space<vmem>>, %arg7: memref<1000x1xf32, #tpu.memory_space<vmem>>, %arg8: memref<1000x1xf32, #tpu.memory_space<vmem>>) attributes {dimension_semantics = [#tpu.dimension_semantics<arbitrary>], iteration_bounds = array<i64: 10>, scalar_prefetch = 0 : i64, scratch_operands = 0 : i64, tpu.core_type = #tpu.core_type<tc>, window_params = [{transform_indices = @transform_0, window_bounds = array<i64: 1000, 64>}, {transform_indices = @transform_1, window_bounds = array<i64: 1000, 64>}, {transform_indices = @transform_2, window_bounds = array<i64: 1000, 128>}, {transform_indices = @transform_3, window_bounds = array<i64: 1000, 1>}, {pipeline_mode = #tpu.pipeline_mode<synchronous>, transform_indices = @transform_4, window_bounds = array<i64: 1, 128>}, {pipeline_mode = #tpu.pipeline_mode<synchronous>, transform_indices = @transform_5, window_bounds = array<i64: 256, 1>}, {transform_indices = @transform_6, window_bounds = array<i64: 1000, 1>}, {transform_indices = @transform_7, window_bounds = array<i64: 1000, 1>}]} {
    %get3A = arith.constant 0 : index
    %get3A_0 = arith.constant 0 : index
    %get3A_1 = vector.load %arg4[%get3A, %get3A_0] : memref<1000x1xf32, #tpu.memory_space<vmem>>, vector<1000x1xf32>
    %get3A_2 = arith.constant 0 : index
    %get3A_3 = arith.constant 0 : index
    %get3A_4 = vector.load %arg1[%get3A_2, %get3A_3] : memref<1000x64xf32, #tpu.memory_space<vmem>>, vector<1000x64xf32>
    %get3A_5 = arith.constant 0 : index
    %get3A_6 = arith.constant 0 : index
    %get3A_7 = vector.load %arg2[%get3A_5, %get3A_6] : memref<1000x64xf32, #tpu.memory_space<vmem>>, vector<1000x64xf32>
    %concatenate3A = tpu.concatenate %get3A_4, %get3A_7 in 1 : vector<1000x64xf32>, vector<1000x64xf32> -> vector<1000x128xf32>
    %mul3A = vector.broadcast %get3A_1 : vector<1000x1xf32> to vector<1000x128xf32>
    %mul3A_8 = arith.mulf %concatenate3A, %mul3A : vector<1000x128xf32>
    %get3A_9 = arith.constant 0 : index
    %get3A_10 = arith.constant 0 : index
    %get3A_11 = vector.load %arg3[%get3A_9, %get3A_10] : memref<1000x128xf32, #tpu.memory_space<vmem>>, vector<1000x128xf32>
    %mul3A_12 = arith.mulf %get3A_1, %get3A_1 : vector<1000x1xf32>
    %mul3A_13 = vector.broadcast %mul3A_12 : vector<1000x1xf32> to vector<1000x128xf32>
    %mul3A_14 = arith.mulf %get3A_11, %mul3A_13 : vector<1000x128xf32>
    %add3A = arith.addf %mul3A_8, %mul3A_14 : vector<1000x128xf32>
    %get3A_15 = arith.constant 0 : index
    %get3A_16 = arith.constant 0 : index
    %get3A_17 = vector.load %arg5[%get3A_15, %get3A_16] : memref<1x128xf32, #tpu.memory_space<vmem>>, vector<1x128xf32>
    %add3A_18 = vector.broadcast %get3A_17 : vector<1x128xf32> to vector<1000x128xf32>
    %add3A_19 = arith.addf %add3A, %add3A_18 : vector<1000x128xf32>
    %max3A = arith.constant 0.000000e+00 : f32
    %max3A_20 = vector.broadcast %max3A : f32 to vector<1000x128xf32>
    %max3A_21 = arith.maximumf %add3A_19, %max3A_20 : vector<1000x128xf32>
    %get3A_22 = arith.constant 0 : index
    %get3A_23 = arith.constant 0 : index
    %get3A_24 = vector.load %arg6[%get3A_22, %get3A_23] : memref<256x1xf32, #tpu.memory_space<vmem>>, vector<256x1xf32>
    %slice3A = vector.extract_strided_slice %get3A_24 {offsets = [0, 0], sizes = [128, 1], strides = [1, 1]} : vector<256x1xf32> to vector<128x1xf32>
    %dot_general3A = arith.constant dense<0.000000e+00> : vector<1000x1xf32>
    %dot_general3A_25 = tpu.matmul %max3A_21, %slice3A, %dot_general3A {dimension_numbers = #tpu.dot_dimension_numbers<[1], [0], [0], [1], [0, 0, 1, 1], [], []>, transpose_lhs_hint = false} : vector<1000x128xf32>, vector<128x1xf32>, vector<1000x1xf32> -> vector<1000x1xf32>
    %swap3A = arith.constant 0 : index
    %swap3A_26 = arith.constant 0 : index
    %swap3A_27 = vector.load %arg8[%swap3A, %swap3A_26] : memref<1000x1xf32, #tpu.memory_space<vmem>>, vector<1000x1xf32>
    tpu.vector_store %arg8[%swap3A, %swap3A_26], %dot_general3A_25 {strides = array<i32>} : memref<1000x1xf32, #tpu.memory_space<vmem>>, vector<1000x1xf32>,
    %slice3A_28 = vector.extract_strided_slice %get3A_24 {offsets = [128, 0], sizes = [128, 1], strides = [1, 1]} : vector<256x1xf32> to vector<128x1xf32>
    %dot_general3A_29 = arith.constant dense<0.000000e+00> : vector<1000x1xf32>
    %dot_general3A_30 = tpu.matmul %max3A_21, %slice3A_28, %dot_general3A_29 {dimension_numbers = #tpu.dot_dimension_numbers<[1], [0], [0], [1], [0, 0, 1, 1], [], []>, transpose_lhs_hint = false} : vector<1000x128xf32>, vector<128x1xf32>, vector<1000x1xf32> -> vector<1000x1xf32>
    %swap3A_31 = arith.constant 0 : index
    %swap3A_32 = arith.constant 0 : index
    %swap3A_33 = vector.load %arg7[%swap3A_31, %swap3A_32] : memref<1000x1xf32, #tpu.memory_space<vmem>>, vector<1000x1xf32>
    tpu.vector_store %arg7[%swap3A_31, %swap3A_32], %dot_general3A_30 {strides = array<i32>} : memref<1000x1xf32, #tpu.memory_space<vmem>>, vector<1000x1xf32>,
    return
  }
  func.func @transform_0(%arg0: i32) -> (i32, i32) {
    %c0_i32 = arith.constant 0 : i32
    %c0_i32_0 = arith.constant 0 : i32
    return %arg0, %c0_i32 : i32, i32
  }
  func.func @transform_1(%arg0: i32) -> (i32, i32) {
    %c0_i32 = arith.constant 0 : i32
    %c0_i32_0 = arith.constant 0 : i32
    return %arg0, %c0_i32 : i32, i32
  }
  func.func @transform_2(%arg0: i32) -> (i32, i32) {
    %c0_i32 = arith.constant 0 : i32
    %c0_i32_0 = arith.constant 0 : i32
    return %arg0, %c0_i32 : i32, i32
  }
  func.func @transform_3(%arg0: i32) -> (i32, i32) {
    %c0_i32 = arith.constant 0 : i32
    %c0_i32_0 = arith.constant 0 : i32
    return %arg0, %c0_i32 : i32, i32
  }
  func.func @transform_4(%arg0: i32) -> (i32, i32) {
    %c0_i32 = arith.constant 0 : i32
    %c0_i32_0 = arith.constant 0 : i32
    %c0_i32_1 = arith.constant 0 : i32
    return %c0_i32, %c0_i32_0 : i32, i32
  }
  func.func @transform_5(%arg0: i32) -> (i32, i32) {
    %c0_i32 = arith.constant 0 : i32
    %c0_i32_0 = arith.constant 0 : i32
    %c0_i32_1 = arith.constant 0 : i32
    return %c0_i32, %c0_i32_0 : i32, i32
  }
  func.func @transform_6(%arg0: i32) -> (i32, i32) {
    %c0_i32 = arith.constant 0 : i32
    %c0_i32_0 = arith.constant 0 : i32
    return %arg0, %c0_i32 : i32, i32
  }
  func.func @transform_7(%arg0: i32) -> (i32, i32) {
    %c0_i32 = arith.constant 0 : i32
    %c0_i32_0 = arith.constant 0 : i32
    return %arg0, %c0_i32 : i32, i32
  }
}

</mosaic_0001>

<sc_bundles>
// kernel: kernel.10.cloned.1.call-start
scs
__scs_entry_jumppad:
0x0: {  	(pc) =	sbr.rel $0x88, $3  }
0x1: {  	(tag) =	ssettag $0x0;
	lr =	simm.s32 $0x1  }
0x2: {  	[smem:$0x3F99] =	sst lr;
	_ =	strace $0xD0000000  }
0x3: {  	_ = 	snop  }
0x4: {  	_ = 	snop  }
0x5: {  	_ = 	snop  }
0x6: {  	_ = 	snop  }
0x7: {  	_ = 	snop  }
__scs_overlays_trampoline_lowered:
0x8: {  	[smem:$0x3FA8] =	sst s0  }
0x9: {  	[smem:$0x3FA9] =	sst s1  }
0xa: {  	[smem:$0x3FAA] =	sst s2  }
0xb: {  	[smem:$0x3FAB] =	sst s3  }
0xc: {  	[smem:$0x3FAC] =	sst s4  }
0xd: {  	[smem:$0x3FAD] =	sst s5  }
0xe: {  	[smem:$0x3FAE] =	sst s6  }
0xf: {  	[smem:$0x3FAF] =	sst s7  }
0x10: {  	[smem:$0x3FB0] =	sst s8  }
0x11: {  	[smem:$0x3FB1] =	sst s9;
	s0 =	simm.s32 @!p0 $0x0  }
0x12: {  	s1 =	sld [smem:$0x3F97];
	s0 =	simm.s32 @p0 $0x1  }
0x13: {  	[smem:$0x3FB2] =	sst s0;
	s0 =	simm.s32 @!p1 $0x0  }
0x14: {  	s2 =	sld [smem:$0x3F96];
	s0 =	simm.s32 @p1 $0x1  }
0x15: {  	[smem:$0x3FB3] =	sst s0;
	s0 =	simm.s32 @!p2 $0x0  }
0x16: {  	s3 =	sld [smem:$0x3FDB];
	s0 =	simm.s32 @p2 $0x1  }
0x17: {  	s4 =	simm.s32 $0x1BF5;
	[smem:$0x3FB5] =	sst s0  }
0x18: {  	s0 =	sld [smem:$0x3F98];
	_ =	swait.ge [sflag:s4], $0x0  }
0x19: {  	s7 =	sld [smem:$0x3F99]  }
0x1a: {  	s8 =	sadd.s32 $0xFFFFE003, lr  }
0x1b: {  	s9 =	sadd.s32 $0xFFFFFEF7, lr;
	s5 =	simm.s32 $0xFFFFFFFF;
	p2 =	slt.u32 s8, $0xFFFFF086  }
0x1c: {  	p1 =	slt.u32 s9, $0xF7A;
	s5 =	simm.s32 @!p2 $0x0  }
0x1d: {  	s5 =	simm.s32 @p1 $0x1;
	p0 =	seq.s32 s7, s2  }
0x1e: {  	s7 =	smul.u32 @!p0 $0xF7A, s2;
	p2 =	seq.s32 @!p0 s5, $0x0  }
0x1f: {  	s9 =	smul.u32 $0xF7A, s1;
	s8 =	simm.s32 @!p0 $0x1BF5;
	p2 =	por !p2, p0  }
0x20: {  	[sflag:s8] =	ssyncset.s32 @!p0 $0xFFFFF086;
	s6 =	sadd.s32 @!p0 s3, s7;
	s7 =	simm.s32 @!p0 $0x108  }
0x21: {  	s3 =	sadd.s32 s3, s9;
	s6 =	sadd.s32 @!p0 $0x88, s6;
	s7 =	simm.s32 @p2 $0x1082  }
0x22: {  	[simem:s7], [sflag:s8] =	dma.local @!p0 [hbm:s6], $0xF7A  }
0x23: {  	s9 =	sor.u32 $0xD0000000, s2;
	s6 =	simm.s32 $0x108;
	_ =	swait.ge @!p0 [sflag:s8], $0x0  }
0x24: {  	s3 =	sadd.s32 $0x88, s3;
	s6 =	simm.s32 @!p1 $0x1082;
	[sflag:s4] =	ssyncset.s32 $0xFFFFF086  }
0x25: {  	[simem:s6], [sflag:s4] =	dma.local [hbm:s3], $0xF7A  }
0x26: {  	[smem:$0x3F99] =	sst s1;
	(tag) =	ssettag s2;
	_ =	strace s9  }
0x27: {  	s1 =	sld [smem:$0x3FA9]  }
0x28: {  	s2 =	sld [smem:$0x3FAA]  }
0x29: {  	s4 =	sld [smem:$0x3FAC]  }
0x2a: {  	p0 =	seq.s32 s5, $0x0;
	s5 =	sld [smem:$0x3FAD]  }
0x2b: {  	s6 =	sld [smem:$0x3FAE]  }
0x2c: {  	s7 =	sld [smem:$0x3FAF]  }
0x2d: {  	s3 =	simm.s32 $0x108;
	s8 =	sld [smem:$0x3FB0]  }
0x2e: {  	s3 =	simm.s32 @!p0 $0x1082;
	s9 =	sld [smem:$0x3FB1]  }
0x2f: {  	lr =	sadd.s32 s0, s3;
	s0 =	sld [smem:$0x3FA8]  }
0x30: {  	s3 =	sld [smem:$0x3FAB]  }
0x31: {  	[smem:$0x3FB4] =	sst s10  }
0x32: {  	s10 =	sld [smem:$0x3FB2];
	_ =	sdelay $0x3  }
0x33: {  	p0 =	seq.s32 s10, $0x1;
	s10 =	sld [smem:$0x3FB4];
	_ =	sdelay $0x3  }
0x34: {  	[smem:$0x3FB4] =	sst s10  }
0x35: {  	s10 =	sld [smem:$0x3FB3];
	_ =	sdelay $0x3  }
0x36: {  	p1 =	seq.s32 s10, $0x1;
	s10 =	sld [smem:$0x3FB4];
	_ =	sdelay $0x3  }
0x37: {  	[smem:$0x3FB4] =	sst s10  }
0x38: {  	s10 =	sld [smem:$0x3FB5]  }
0x39: {  	_ = 	snop;
	(pc) =	sbr.ind lr, $3  }
0x3a: {  	_ = 	snop  }
0x3b: {  	_ = 	snop  }
0x3c: {  	p2 =	seq.s32 s10, $0x1;
	s10 =	sld [smem:$0x3FB4]  }
0x3d: {  	_ =	shalt  }
0x3e: {  	_ =	shalt  }
0x3f: {  	_ =	shalt  }
0x40: {  	_ =	shalt  }
0x41: {  	_ =	shalt  }
0x42: {  	_ =	shalt  }
0x43: {  	_ =	shalt  }
0x44: {  	_ =	shalt  }
0x45: {  	_ =	shalt  }
0x46: {  	_ =	shalt  }
0x47: {  	_ =	shalt  }
0x48: {  	_ =	shalt  }
0x49: {  	_ =	shalt  }
0x4a: {  	_ =	shalt  }
0x4b: {  	_ =	shalt  }
0x4c: {  	_ =	shalt  }
0x4d: {  	_ =	shalt  }
0x4e: {  	_ =	shalt  }
0x4f: {  	_ =	shalt  }
0x50: {  	_ =	shalt  }
0x51: {  	_ =	shalt  }
0x52: {  	_ =	shalt  }
0x53: {  	_ =	shalt  }
0x54: {  	_ =	shalt  }
0x55: {  	_ =	shalt  }
0x56: {  	_ =	shalt  }
0x57: {  	_ =	shalt  }
0x58: {  	_ =	shalt  }
0x59: {  	_ =	shalt  }
0x5a: {  	_ =	shalt  }
0x5b: {  	_ =	shalt  }
0x5c: {  	_ =	shalt  }
0x5d: {  	_ =	shalt  }
0x5e: {  	_ =	shalt  }
0x5f: {  	_ =	shalt  }
0x60: {  	_ =	shalt  }
0x61: {  	_ =	shalt  }
0x62: {  	_ =	shalt  }
0x63: {  	_ =	shalt  }
0x64: {  	_ =	shalt  }
0x65: {  	_ =	shalt  }
0x66: {  	_ =	shalt  }
0x67: {  	_ =	shalt  }
0x68: {  	_ =	shalt  }
0x69: {  	_ =	shalt  }
0x6a: {  	_ =	shalt  }
0x6b: {  	_ =	shalt  }
0x6c: {  	_ =	shalt  }
0x6d: {  	_ =	shalt  }
0x6e: {  	_ =	shalt  }
0x6f: {  	_ =	shalt  }
0x70: {  	_ =	shalt  }
0x71: {  	_ =	shalt  }
0x72: {  	_ =	shalt  }
0x73: {  	_ =	shalt  }
0x74: {  	_ =	shalt  }
0x75: {  	_ =	shalt  }
0x76: {  	_ =	shalt  }
0x77: {  	_ =	shalt  }
0x78: {  	_ =	shalt  }
0x79: {  	_ =	shalt  }
0x7a: {  	_ =	shalt  }
0x7b: {  	_ =	shalt  }
0x7c: {  	_ =	shalt  }
0x7d: {  	_ =	shalt  }
0x7e: {  	_ =	shalt  }
0x7f: {  	_ =	shalt  }
0x80: {  	_ =	shalt  }
0x81: {  	_ =	shalt  }
0x82: {  	_ =	shalt  }
0x83: {  	_ =	shalt  }
0x84: {  	_ =	shalt  }
0x85: {  	_ =	shalt  }
0x86: {  	_ =	shalt  }
0x87: {  	_ =	shalt  }
.Lfunc_end0:
.L_simem_size_0:
called_computation_lowered:
.L_overlay_start_0:
0x88: {  	s2 =	sld [smem:$0x3FD9]  }
0x89: {  	s3 =	sld [smem:$0x3FFE];
	_ =	sdelay $0x1  }
0x8a: {  	s1 =	srdreg.scid  }
0x8b: {  	s0 =	sand.u32 $0x1, s1  }
0x8c: {  	s16 =	sshll.u32 s0, $0xA;
	s2 =	sadd.s32 s3, s2  }
0x8d: {  	s2 =	sadd.s32 s2, s16  }
0x8e: {  	[smem:$0x3FC0] =	sst s2  }
0x8f: {  	_ = 	snop  }
0x90: {  	(tm) =	ssettm $0x1  }
0x91: {  	s17 =	sld [smem:$0x3FFB];
	_ =	sdelay $0x3  }
0x92: {  	_ =	strace s17  }
0x93: {  	s2 =	sld [smem:$0x3FFC];
	_ =	sdelay $0x3  }
0x94: {  	_ =	strace s2  }
0x95: {  	s2 =	sld [smem:$0x3FFD];
	_ =	sdelay $0x3  }
0x96: {  	_ =	strace s2  }
0x97: {  	_ =	strace $0x8FFFFFFF  }
0x98: {  	s18 =	sld [smem:$0x3FDB];
	_ =	sdelay $0x1  }
0x99: {  	s19 =	simm.s32 $_scs_section_size  }
0x9a: {  	s4 =	simm.s32 $_size__tile_overlayer_lowered;
	s5 =	simm.s32 $_tile_overlayer_lowered  }
0x9b: {  	s22 =	simm.s32 $0x1BFF;
	s21 =	sshll.u32 s5, $0x1;
	s2 =	sadd.s32 s19, s18  }
0x9c: {  	s6 =	simm.s32 $0x0;
	s20 =	sshll.u32 s4, $0x1;
	s4 =	sadd.s32 s21, s2  }
0x9d: {  	[timem:s6], [sflag:s22] =	dma.local [hbm:s4], s20  }
0x9e: {  	_ =	swait.ge [sflag:s22], s20  }
0x9f: {  	s3 =	ssub.s32 $0x0, s20;
	[sflag:s22] =	ssyncset.done $0x0  }
0xa0: {  	[sflag:s22] =	ssyncadd.s32 s3;
	_ =	sdelay $0x1  }
0xa1: {  	s23 =	simm.s32 $0x1B8B  }
0xa2: {  	_ =	swait.ge [sflag:s23], $0x1  }
0xa3: {  	[sflag:s23] =	ssyncset.done $0x0  }
0xa4: {  	s25 =	simm.s32 $0x1B8E;
	s24 =	sld [smem:$0x3FFE];
	[sflag:s23] =	ssyncadd.s32 $0xFFFFFFFF  }
0xa5: {  	s26 =	simm.s32 $execute0_lowered;
	[smem:$0x3FD2] =	sst s25  }
0xa6: {  	s4 =	sshll.u32 s26, $0x1;
	_ =	strace $0x80000046;
	[dreg:$0x1] =	wrdreg $0xFFFFFFFF  }
0xa7: {  	s28 =	simm.s32 $_size_execute0_lowered;
	s2 =	sadd.s32 s2, s4;
	[dreg:$0x0] =	wrdreg $0x0  }
0xa8: {  	s4 =	sshll.u32 s28, $0x1;
	[dreg:$0x2] =	wrdreg s2  }
0xa9: {  	[dreg:$0x3] =	wrdreg s4  }
0xaa: {  	[dreg:$0x4] =	wrdreg $0xC0  }
0xab: {  	_ =	task [dreg:s6], $0x5FFFF  }
0xac: {  	[dreg:$0x1] =	wrdreg $0xFFFFFFFF  }
0xad: {  	[dreg:$0x0] =	wrdreg $0x60  }
0xae: {  	[dreg:$0x2] =	wrdreg s24  }
0xaf: {  	[dreg:$0x3] =	wrdreg $0x2C000  }
0xb0: {  	[dreg:$0x4] =	wrdreg $0x9  }
0xb1: {  	_ =	task.clear_ibuf [dreg:s6], $0x5FFFF;
	_ =	strace $0x90000046  }
0xb2: {  	s29 =	simm.s32 $0x9;
	_ =	strace $0x80000048  }
0xb3: {  	_ =	swait.ge [sflag:s29], $0x1  }
0xb4: {  	[sflag:s29] =	ssyncadd.s32 $0xFFFFFFFF  }
0xb5: {  	_ =	strace $0x90000048  }
0xb6: {  	_ =	sfence  }
0xb7: {  	s30 =	sld [smem:$0x0];
	_ =	sdelay $0x2  }
0xb8: {  	s31 =	sshll.u32 s1, $0xD;
	s1 =	sshrl.u32 s1, $0x2  }
0xb9: {  	s3 =	sand.u32 $0x4000, s31;
	s1 =	sadd.s32 s1, s30  }
0xba: {  	s0 =	sor.u32 s3, s0;
	s1 =	sshll.u32 s1, $0x11  }
0xbb: {  	s0 =	sor.u32 s1, s0  }
0xbc: {  	s0 =	sadd.s32 $0x8F2B, s0  }
0xbd: {  	[sflag:s0] =	ssyncadd.remote.s32 $0x1  }
0xbe: {  	_ =	sfence.sel $0xFFFF  }
0xbf: {  	[dreg:$0x0] =	wrdreg $0xFFFFFFFF;
	(pc) =	sbr.abs _section_cstart, $3  }
0xc0: {  	[dreg:$0x1] =	wrdreg $0xFFFFFFFF  }
0xc1: {  	_ =	task.clear_ibuf [dreg:s6], $0x2FFFF;
	_ =	strace $0x9FFFFFFF  }
0xc2: {  	(tm) =	ssettm $0x7FFFFFFF  }
0xc3: {  	_ =	shalt  }
tec
execute0_lowered:
.L_overlay_start_1:
0x0: {  	(tag) =	ssettag $0x1  }
0x1: {  	s1 =	srdreg.scid;
	s6 =	rddreg [dreg:$0x0]  }
0x2: {  	s0 =	stileid.u32;
	s2 =	rddreg [dreg:$0x1];
	s3 =	simm.s32 $0x0  }
0x3: {  	s13 =	simm.s32 $0x80;
	s14 =	simm.s32 $0x0;
	s4 =	smul.u32 $0x5000, s0  }
0x4: {  	s5 =	sand.u32 $0x1, s1;
	s1 =	rddreg [dreg:$0x2];
	s8 =	smul.u32 $0x13C0, s0  }
0x5: {  	[smem:$0x7FF] =	sst s3;
	s11 =	sshll.u32 s0, $0x6;
	s7 =	smul.u32 $0x2800, s5  }
0x6: {  	s30 =	smul.u32 $0x13C00, s5;
	_ =	strace $0x80000047;
	s10 =	ssub.s32 $0x2, s5  }
0x7: {  	s5 =	sadd.s32 $0xC400, s6;
	s11 =	sor.u32 $0x1C01, s11;
	s31 =	sshrl.u32 s10, $0x1  }
0x8: {  	s12 =	sadd.s32 s8, s2;
	s4 =	sadd.s32 s7, s4;
	s7 =	sadd.s32 s8, s30  }
0x9: {  	s10 =	ssub.s32 s10, s31;
	s12 =	sshrl.u32 s12, $0x3;
	s4 =	sshrl.u32 s4, $0x3  }
0xa: {  	s7 =	sshrl.u32 s7, $0x3;
	s8 =	smax.u32 s10, $0x1;
	s10 =	simm.s32 $0x2800  }
0xb: {  	s9 =	sadd.s32 s4, s6;
	s4 =	sadd.s32 $0xC200, s6;
	s7 =	sadd.s32 s7, s6  }
0xc: {  	s6 =	sadd.s32 $0x2200, s9;
	s7 =	sadd.s32 $0xC800, s7;
	s9 =	simm.s32 $0x1  }
.LBB2_1:
0xd: {  	[tilespmem:s3], [sflag:$0x1] =	stream.linear.gather [hbm4b:s6+s3], $0x2800, $0x38;
	[tilespmem:$0x3FC0] =	vst v63  }
0xe: {  	_ =	swait.ge [sflag:s9], $0x2800  }
0xf: {  	[sflag:s9] =	ssyncset.done $0x0  }
0x10: {  	[sflag:s9] =	ssyncadd.s32 $0xFFFFD800  }
0x11: {  	[tilespmem:s10], [sflag:$0x1] =	stream.linear.gather [hbm4b:s4+s3], $0x400, $0x38;
	[tilespmem:$0x3FC0] =	vst v63  }
0x12: {  	_ =	swait.ge [sflag:s9], $0x400  }
0x13: {  	[sflag:s9] =	ssyncset.done $0x0  }
0x14: {  	[sflag:s9] =	ssyncadd.s32 $0xFFFFFC00  }
0x15: {  	[spmem:s12], [sflag:s11] =	dma.local [hbm:s5], $0x278  }
0x16: {  	_ =	swait.ge [sflag:s9], $0x278  }
0x17: {  	[sflag:s9] =	ssyncset.done $0x0  }
0x18: {  	[sflag:s9] =	ssyncadd.s32 $0xFFFFFD88  }
0x19: {  	s15 =	simm.s32 $0x0;
	[bflag:$0x0] =	sbarrier.arrive $0xFFFF  }
0x1a: {  	[spmem:s2] =	stream.indirect.scatter.add.f32 [tilespmem:s10], [sflag:$0x1], $0x8, s15, s13, $0xb8;
	[tilespmem:$0x3FC0] =	vst v63  }
0x1b: {  	_ =	swait.ge [sflag:s9], $0x400  }
0x1c: {  	s15 =	simm.s32 $0x200;
	[sflag:s9] =	ssyncset.done $0x0  }
.LBB2_2:
0x1d: {  	s16 =	sshra.s32 s15, $0x2;
	[sflag:s9] =	ssyncadd.s32 $0xFFFFFC00;
	p0 =	sne.s32 s15, $0x9E00  }
0x1e: {  	[spmem:s2] =	stream.indirect.scatter.add.f32 [tilespmem:s10], [sflag:$0x1], $0x8, s16, s13, $0xb8;
	[tilespmem:$0x3FC0] =	vst v63  }
.Ltmp0:
0x1f: {  	_ = 	snop;
	(pc) =	sbr.rel @p0 .LBB2_2-.Ltmp0, $4  }
0x20: {  	_ = 	snop  }
0x21: {  	s15 =	sadd.s32 $0x200, s15  }
0x22: {  	_ =	swait.ge [sflag:s9], $0x400  }
0x23: {  	[sflag:s9] =	ssyncset.done $0x0  }
0x24: {  	s14 =	sadd.s32 $0x1, s14  }
0x25: {  	[sflag:s9] =	ssyncadd.s32 $0xFFFFFC00;
	p0 =	sne.s32 s14, s8  }
.Ltmp1:
0x26: {  	[bflag:$0x0] =	sbarrier.arrive $0xFFFF;
	(pc) =	sbr.rel @p0 .LBB2_1-.Ltmp1, $4  }
0x27: {  	[hbm:s7], [sflag:s11] =	dma.local [spmem:s12], $0x278  }
0x28: {  	_ =	swait.ge [sflag:s9], $0x278  }
0x29: {  	[sflag:s9] =	ssyncset.done $0x0  }
0x2a: {  	[sflag:s9] =	ssyncadd.s32 $0xFFFFFD88  }
0x2b: {  	_ =	sfence.sel $0x180000  }
0x2c: {  	[bflag:$0x0] =	sbarrier.arrive $0xFFFF  }
0x2d: {  	p0 =	sne.s32 s0, $0x0;
	_ =	strace $0x90000047  }
0x2e: {  	s0 =	sadd.s32 @!p0 $0x100000, s1;
	[bflag:$0x2] =	sbarrier.arrive $0xFFFF  }
0x2f: {  	[sflag:s0] =	ssyncadd.tile.s32 @!p0 $0x1;
	_ =	shalt  }
.Lfunc_end2:
_tile_overlayer_lowered:
.L_overlay_start_2:
0x30: {  	(tag) =	ssettag $0x2  }
0x31: {  	s0 =	rddreg [dreg:$0x0];
	s2 =	stileid.u32  }
0x32: {  	s1 =	rddreg [dreg:$0x1];
	p0 =	sne.s32 s2, $0x0  }
0x33: {  	s3 =	rddreg [dreg:$0x2];
	[bflag:$0x3] =	sbarrier.arrive $0xFFFF;
	s2 =	simm.s32 @!p0 $0x1C01  }
0x34: {  	[timem:s3], [sflag:s2] =	dma.local @!p0 [hbm:s0], s1  }
0x35: {  	s0 =	simm.s32 @!p0 $0x1  }
0x36: {  	_ =	swait.ge @!p0 [sflag:s0], s1  }
0x37: {  	s1 =	ssub.s32 @!p0 $0x0, s1;
	[sflag:s0] =	ssyncset.done @!p0 $0x0  }
0x38: {  	[sflag:s0] =	ssyncadd.s32 @!p0 s1  }
0x39: {  	[bflag:$0x3] =	sbarrier.arrive $0xFFFF  }
0x3a: {  	_ =	shalt  }

// kernel: kernel.13.cloned.1.call-start
scs
__scs_entry_jumppad:
0x0: {  	(pc) =	sbr.rel $0x88, $3  }
0x1: {  	(tag) =	ssettag $0x0;
	lr =	simm.s32 $0x1  }
0x2: {  	[smem:$0x3F99] =	sst lr;
	_ =	strace $0xD0000000  }
0x3: {  	_ = 	snop  }
0x4: {  	_ = 	snop  }
0x5: {  	_ = 	snop  }
0x6: {  	_ = 	snop  }
0x7: {  	_ = 	snop  }
__scs_overlays_trampoline_lowered:
0x8: {  	[smem:$0x3FA8] =	sst s0  }
0x9: {  	[smem:$0x3FA9] =	sst s1  }
0xa: {  	[smem:$0x3FAA] =	sst s2  }
0xb: {  	[smem:$0x3FAB] =	sst s3  }
0xc: {  	[smem:$0x3FAC] =	sst s4  }
0xd: {  	[smem:$0x3FAD] =	sst s5  }
0xe: {  	[smem:$0x3FAE] =	sst s6  }
0xf: {  	[smem:$0x3FAF] =	sst s7  }
0x10: {  	[smem:$0x3FB0] =	sst s8  }
0x11: {  	[smem:$0x3FB1] =	sst s9;
	s0 =	simm.s32 @!p0 $0x0  }
0x12: {  	s1 =	sld [smem:$0x3F97];
	s0 =	simm.s32 @p0 $0x1  }
0x13: {  	[smem:$0x3FB2] =	sst s0;
	s0 =	simm.s32 @!p1 $0x0  }
0x14: {  	s2 =	sld [smem:$0x3F96];
	s0 =	simm.s32 @p1 $0x1  }
0x15: {  	[smem:$0x3FB3] =	sst s0;
	s0 =	simm.s32 @!p2 $0x0  }
0x16: {  	s3 =	sld [smem:$0x3FDB];
	s0 =	simm.s32 @p2 $0x1  }
0x17: {  	s4 =	simm.s32 $0x1BF5;
	[smem:$0x3FB5] =	sst s0  }
0x18: {  	s0 =	sld [smem:$0x3F98];
	_ =	swait.ge [sflag:s4], $0x0  }
0x19: {  	s7 =	sld [smem:$0x3F99]  }
0x1a: {  	s8 =	sadd.s32 $0xFFFFE003, lr  }
0x1b: {  	s9 =	sadd.s32 $0xFFFFFEF7, lr;
	s5 =	simm.s32 $0xFFFFFFFF;
	p2 =	slt.u32 s8, $0xFFFFF086  }
0x1c: {  	p1 =	slt.u32 s9, $0xF7A;
	s5 =	simm.s32 @!p2 $0x0  }
0x1d: {  	s5 =	simm.s32 @p1 $0x1;
	p0 =	seq.s32 s7, s2  }
0x1e: {  	s7 =	smul.u32 @!p0 $0xF7A, s2;
	p2 =	seq.s32 @!p0 s5, $0x0  }
0x1f: {  	s9 =	smul.u32 $0xF7A, s1;
	s8 =	simm.s32 @!p0 $0x1BF5;
	p2 =	por !p2, p0  }
0x20: {  	[sflag:s8] =	ssyncset.s32 @!p0 $0xFFFFF086;
	s6 =	sadd.s32 @!p0 s3, s7;
	s7 =	simm.s32 @!p0 $0x108  }
0x21: {  	s3 =	sadd.s32 s3, s9;
	s6 =	sadd.s32 @!p0 $0x88, s6;
	s7 =	simm.s32 @p2 $0x1082  }
0x22: {  	[simem:s7], [sflag:s8] =	dma.local @!p0 [hbm:s6], $0xF7A  }
0x23: {  	s9 =	sor.u32 $0xD0000000, s2;
	s6 =	simm.s32 $0x108;
	_ =	swait.ge @!p0 [sflag:s8], $0x0  }
0x24: {  	s3 =	sadd.s32 $0x88, s3;
	s6 =	simm.s32 @!p1 $0x1082;
	[sflag:s4] =	ssyncset.s32 $0xFFFFF086  }
0x25: {  	[simem:s6], [sflag:s4] =	dma.local [hbm:s3], $0xF7A  }
0x26: {  	[smem:$0x3F99] =	sst s1;
	(tag) =	ssettag s2;
	_ =	strace s9  }
0x27: {  	s1 =	sld [smem:$0x3FA9]  }
0x28: {  	s2 =	sld [smem:$0x3FAA]  }
0x29: {  	s4 =	sld [smem:$0x3FAC]  }
0x2a: {  	p0 =	seq.s32 s5, $0x0;
	s5 =	sld [smem:$0x3FAD]  }
0x2b: {  	s6 =	sld [smem:$0x3FAE]  }
0x2c: {  	s7 =	sld [smem:$0x3FAF]  }
0x2d: {  	s3 =	simm.s32 $0x108;
	s8 =	sld [smem:$0x3FB0]  }
0x2e: {  	s3 =	simm.s32 @!p0 $0x1082;
	s9 =	sld [smem:$0x3FB1]  }
0x2f: {  	lr =	sadd.s32 s0, s3;
	s0 =	sld [smem:$0x3FA8]  }
0x30: {  	s3 =	sld [smem:$0x3FAB]  }
0x31: {  	[smem:$0x3FB4] =	sst s10  }
0x32: {  	s10 =	sld [smem:$0x3FB2];
	_ =	sdelay $0x3  }
0x33: {  	p0 =	seq.s32 s10, $0x1;
	s10 =	sld [smem:$0x3FB4];
	_ =	sdelay $0x3  }
0x34: {  	[smem:$0x3FB4] =	sst s10  }
0x35: {  	s10 =	sld [smem:$0x3FB3];
	_ =	sdelay $0x3  }
0x36: {  	p1 =	seq.s32 s10, $0x1;
	s10 =	sld [smem:$0x3FB4];
	_ =	sdelay $0x3  }
0x37: {  	[smem:$0x3FB4] =	sst s10  }
0x38: {  	s10 =	sld [smem:$0x3FB5]  }
0x39: {  	_ = 	snop;
	(pc) =	sbr.ind lr, $3  }
0x3a: {  	_ = 	snop  }
0x3b: {  	_ = 	snop  }
0x3c: {  	p2 =	seq.s32 s10, $0x1;
	s10 =	sld [smem:$0x3FB4]  }
0x3d: {  	_ =	shalt  }
0x3e: {  	_ =	shalt  }
0x3f: {  	_ =	shalt  }
0x40: {  	_ =	shalt  }
0x41: {  	_ =	shalt  }
0x42: {  	_ =	shalt  }
0x43: {  	_ =	shalt  }
0x44: {  	_ =	shalt  }
0x45: {  	_ =	shalt  }
0x46: {  	_ =	shalt  }
0x47: {  	_ =	shalt  }
0x48: {  	_ =	shalt  }
0x49: {  	_ =	shalt  }
0x4a: {  	_ =	shalt  }
0x4b: {  	_ =	shalt  }
0x4c: {  	_ =	shalt  }
0x4d: {  	_ =	shalt  }
0x4e: {  	_ =	shalt  }
0x4f: {  	_ =	shalt  }
0x50: {  	_ =	shalt  }
0x51: {  	_ =	shalt  }
0x52: {  	_ =	shalt  }
0x53: {  	_ =	shalt  }
0x54: {  	_ =	shalt  }
0x55: {  	_ =	shalt  }
0x56: {  	_ =	shalt  }
0x57: {  	_ =	shalt  }
0x58: {  	_ =	shalt  }
0x59: {  	_ =	shalt  }
0x5a: {  	_ =	shalt  }
0x5b: {  	_ =	shalt  }
0x5c: {  	_ =	shalt  }
0x5d: {  	_ =	shalt  }
0x5e: {  	_ =	shalt  }
0x5f: {  	_ =	shalt  }
0x60: {  	_ =	shalt  }
0x61: {  	_ =	shalt  }
0x62: {  	_ =	shalt  }
0x63: {  	_ =	shalt  }
0x64: {  	_ =	shalt  }
0x65: {  	_ =	shalt  }
0x66: {  	_ =	shalt  }
0x67: {  	_ =	shalt  }
0x68: {  	_ =	shalt  }
0x69: {  	_ =	shalt  }
0x6a: {  	_ =	shalt  }
0x6b: {  	_ =	shalt  }
0x6c: {  	_ =	shalt  }
0x6d: {  	_ =	shalt  }
0x6e: {  	_ =	shalt  }
0x6f: {  	_ =	shalt  }
0x70: {  	_ =	shalt  }
0x71: {  	_ =	shalt  }
0x72: {  	_ =	shalt  }
0x73: {  	_ =	shalt  }
0x74: {  	_ =	shalt  }
0x75: {  	_ =	shalt  }
0x76: {  	_ =	shalt  }
0x77: {  	_ =	shalt  }
0x78: {  	_ =	shalt  }
0x79: {  	_ =	shalt  }
0x7a: {  	_ =	shalt  }
0x7b: {  	_ =	shalt  }
0x7c: {  	_ =	shalt  }
0x7d: {  	_ =	shalt  }
0x7e: {  	_ =	shalt  }
0x7f: {  	_ =	shalt  }
0x80: {  	_ =	shalt  }
0x81: {  	_ =	shalt  }
0x82: {  	_ =	shalt  }
0x83: {  	_ =	shalt  }
0x84: {  	_ =	shalt  }
0x85: {  	_ =	shalt  }
0x86: {  	_ =	shalt  }
0x87: {  	_ =	shalt  }
.Lfunc_end0:
.L_simem_size_0:
called_computation.1_lowered:
.L_overlay_start_0:
0x88: {  	s2 =	sld [smem:$0x3FD9]  }
0x89: {  	s3 =	sld [smem:$0x3FFE];
	_ =	sdelay $0x1  }
0x8a: {  	s1 =	srdreg.scid  }
0x8b: {  	s0 =	sand.u32 $0x1, s1  }
0x8c: {  	s16 =	sshll.u32 s0, $0xA;
	s2 =	sadd.s32 s3, s2  }
0x8d: {  	s2 =	sadd.s32 s2, s16  }
0x8e: {  	[smem:$0x3FC0] =	sst s2  }
0x8f: {  	_ = 	snop  }
0x90: {  	(tm) =	ssettm $0x1  }
0x91: {  	s17 =	sld [smem:$0x3FFB];
	_ =	sdelay $0x3  }
0x92: {  	_ =	strace s17  }
0x93: {  	s2 =	sld [smem:$0x3FFC];
	_ =	sdelay $0x3  }
0x94: {  	_ =	strace s2  }
0x95: {  	s2 =	sld [smem:$0x3FFD];
	_ =	sdelay $0x3  }
0x96: {  	_ =	strace s2  }
0x97: {  	_ =	strace $0x8FFFFFFF  }
0x98: {  	s18 =	sld [smem:$0x3FDB];
	_ =	sdelay $0x1  }
0x99: {  	s19 =	simm.s32 $_scs_section_size  }
0x9a: {  	s4 =	simm.s32 $_size__tile_overlayer_lowered;
	s5 =	simm.s32 $_tile_overlayer_lowered  }
0x9b: {  	s22 =	simm.s32 $0x1BFF;
	s21 =	sshll.u32 s5, $0x1;
	s2 =	sadd.s32 s19, s18  }
0x9c: {  	s6 =	simm.s32 $0x0;
	s20 =	sshll.u32 s4, $0x1;
	s4 =	sadd.s32 s21, s2  }
0x9d: {  	[timem:s6], [sflag:s22] =	dma.local [hbm:s4], s20  }
0x9e: {  	_ =	swait.ge [sflag:s22], s20  }
0x9f: {  	s3 =	ssub.s32 $0x0, s20;
	[sflag:s22] =	ssyncset.done $0x0  }
0xa0: {  	[sflag:s22] =	ssyncadd.s32 s3;
	_ =	sdelay $0x1  }
0xa1: {  	s23 =	simm.s32 $0x1B8B  }
0xa2: {  	_ =	swait.ge [sflag:s23], $0x1  }
0xa3: {  	[sflag:s23] =	ssyncset.done $0x0  }
0xa4: {  	s25 =	simm.s32 $0x1B8E;
	s24 =	sld [smem:$0x3FFE];
	[sflag:s23] =	ssyncadd.s32 $0xFFFFFFFF  }
0xa5: {  	s26 =	simm.s32 $execute0_lowered;
	[smem:$0x3FD2] =	sst s25  }
0xa6: {  	s4 =	sshll.u32 s26, $0x1;
	_ =	strace $0x80000049;
	[dreg:$0x1] =	wrdreg $0xFFFFFFFF  }
0xa7: {  	s28 =	simm.s32 $_size_execute0_lowered;
	s2 =	sadd.s32 s2, s4;
	[dreg:$0x0] =	wrdreg $0x0  }
0xa8: {  	s4 =	sshll.u32 s28, $0x1;
	[dreg:$0x2] =	wrdreg s2  }
0xa9: {  	[dreg:$0x3] =	wrdreg s4  }
0xaa: {  	[dreg:$0x4] =	wrdreg $0xC0  }
0xab: {  	_ =	task [dreg:s6], $0x5FFFF  }
0xac: {  	[dreg:$0x1] =	wrdreg $0xFFFFFFFF  }
0xad: {  	[dreg:$0x0] =	wrdreg $0x60  }
0xae: {  	[dreg:$0x2] =	wrdreg s24  }
0xaf: {  	[dreg:$0x3] =	wrdreg $0x120000  }
0xb0: {  	[dreg:$0x4] =	wrdreg $0x9  }
0xb1: {  	_ =	task.clear_ibuf [dreg:s6], $0x5FFFF;
	_ =	strace $0x90000049  }
0xb2: {  	s29 =	simm.s32 $0x9;
	_ =	strace $0x8000004B  }
0xb3: {  	_ =	swait.ge [sflag:s29], $0x1  }
0xb4: {  	[sflag:s29] =	ssyncadd.s32 $0xFFFFFFFF  }
0xb5: {  	_ =	strace $0x9000004B  }
0xb6: {  	_ =	sfence  }
0xb7: {  	s30 =	sld [smem:$0x0];
	_ =	sdelay $0x2  }
0xb8: {  	s31 =	sshll.u32 s1, $0xD;
	s1 =	sshrl.u32 s1, $0x2  }
0xb9: {  	s3 =	sand.u32 $0x4000, s31;
	s1 =	sadd.s32 s1, s30  }
0xba: {  	s0 =	sor.u32 s3, s0;
	s1 =	sshll.u32 s1, $0x11  }
0xbb: {  	s0 =	sor.u32 s1, s0  }
0xbc: {  	s0 =	sadd.s32 $0x8F2B, s0  }
0xbd: {  	[sflag:s0] =	ssyncadd.remote.s32 $0x1  }
0xbe: {  	_ =	sfence.sel $0xFFFF  }
0xbf: {  	[dreg:$0x0] =	wrdreg $0xFFFFFFFF;
	(pc) =	sbr.abs _section_cstart, $3  }
0xc0: {  	[dreg:$0x1] =	wrdreg $0xFFFFFFFF  }
0xc1: {  	_ =	task.clear_ibuf [dreg:s6], $0x2FFFF;
	_ =	strace $0x9FFFFFFF  }
0xc2: {  	(tm) =	ssettm $0x7FFFFFFF  }
0xc3: {  	_ =	shalt  }
tec
execute0_lowered:
.L_overlay_start_1:
0x0: {  	(tag) =	ssettag $0x1  }
0x1: {  	s7 =	rddreg [dreg:$0x0]  }
0x2: {  	s2 =	rddreg [dreg:$0x1]  }
0x3: {  	s0 =	rddreg [dreg:$0x2]  }
0x4: {  	s1 =	stileid.u32;
	s4 =	srdreg.scid;
	s3 =	simm.s32 $0x0  }
0x5: {  	s16 =	simm.s32 $0xA000;
	s17 =	simm.s32 $0xE000;
	s18 =	simm.s32 $0x1  }
0x6: {  	s19 =	simm.s32 $0x2;
	s20 =	simm.s32 $0x9E00;
	s21 =	simm.s32 $0x9F00  }
0x7: {  	s22 =	simm.s32 $0x0;
	s6 =	smul.u32 $0xA00, s1;
	s9 =	sand.u32 $0x1, s4  }
0x8: {  	s10 =	smul.u32 $0x9E00, s1;
	[smem:$0x7FF] =	sst s3;
	s4 =	sadd.s32 $0x69C00, s7  }
0x9: {  	s5 =	sadd.s32 $0x7D600, s7;
	s31 =	sshll.u32 s1, $0x6;
	s8 =	smul.u32 $0x9E000, s9  }
0xa: {  	_ =	strace $0x8000004A;
	s12 =	ssub.s32 $0x2, s9;
	p0 =	seq.s32 s9, $0x1  }
0xb: {  	s11 =	sadd.s32 s6, s7;
	s6 =	sadd.s32 $0xC200, s7;
	s13 =	sshrl.u32 s12, $0x1  }
.Ltmp0:
0xc: {  	s15 =	sadd.s32 s10, s2;
	s8 =	sadd.s32 s10, s8;
	(pc) =	sbr.rel .LBB2_1-.Ltmp0, $4  }
0xd: {  	s12 =	ssub.s32 s12, s13;
	s13 =	sor.u32 $0x1C03, s31;
	s8 =	sshrl.u32 s8, $0x3  }
0xe: {  	s10 =	smax.u32 s12, $0x1;
	s12 =	simm.s32 $0x5000;
	s14 =	sadd.s32 s8, s7  }
0xf: {  	s7 =	sadd.s32 $0x11800, s11;
	s8 =	sadd.s32 $0x2200, s11;
	s11 =	simm.s32 $0x3  }
0x10: {  	s9 =	sadd.s32 $0x91000, s14;
	s14 =	sshrl.u32 s15, $0x3;
	s15 =	simm.s32 $0x100  }
.LBB2_7:
0x11: {  	[tilespmem:s17], [sflag:$0x2] =	stream.indirect.gather [hbm4b:s5+s15], $0x40, s24, s15, $0xb8;
	[tilespmem:$0x1BE00] =	vst v63  }
.LBB2_8:
0x12: {  	_ =	swait.ge [sflag:s18], $0x4000  }
0x13: {  	[sflag:s18] =	ssyncset.done $0x0  }
0x14: {  	[sflag:s18] =	ssyncadd.s32 $0xFFFFC000  }
0x15: {  	[spmem:s2] =	stream.indirect.scatter.add.f32 [tilespmem:s16], [sflag:$0x3], $0x40, s20, s15, $0xb8;
	[tilespmem:$0x1BE00] =	vst v63  }
0x16: {  	_ =	swait.ge [sflag:s11], $0x4000  }
0x17: {  	[sflag:s11] =	ssyncset.done $0x0  }
0x18: {  	[sflag:s11] =	ssyncadd.s32 $0xFFFFC000  }
0x19: {  	_ =	swait.ge [sflag:s19], $0x4000  }
0x1a: {  	[sflag:s19] =	ssyncset.done $0x0  }
0x1b: {  	[sflag:s19] =	ssyncadd.s32 $0xFFFFC000  }
0x1c: {  	[spmem:s2] =	stream.indirect.scatter.add.f32 [tilespmem:s17], [sflag:$0x3], $0x40, s21, s15, $0xb8;
	[tilespmem:$0x1BE00] =	vst v63  }
0x1d: {  	_ =	swait.ge [sflag:s11], $0x4000  }
0x1e: {  	s22 =	sadd.s32 $0x1, s22;
	[sflag:s11] =	ssyncset.done $0x0  }
0x1f: {  	p1 =	sne.s32 s22, s10;
	[sflag:s11] =	ssyncadd.s32 $0xFFFFC000  }
.Ltmp1:
0x20: {  	[bflag:$0x0] =	sbarrier.arrive $0xFFFF;
	(pc) =	sbr.rel @!p1 .LBB2_9-.Ltmp1, $4  }
0x21: {  	[hbm:s9], [sflag:s13] =	dma.local [spmem:s14], $0x13C0  }
0x22: {  	_ =	swait.ge [sflag:s11], $0x13C0  }
0x23: {  	[sflag:s11] =	ssyncset.done $0x0  }
0x24: {  	[sflag:s11] =	ssyncadd.s32 $0xFFFFEC40  }
.LBB2_1:
0x25: {  	[tilespmem:s3], [sflag:$0x3] =	stream.linear.gather [hbm4b:s7+s3], $0x5000, $0x38;
	[tilespmem:$0x1BE00] =	vst v63  }
0x26: {  	_ =	swait.ge [sflag:s11], $0x5000  }
0x27: {  	[sflag:s11] =	ssyncset.done $0x0  }
0x28: {  	[sflag:s11] =	ssyncadd.s32 $0xFFFFB000  }
0x29: {  	[tilespmem:s12], [sflag:$0x3] =	stream.linear.gather [hbm4b:s8+s3], $0x5000, $0x38;
	[tilespmem:$0x1BE00] =	vst v63  }
0x2a: {  	_ =	swait.ge [sflag:s11], $0x5000  }
0x2b: {  	[sflag:s11] =	ssyncset.done $0x0  }
0x2c: {  	[sflag:s11] =	ssyncadd.s32 $0xFFFFB000  }
0x2d: {  	[spmem:s14], [sflag:s13] =	dma.local [hbm:s6], $0x13C0  }
.Ltmp2:
0x2e: {  	_ =	swait.ge [sflag:s11], $0x13C0;
	(pc) =	sbr.rel @!p0 .LBB2_2-.Ltmp2, $4  }
0x2f: {  	[sflag:s11] =	ssyncset.done $0x0  }
0x30: {  	[sflag:s11] =	ssyncadd.s32 $0xFFFFEC40  }
0x31: {  	[bflag:$0x0] =	sbarrier.arrive $0xFFFF  }
0x32: {  	s23 =	simm.s32 $0x0  }
0x33: {  	[tilespmem:s16], [sflag:$0x1] =	stream.indirect.gather [hbm4b:s5+s15], $0x40, s23, s15, $0xb8;
	[tilespmem:$0x1BE00] =	vst v63  }
0x34: {  	_ = 	snop  }
0x35: {  	[tilespmem:s17], [sflag:$0x2] =	stream.indirect.gather [hbm4b:s5+s15], $0x40, s15, s15, $0xb8;
	[tilespmem:$0x1BE00] =	vst v63  }
0x36: {  	_ =	swait.ge [sflag:s18], $0x4000  }
0x37: {  	[sflag:s18] =	ssyncset.done $0x0  }
0x38: {  	s29 =	simm.s32 $0x5000;
	[sflag:s18] =	ssyncadd.s32 $0xFFFFC000  }
0x39: {  	[spmem:s2] =	stream.indirect.scatter.add.f32 [tilespmem:s16], [sflag:$0x3], $0x40, s29, s15, $0xb8;
	[tilespmem:$0x1BE00] =	vst v63  }
0x3a: {  	_ =	swait.ge [sflag:s11], $0x4000  }
0x3b: {  	[sflag:s11] =	ssyncset.done $0x0  }
0x3c: {  	s30 =	simm.s32 $0x200;
	[sflag:s11] =	ssyncadd.s32 $0xFFFFC000  }
0x3d: {  	[tilespmem:s16], [sflag:$0x1] =	stream.indirect.gather [hbm4b:s5+s15], $0x40, s30, s15, $0xb8;
	[tilespmem:$0x1BE00] =	vst v63  }
0x3e: {  	_ =	swait.ge [sflag:s19], $0x4000  }
0x3f: {  	[sflag:s19] =	ssyncset.done $0x0  }
0x40: {  	s31 =	simm.s32 $0x5100;
	[sflag:s19] =	ssyncadd.s32 $0xFFFFC000  }
0x41: {  	[spmem:s2] =	stream.indirect.scatter.add.f32 [tilespmem:s17], [sflag:$0x3], $0x40, s31, s15, $0xb8;
	[tilespmem:$0x1BE00] =	vst v63  }
0x42: {  	_ =	swait.ge [sflag:s11], $0x4000  }
0x43: {  	[sflag:s11] =	ssyncset.done $0x0  }
0x44: {  	s23 =	simm.s32 $0x800;
	s24 =	simm.s32 $0x300;
	[sflag:s11] =	ssyncadd.s32 $0xFFFFC000  }
.LBB2_6:
0x45: {  	[tilespmem:s17], [sflag:$0x2] =	stream.indirect.gather [hbm4b:s5+s15], $0x40, s24, s15, $0xb8;
	[tilespmem:$0x1BE00] =	vst v63  }
0x46: {  	s24 =	smov.u32 s23  }
0x47: {  	p1 =	sne.s32 s23, $0x13000;
	s23 =	sadd.s32 $0x800, s23;
	_ =	swait.ge [sflag:s18], $0x4000  }
0x48: {  	s24 =	sshra.s32 s24, $0x2;
	[sflag:s18] =	ssyncset.done $0x0  }
0x49: {  	s25 =	sadd.s32 $0x5000, s24;
	[sflag:s18] =	ssyncadd.s32 $0xFFFFC000  }
0x4a: {  	[spmem:s2] =	stream.indirect.scatter.add.f32 [tilespmem:s16], [sflag:$0x3], $0x40, s25, s15, $0xb8;
	[tilespmem:$0x1BE00] =	vst v63  }
0x4b: {  	_ =	swait.ge [sflag:s11], $0x4000  }
0x4c: {  	[sflag:s11] =	ssyncset.done $0x0  }
0x4d: {  	s25 =	sadd.s32 $0x200, s24;
	[sflag:s11] =	ssyncadd.s32 $0xFFFFC000  }
0x4e: {  	[tilespmem:s16], [sflag:$0x1] =	stream.indirect.gather [hbm4b:s5+s15], $0x40, s25, s15, $0xb8;
	[tilespmem:$0x1BE00] =	vst v63  }
0x4f: {  	_ =	swait.ge [sflag:s19], $0x4000  }
0x50: {  	[sflag:s19] =	ssyncset.done $0x0  }
.Ltmp3:
0x51: {  	s25 =	sadd.s32 $0x5100, s24;
	[sflag:s19] =	ssyncadd.s32 $0xFFFFC000;
	(pc) =	sbr.rel @p1 .LBB2_6-.Ltmp3, $4  }
0x52: {  	[spmem:s2] =	stream.indirect.scatter.add.f32 [tilespmem:s17], [sflag:$0x3], $0x40, s25, s15, $0xb8;
	[tilespmem:$0x1BE00] =	vst v63  }
0x53: {  	_ =	swait.ge [sflag:s11], $0x4000  }
0x54: {  	[sflag:s11] =	ssyncset.done $0x0  }
0x55: {  	s24 =	sadd.s32 $0x300, s24;
	[sflag:s11] =	ssyncadd.s32 $0xFFFFC000  }
.Ltmp4:
0x56: {  	_ = 	snop;
	(pc) =	sbr.rel .LBB2_7-.Ltmp4, $1  }
0x57: {  	_ =	sdelay $0x3  }
.LBB2_2:
0x58: {  	[tilespmem:s16], [sflag:$0x1] =	stream.indirect.gather [hbm4b:s4+s15], $0x40, s23, s15, $0xb8;
	[tilespmem:$0x1BE00] =	vst v63  }
0x59: {  	_ = 	snop  }
0x5a: {  	[tilespmem:s17], [sflag:$0x2] =	stream.indirect.gather [hbm4b:s4+s15], $0x40, s15, s15, $0xb8;
	[tilespmem:$0x1BE00] =	vst v63  }
0x5b: {  	_ =	swait.ge [sflag:s18], $0x4000  }
0x5c: {  	[sflag:s18] =	ssyncset.done $0x0  }
0x5d: {  	s29 =	simm.s32 $0x5000;
	[sflag:s18] =	ssyncadd.s32 $0xFFFFC000  }
0x5e: {  	[spmem:s2] =	stream.indirect.scatter.add.f32 [tilespmem:s16], [sflag:$0x3], $0x40, s29, s15, $0xb8;
	[tilespmem:$0x1BE00] =	vst v63  }
0x5f: {  	_ =	swait.ge [sflag:s11], $0x4000  }
0x60: {  	[sflag:s11] =	ssyncset.done $0x0  }
0x61: {  	s30 =	simm.s32 $0x200;
	[sflag:s11] =	ssyncadd.s32 $0xFFFFC000  }
0x62: {  	[tilespmem:s16], [sflag:$0x1] =	stream.indirect.gather [hbm4b:s4+s15], $0x40, s30, s15, $0xb8;
	[tilespmem:$0x1BE00] =	vst v63  }
0x63: {  	_ =	swait.ge [sflag:s19], $0x4000  }
0x64: {  	[sflag:s19] =	ssyncset.done $0x0  }
0x65: {  	s31 =	simm.s32 $0x5100;
	[sflag:s19] =	ssyncadd.s32 $0xFFFFC000  }
0x66: {  	[spmem:s2] =	stream.indirect.scatter.add.f32 [tilespmem:s17], [sflag:$0x3], $0x40, s31, s15, $0xb8;
	[tilespmem:$0x1BE00] =	vst v63  }
0x67: {  	_ =	swait.ge [sflag:s11], $0x4000  }
0x68: {  	[sflag:s11] =	ssyncset.done $0x0  }
0x69: {  	s23 =	simm.s32 $0x800;
	s24 =	simm.s32 $0x300;
	[sflag:s11] =	ssyncadd.s32 $0xFFFFC000  }
.LBB2_3:
0x6a: {  	[tilespmem:s17], [sflag:$0x2] =	stream.indirect.gather [hbm4b:s4+s15], $0x40, s24, s15, $0xb8;
	[tilespmem:$0x1BE00] =	vst v63  }
0x6b: {  	s24 =	smov.u32 s23  }
0x6c: {  	p1 =	seq.s32 s23, $0x13000;
	s23 =	sadd.s32 $0x800, s23;
	_ =	swait.ge [sflag:s18], $0x4000  }
0x6d: {  	s24 =	sshra.s32 s24, $0x2;
	[sflag:s18] =	ssyncset.done $0x0  }
0x6e: {  	s25 =	sadd.s32 $0x5000, s24;
	[sflag:s18] =	ssyncadd.s32 $0xFFFFC000  }
0x6f: {  	[spmem:s2] =	stream.indirect.scatter.add.f32 [tilespmem:s16], [sflag:$0x3], $0x40, s25, s15, $0xb8;
	[tilespmem:$0x1BE00] =	vst v63  }
0x70: {  	_ =	swait.ge [sflag:s11], $0x4000  }
0x71: {  	[sflag:s11] =	ssyncset.done $0x0  }
0x72: {  	s25 =	sadd.s32 $0x200, s24;
	[sflag:s11] =	ssyncadd.s32 $0xFFFFC000  }
0x73: {  	[tilespmem:s16], [sflag:$0x1] =	stream.indirect.gather [hbm4b:s4+s15], $0x40, s25, s15, $0xb8;
	[tilespmem:$0x1BE00] =	vst v63  }
0x74: {  	_ =	swait.ge [sflag:s19], $0x4000  }
0x75: {  	[sflag:s19] =	ssyncset.done $0x0  }
.Ltmp5:
0x76: {  	s25 =	sadd.s32 $0x5100, s24;
	[sflag:s19] =	ssyncadd.s32 $0xFFFFC000;
	(pc) =	sbr.rel @!p1 .LBB2_3-.Ltmp5, $4  }
0x77: {  	[spmem:s2] =	stream.indirect.scatter.add.f32 [tilespmem:s17], [sflag:$0x3], $0x40, s25, s15, $0xb8;
	[tilespmem:$0x1BE00] =	vst v63  }
0x78: {  	_ =	swait.ge [sflag:s11], $0x4000  }
0x79: {  	[sflag:s11] =	ssyncset.done $0x0  }
0x7a: {  	s24 =	sadd.s32 $0x300, s24;
	[sflag:s11] =	ssyncadd.s32 $0xFFFFC000  }
.Ltmp6:
0x7b: {  	(pc) =	sbr.rel .LBB2_8-.Ltmp6, $2  }
0x7c: {  	_ =	sdelay $0x2  }
0x7d: {  	[tilespmem:s17], [sflag:$0x2] =	stream.indirect.gather [hbm4b:s4+s15], $0x40, s24, s15, $0xb8;
	[tilespmem:$0x1BE00] =	vst v63  }
.LBB2_9:
0x7e: {  	_ =	sfence.sel $0x180000  }
0x7f: {  	[bflag:$0x0] =	sbarrier.arrive $0xFFFF  }
0x80: {  	p0 =	sne.s32 s1, $0x0;
	_ =	strace $0x9000004A  }
0x81: {  	s0 =	sadd.s32 @!p0 $0x100000, s0;
	[bflag:$0x2] =	sbarrier.arrive $0xFFFF  }
0x82: {  	[sflag:s0] =	ssyncadd.tile.s32 @!p0 $0x1;
	_ =	shalt  }
.Lfunc_end2:
_tile_overlayer_lowered:
.L_overlay_start_2:
0x83: {  	(tag) =	ssettag $0x2  }
0x84: {  	s0 =	rddreg [dreg:$0x0];
	s2 =	stileid.u32  }
0x85: {  	s1 =	rddreg [dreg:$0x1];
	p0 =	sne.s32 s2, $0x0  }
0x86: {  	s3 =	rddreg [dreg:$0x2];
	[bflag:$0x3] =	sbarrier.arrive $0xFFFF;
	s2 =	simm.s32 @!p0 $0x1C03  }
0x87: {  	[timem:s3], [sflag:s2] =	dma.local @!p0 [hbm:s0], s1  }
0x88: {  	s0 =	simm.s32 @!p0 $0x3  }
0x89: {  	_ =	swait.ge @!p0 [sflag:s0], s1  }
0x8a: {  	s1 =	ssub.s32 @!p0 $0x0, s1;
	[sflag:s0] =	ssyncset.done @!p0 $0x0  }
0x8b: {  	[sflag:s0] =	ssyncadd.s32 @!p0 s1  }
0x8c: {  	[bflag:$0x3] =	sbarrier.arrive $0xFFFF  }
0x8d: {  	_ =	shalt  }

// kernel: kernel.16.cloned.1.call-start
scs
__scs_entry_jumppad:
0x0: {  	(pc) =	sbr.rel $0x88, $3  }
0x1: {  	(tag) =	ssettag $0x0;
	lr =	simm.s32 $0x1  }
0x2: {  	[smem:$0x3F99] =	sst lr;
	_ =	strace $0xD0000000  }
0x3: {  	_ = 	snop  }
0x4: {  	_ = 	snop  }
0x5: {  	_ = 	snop  }
0x6: {  	_ = 	snop  }
0x7: {  	_ = 	snop  }
__scs_overlays_trampoline_lowered:
0x8: {  	[smem:$0x3FA8] =	sst s0  }
0x9: {  	[smem:$0x3FA9] =	sst s1  }
0xa: {  	[smem:$0x3FAA] =	sst s2  }
0xb: {  	[smem:$0x3FAB] =	sst s3  }
0xc: {  	[smem:$0x3FAC] =	sst s4  }
0xd: {  	[smem:$0x3FAD] =	sst s5  }
0xe: {  	[smem:$0x3FAE] =	sst s6  }
0xf: {  	[smem:$0x3FAF] =	sst s7  }
0x10: {  	[smem:$0x3FB0] =	sst s8  }
0x11: {  	[smem:$0x3FB1] =	sst s9;
	s0 =	simm.s32 @!p0 $0x0  }
0x12: {  	s1 =	sld [smem:$0x3F97];
	s0 =	simm.s32 @p0 $0x1  }
0x13: {  	[smem:$0x3FB2] =	sst s0;
	s0 =	simm.s32 @!p1 $0x0  }
0x14: {  	s2 =	sld [smem:$0x3F96];
	s0 =	simm.s32 @p1 $0x1  }
0x15: {  	[smem:$0x3FB3] =	sst s0;
	s0 =	simm.s32 @!p2 $0x0  }
0x16: {  	s3 =	sld [smem:$0x3FDB];
	s0 =	simm.s32 @p2 $0x1  }
0x17: {  	s4 =	simm.s32 $0x1BF5;
	[smem:$0x3FB5] =	sst s0  }
0x18: {  	s0 =	sld [smem:$0x3F98];
	_ =	swait.ge [sflag:s4], $0x0  }
0x19: {  	s7 =	sld [smem:$0x3F99]  }
0x1a: {  	s8 =	sadd.s32 $0xFFFFE003, lr  }
0x1b: {  	s9 =	sadd.s32 $0xFFFFFEF7, lr;
	s5 =	simm.s32 $0xFFFFFFFF;
	p2 =	slt.u32 s8, $0xFFFFF086  }
0x1c: {  	p1 =	slt.u32 s9, $0xF7A;
	s5 =	simm.s32 @!p2 $0x0  }
0x1d: {  	s5 =	simm.s32 @p1 $0x1;
	p0 =	seq.s32 s7, s2  }
0x1e: {  	s7 =	smul.u32 @!p0 $0xF7A, s2;
	p2 =	seq.s32 @!p0 s5, $0x0  }
0x1f: {  	s9 =	smul.u32 $0xF7A, s1;
	s8 =	simm.s32 @!p0 $0x1BF5;
	p2 =	por !p2, p0  }
0x20: {  	[sflag:s8] =	ssyncset.s32 @!p0 $0xFFFFF086;
	s6 =	sadd.s32 @!p0 s3, s7;
	s7 =	simm.s32 @!p0 $0x108  }
0x21: {  	s3 =	sadd.s32 s3, s9;
	s6 =	sadd.s32 @!p0 $0x88, s6;
	s7 =	simm.s32 @p2 $0x1082  }
0x22: {  	[simem:s7], [sflag:s8] =	dma.local @!p0 [hbm:s6], $0xF7A  }
0x23: {  	s9 =	sor.u32 $0xD0000000, s2;
	s6 =	simm.s32 $0x108;
	_ =	swait.ge @!p0 [sflag:s8], $0x0  }
0x24: {  	s3 =	sadd.s32 $0x88, s3;
	s6 =	simm.s32 @!p1 $0x1082;
	[sflag:s4] =	ssyncset.s32 $0xFFFFF086  }
0x25: {  	[simem:s6], [sflag:s4] =	dma.local [hbm:s3], $0xF7A  }
0x26: {  	[smem:$0x3F99] =	sst s1;
	(tag) =	ssettag s2;
	_ =	strace s9  }
0x27: {  	s1 =	sld [smem:$0x3FA9]  }
0x28: {  	s2 =	sld [smem:$0x3FAA]  }
0x29: {  	s4 =	sld [smem:$0x3FAC]  }
0x2a: {  	p0 =	seq.s32 s5, $0x0;
	s5 =	sld [smem:$0x3FAD]  }
0x2b: {  	s6 =	sld [smem:$0x3FAE]  }
0x2c: {  	s7 =	sld [smem:$0x3FAF]  }
0x2d: {  	s3 =	simm.s32 $0x108;
	s8 =	sld [smem:$0x3FB0]  }
0x2e: {  	s3 =	simm.s32 @!p0 $0x1082;
	s9 =	sld [smem:$0x3FB1]  }
0x2f: {  	lr =	sadd.s32 s0, s3;
	s0 =	sld [smem:$0x3FA8]  }
0x30: {  	s3 =	sld [smem:$0x3FAB]  }
0x31: {  	[smem:$0x3FB4] =	sst s10  }
0x32: {  	s10 =	sld [smem:$0x3FB2];
	_ =	sdelay $0x3  }
0x33: {  	p0 =	seq.s32 s10, $0x1;
	s10 =	sld [smem:$0x3FB4];
	_ =	sdelay $0x3  }
0x34: {  	[smem:$0x3FB4] =	sst s10  }
0x35: {  	s10 =	sld [smem:$0x3FB3];
	_ =	sdelay $0x3  }
0x36: {  	p1 =	seq.s32 s10, $0x1;
	s10 =	sld [smem:$0x3FB4];
	_ =	sdelay $0x3  }
0x37: {  	[smem:$0x3FB4] =	sst s10  }
0x38: {  	s10 =	sld [smem:$0x3FB5]  }
0x39: {  	_ = 	snop;
	(pc) =	sbr.ind lr, $3  }
0x3a: {  	_ = 	snop  }
0x3b: {  	_ = 	snop  }
0x3c: {  	p2 =	seq.s32 s10, $0x1;
	s10 =	sld [smem:$0x3FB4]  }
0x3d: {  	_ =	shalt  }
0x3e: {  	_ =	shalt  }
0x3f: {  	_ =	shalt  }
0x40: {  	_ =	shalt  }
0x41: {  	_ =	shalt  }
0x42: {  	_ =	shalt  }
0x43: {  	_ =	shalt  }
0x44: {  	_ =	shalt  }
0x45: {  	_ =	shalt  }
0x46: {  	_ =	shalt  }
0x47: {  	_ =	shalt  }
0x48: {  	_ =	shalt  }
0x49: {  	_ =	shalt  }
0x4a: {  	_ =	shalt  }
0x4b: {  	_ =	shalt  }
0x4c: {  	_ =	shalt  }
0x4d: {  	_ =	shalt  }
0x4e: {  	_ =	shalt  }
0x4f: {  	_ =	shalt  }
0x50: {  	_ =	shalt  }
0x51: {  	_ =	shalt  }
0x52: {  	_ =	shalt  }
0x53: {  	_ =	shalt  }
0x54: {  	_ =	shalt  }
0x55: {  	_ =	shalt  }
0x56: {  	_ =	shalt  }
0x57: {  	_ =	shalt  }
0x58: {  	_ =	shalt  }
0x59: {  	_ =	shalt  }
0x5a: {  	_ =	shalt  }
0x5b: {  	_ =	shalt  }
0x5c: {  	_ =	shalt  }
0x5d: {  	_ =	shalt  }
0x5e: {  	_ =	shalt  }
0x5f: {  	_ =	shalt  }
0x60: {  	_ =	shalt  }
0x61: {  	_ =	shalt  }
0x62: {  	_ =	shalt  }
0x63: {  	_ =	shalt  }
0x64: {  	_ =	shalt  }
0x65: {  	_ =	shalt  }
0x66: {  	_ =	shalt  }
0x67: {  	_ =	shalt  }
0x68: {  	_ =	shalt  }
0x69: {  	_ =	shalt  }
0x6a: {  	_ =	shalt  }
0x6b: {  	_ =	shalt  }
0x6c: {  	_ =	shalt  }
0x6d: {  	_ =	shalt  }
0x6e: {  	_ =	shalt  }
0x6f: {  	_ =	shalt  }
0x70: {  	_ =	shalt  }
0x71: {  	_ =	shalt  }
0x72: {  	_ =	shalt  }
0x73: {  	_ =	shalt  }
0x74: {  	_ =	shalt  }
0x75: {  	_ =	shalt  }
0x76: {  	_ =	shalt  }
0x77: {  	_ =	shalt  }
0x78: {  	_ =	shalt  }
0x79: {  	_ =	shalt  }
0x7a: {  	_ =	shalt  }
0x7b: {  	_ =	shalt  }
0x7c: {  	_ =	shalt  }
0x7d: {  	_ =	shalt  }
0x7e: {  	_ =	shalt  }
0x7f: {  	_ =	shalt  }
0x80: {  	_ =	shalt  }
0x81: {  	_ =	shalt  }
0x82: {  	_ =	shalt  }
0x83: {  	_ =	shalt  }
0x84: {  	_ =	shalt  }
0x85: {  	_ =	shalt  }
0x86: {  	_ =	shalt  }
0x87: {  	_ =	shalt  }
.Lfunc_end0:
.L_simem_size_0:
called_computation.2_lowered:
.L_overlay_start_0:
0x88: {  	s2 =	sld [smem:$0x3FD9]  }
0x89: {  	s3 =	sld [smem:$0x3FFE];
	_ =	sdelay $0x1  }
0x8a: {  	s1 =	srdreg.scid  }
0x8b: {  	s0 =	sand.u32 $0x1, s1  }
0x8c: {  	s16 =	sshll.u32 s0, $0xA;
	s2 =	sadd.s32 s3, s2  }
0x8d: {  	s2 =	sadd.s32 s2, s16  }
0x8e: {  	[smem:$0x3FC0] =	sst s2  }
0x8f: {  	_ = 	snop  }
0x90: {  	(tm) =	ssettm $0x1  }
0x91: {  	s17 =	sld [smem:$0x3FFB];
	_ =	sdelay $0x3  }
0x92: {  	_ =	strace s17  }
0x93: {  	s2 =	sld [smem:$0x3FFC];
	_ =	sdelay $0x3  }
0x94: {  	_ =	strace s2  }
0x95: {  	s2 =	sld [smem:$0x3FFD];
	_ =	sdelay $0x3  }
0x96: {  	_ =	strace s2  }
0x97: {  	_ =	strace $0x8FFFFFFF  }
0x98: {  	s18 =	sld [smem:$0x3FDB];
	_ =	sdelay $0x1  }
0x99: {  	s19 =	simm.s32 $_scs_section_size  }
0x9a: {  	s4 =	simm.s32 $_size__tile_overlayer_lowered;
	s5 =	simm.s32 $_tile_overlayer_lowered  }
0x9b: {  	s22 =	simm.s32 $0x1BFF;
	s21 =	sshll.u32 s5, $0x1;
	s2 =	sadd.s32 s19, s18  }
0x9c: {  	s6 =	simm.s32 $0x0;
	s20 =	sshll.u32 s4, $0x1;
	s4 =	sadd.s32 s21, s2  }
0x9d: {  	[timem:s6], [sflag:s22] =	dma.local [hbm:s4], s20  }
0x9e: {  	_ =	swait.ge [sflag:s22], s20  }
0x9f: {  	s3 =	ssub.s32 $0x0, s20;
	[sflag:s22] =	ssyncset.done $0x0  }
0xa0: {  	[sflag:s22] =	ssyncadd.s32 s3;
	_ =	sdelay $0x1  }
0xa1: {  	s23 =	simm.s32 $0x1B8B  }
0xa2: {  	_ =	swait.ge [sflag:s23], $0x1  }
0xa3: {  	[sflag:s23] =	ssyncset.done $0x0  }
0xa4: {  	s25 =	simm.s32 $0x1B8E;
	s24 =	sld [smem:$0x3FFE];
	[sflag:s23] =	ssyncadd.s32 $0xFFFFFFFF  }
0xa5: {  	s26 =	simm.s32 $execute0_lowered;
	[smem:$0x3FD2] =	sst s25  }
0xa6: {  	s4 =	sshll.u32 s26, $0x1;
	_ =	strace $0x8000004C;
	[dreg:$0x1] =	wrdreg $0xFFFFFFFF  }
0xa7: {  	s28 =	simm.s32 $_size_execute0_lowered;
	s2 =	sadd.s32 s2, s4;
	[dreg:$0x0] =	wrdreg $0x0  }
0xa8: {  	s4 =	sshll.u32 s28, $0x1;
	[dreg:$0x2] =	wrdreg s2  }
0xa9: {  	[dreg:$0x3] =	wrdreg s4  }
0xaa: {  	[dreg:$0x4] =	wrdreg $0xC0  }
0xab: {  	_ =	task [dreg:s6], $0x5FFFF  }
0xac: {  	[dreg:$0x1] =	wrdreg $0xFFFFFFFF  }
0xad: {  	[dreg:$0x0] =	wrdreg $0x60  }
0xae: {  	[dreg:$0x2] =	wrdreg s24  }
0xaf: {  	[dreg:$0x3] =	wrdreg $0x120000  }
0xb0: {  	[dreg:$0x4] =	wrdreg $0x9  }
0xb1: {  	_ =	task.clear_ibuf [dreg:s6], $0x5FFFF;
	_ =	strace $0x9000004C  }
0xb2: {  	s29 =	simm.s32 $0x9;
	_ =	strace $0x8000004E  }
0xb3: {  	_ =	swait.ge [sflag:s29], $0x1  }
0xb4: {  	[sflag:s29] =	ssyncadd.s32 $0xFFFFFFFF  }
0xb5: {  	_ =	strace $0x9000004E  }
0xb6: {  	_ =	sfence  }
0xb7: {  	s30 =	sld [smem:$0x0];
	_ =	sdelay $0x2  }
0xb8: {  	s31 =	sshll.u32 s1, $0xD;
	s1 =	sshrl.u32 s1, $0x2  }
0xb9: {  	s3 =	sand.u32 $0x4000, s31;
	s1 =	sadd.s32 s1, s30  }
0xba: {  	s0 =	sor.u32 s3, s0;
	s1 =	sshll.u32 s1, $0x11  }
0xbb: {  	s0 =	sor.u32 s1, s0  }
0xbc: {  	s0 =	sadd.s32 $0x8F2B, s0  }
0xbd: {  	[sflag:s0] =	ssyncadd.remote.s32 $0x1  }
0xbe: {  	_ =	sfence.sel $0xFFFF  }
0xbf: {  	[dreg:$0x0] =	wrdreg $0xFFFFFFFF;
	(pc) =	sbr.abs _section_cstart, $3  }
0xc0: {  	[dreg:$0x1] =	wrdreg $0xFFFFFFFF  }
0xc1: {  	_ =	task.clear_ibuf [dreg:s6], $0x2FFFF;
	_ =	strace $0x9FFFFFFF  }
0xc2: {  	(tm) =	ssettm $0x7FFFFFFF  }
0xc3: {  	_ =	shalt  }
tec
execute0_lowered:
.L_overlay_start_1:
0x0: {  	(tag) =	ssettag $0x1  }
0x1: {  	s7 =	rddreg [dreg:$0x0]  }
0x2: {  	s2 =	rddreg [dreg:$0x1]  }
0x3: {  	s0 =	rddreg [dreg:$0x2]  }
0x4: {  	s1 =	stileid.u32;
	s4 =	srdreg.scid;
	s3 =	simm.s32 $0x0  }
0x5: {  	s16 =	simm.s32 $0xA000;
	s17 =	simm.s32 $0xE000;
	s18 =	simm.s32 $0x1  }
0x6: {  	s19 =	simm.s32 $0x2;
	s20 =	simm.s32 $0x9E00;
	s21 =	simm.s32 $0x9F00  }
0x7: {  	s22 =	simm.s32 $0x0;
	s6 =	smul.u32 $0xA00, s1;
	s9 =	sand.u32 $0x1, s4  }
0x8: {  	s10 =	smul.u32 $0x9E00, s1;
	[smem:$0x7FF] =	sst s3;
	s4 =	sadd.s32 $0x69C00, s7  }
0x9: {  	s5 =	sadd.s32 $0x7D600, s7;
	s31 =	sshll.u32 s1, $0x6;
	s8 =	smul.u32 $0x9E000, s9  }
0xa: {  	_ =	strace $0x8000004D;
	s12 =	ssub.s32 $0x2, s9;
	p0 =	seq.s32 s9, $0x1  }
0xb: {  	s11 =	sadd.s32 s6, s7;
	s6 =	sadd.s32 $0xC200, s7;
	s13 =	sshrl.u32 s12, $0x1  }
.Ltmp0:
0xc: {  	s15 =	sadd.s32 s10, s2;
	s8 =	sadd.s32 s10, s8;
	(pc) =	sbr.rel .LBB2_1-.Ltmp0, $4  }
0xd: {  	s12 =	ssub.s32 s12, s13;
	s13 =	sor.u32 $0x1C03, s31;
	s8 =	sshrl.u32 s8, $0x3  }
0xe: {  	s10 =	smax.u32 s12, $0x1;
	s12 =	simm.s32 $0x5000;
	s14 =	sadd.s32 s8, s7  }
0xf: {  	s7 =	sadd.s32 $0x11800, s11;
	s8 =	sadd.s32 $0x2200, s11;
	s11 =	simm.s32 $0x3  }
0x10: {  	s9 =	sadd.s32 $0x91000, s14;
	s14 =	sshrl.u32 s15, $0x3;
	s15 =	simm.s32 $0x100  }
.LBB2_7:
0x11: {  	[tilespmem:s17], [sflag:$0x2] =	stream.indirect.gather [hbm4b:s5+s15], $0x40, s24, s15, $0xb8;
	[tilespmem:$0x1BE00] =	vst v63  }
.LBB2_8:
0x12: {  	_ =	swait.ge [sflag:s18], $0x4000  }
0x13: {  	[sflag:s18] =	ssyncset.done $0x0  }
0x14: {  	[sflag:s18] =	ssyncadd.s32 $0xFFFFC000  }
0x15: {  	[spmem:s2] =	stream.indirect.scatter.add.f32 [tilespmem:s16], [sflag:$0x3], $0x40, s20, s15, $0xb8;
	[tilespmem:$0x1BE00] =	vst v63  }
0x16: {  	_ =	swait.ge [sflag:s11], $0x4000  }
0x17: {  	[sflag:s11] =	ssyncset.done $0x0  }
0x18: {  	[sflag:s11] =	ssyncadd.s32 $0xFFFFC000  }
0x19: {  	_ =	swait.ge [sflag:s19], $0x4000  }
0x1a: {  	[sflag:s19] =	ssyncset.done $0x0  }
0x1b: {  	[sflag:s19] =	ssyncadd.s32 $0xFFFFC000  }
0x1c: {  	[spmem:s2] =	stream.indirect.scatter.add.f32 [tilespmem:s17], [sflag:$0x3], $0x40, s21, s15, $0xb8;
	[tilespmem:$0x1BE00] =	vst v63  }
0x1d: {  	_ =	swait.ge [sflag:s11], $0x4000  }
0x1e: {  	s22 =	sadd.s32 $0x1, s22;
	[sflag:s11] =	ssyncset.done $0x0  }
0x1f: {  	p1 =	sne.s32 s22, s10;
	[sflag:s11] =	ssyncadd.s32 $0xFFFFC000  }
.Ltmp1:
0x20: {  	[bflag:$0x0] =	sbarrier.arrive $0xFFFF;
	(pc) =	sbr.rel @!p1 .LBB2_9-.Ltmp1, $4  }
0x21: {  	[hbm:s9], [sflag:s13] =	dma.local [spmem:s14], $0x13C0  }
0x22: {  	_ =	swait.ge [sflag:s11], $0x13C0  }
0x23: {  	[sflag:s11] =	ssyncset.done $0x0  }
0x24: {  	[sflag:s11] =	ssyncadd.s32 $0xFFFFEC40  }
.LBB2_1:
0x25: {  	[tilespmem:s3], [sflag:$0x3] =	stream.linear.gather [hbm4b:s7+s3], $0x5000, $0x38;
	[tilespmem:$0x1BE00] =	vst v63  }
0x26: {  	_ =	swait.ge [sflag:s11], $0x5000  }
0x27: {  	[sflag:s11] =	ssyncset.done $0x0  }
0x28: {  	[sflag:s11] =	ssyncadd.s32 $0xFFFFB000  }
0x29: {  	[tilespmem:s12], [sflag:$0x3] =	stream.linear.gather [hbm4b:s8+s3], $0x5000, $0x38;
	[tilespmem:$0x1BE00] =	vst v63  }
0x2a: {  	_ =	swait.ge [sflag:s11], $0x5000  }
0x2b: {  	[sflag:s11] =	ssyncset.done $0x0  }
0x2c: {  	[sflag:s11] =	ssyncadd.s32 $0xFFFFB000  }
0x2d: {  	[spmem:s14], [sflag:s13] =	dma.local [hbm:s6], $0x13C0  }
.Ltmp2:
0x2e: {  	_ =	swait.ge [sflag:s11], $0x13C0;
	(pc) =	sbr.rel @!p0 .LBB2_2-.Ltmp2, $4  }
0x2f: {  	[sflag:s11] =	ssyncset.done $0x0  }
0x30: {  	[sflag:s11] =	ssyncadd.s32 $0xFFFFEC40  }
0x31: {  	[bflag:$0x0] =	sbarrier.arrive $0xFFFF  }
0x32: {  	s23 =	simm.s32 $0x0  }
0x33: {  	[tilespmem:s16], [sflag:$0x1] =	stream.indirect.gather [hbm4b:s5+s15], $0x40, s23, s15, $0xb8;
	[tilespmem:$0x1BE00] =	vst v63  }
0x34: {  	_ = 	snop  }
0x35: {  	[tilespmem:s17], [sflag:$0x2] =	stream.indirect.gather [hbm4b:s5+s15], $0x40, s15, s15, $0xb8;
	[tilespmem:$0x1BE00] =	vst v63  }
0x36: {  	_ =	swait.ge [sflag:s18], $0x4000  }
0x37: {  	[sflag:s18] =	ssyncset.done $0x0  }
0x38: {  	s29 =	simm.s32 $0x5000;
	[sflag:s18] =	ssyncadd.s32 $0xFFFFC000  }
0x39: {  	[spmem:s2] =	stream.indirect.scatter.add.f32 [tilespmem:s16], [sflag:$0x3], $0x40, s29, s15, $0xb8;
	[tilespmem:$0x1BE00] =	vst v63  }
0x3a: {  	_ =	swait.ge [sflag:s11], $0x4000  }
0x3b: {  	[sflag:s11] =	ssyncset.done $0x0  }
0x3c: {  	s30 =	simm.s32 $0x200;
	[sflag:s11] =	ssyncadd.s32 $0xFFFFC000  }
0x3d: {  	[tilespmem:s16], [sflag:$0x1] =	stream.indirect.gather [hbm4b:s5+s15], $0x40, s30, s15, $0xb8;
	[tilespmem:$0x1BE00] =	vst v63  }
0x3e: {  	_ =	swait.ge [sflag:s19], $0x4000  }
0x3f: {  	[sflag:s19] =	ssyncset.done $0x0  }
0x40: {  	s31 =	simm.s32 $0x5100;
	[sflag:s19] =	ssyncadd.s32 $0xFFFFC000  }
0x41: {  	[spmem:s2] =	stream.indirect.scatter.add.f32 [tilespmem:s17], [sflag:$0x3], $0x40, s31, s15, $0xb8;
	[tilespmem:$0x1BE00] =	vst v63  }
0x42: {  	_ =	swait.ge [sflag:s11], $0x4000  }
0x43: {  	[sflag:s11] =	ssyncset.done $0x0  }
0x44: {  	s23 =	simm.s32 $0x800;
	s24 =	simm.s32 $0x300;
	[sflag:s11] =	ssyncadd.s32 $0xFFFFC000  }
.LBB2_6:
0x45: {  	[tilespmem:s17], [sflag:$0x2] =	stream.indirect.gather [hbm4b:s5+s15], $0x40, s24, s15, $0xb8;
	[tilespmem:$0x1BE00] =	vst v63  }
0x46: {  	s24 =	smov.u32 s23  }
0x47: {  	p1 =	sne.s32 s23, $0x13000;
	s23 =	sadd.s32 $0x800, s23;
	_ =	swait.ge [sflag:s18], $0x4000  }
0x48: {  	s24 =	sshra.s32 s24, $0x2;
	[sflag:s18] =	ssyncset.done $0x0  }
0x49: {  	s25 =	sadd.s32 $0x5000, s24;
	[sflag:s18] =	ssyncadd.s32 $0xFFFFC000  }
0x4a: {  	[spmem:s2] =	stream.indirect.scatter.add.f32 [tilespmem:s16], [sflag:$0x3], $0x40, s25, s15, $0xb8;
	[tilespmem:$0x1BE00] =	vst v63  }
0x4b: {  	_ =	swait.ge [sflag:s11], $0x4000  }
0x4c: {  	[sflag:s11] =	ssyncset.done $0x0  }
0x4d: {  	s25 =	sadd.s32 $0x200, s24;
	[sflag:s11] =	ssyncadd.s32 $0xFFFFC000  }
0x4e: {  	[tilespmem:s16], [sflag:$0x1] =	stream.indirect.gather [hbm4b:s5+s15], $0x40, s25, s15, $0xb8;
	[tilespmem:$0x1BE00] =	vst v63  }
0x4f: {  	_ =	swait.ge [sflag:s19], $0x4000  }
0x50: {  	[sflag:s19] =	ssyncset.done $0x0  }
.Ltmp3:
0x51: {  	s25 =	sadd.s32 $0x5100, s24;
	[sflag:s19] =	ssyncadd.s32 $0xFFFFC000;
	(pc) =	sbr.rel @p1 .LBB2_6-.Ltmp3, $4  }
0x52: {  	[spmem:s2] =	stream.indirect.scatter.add.f32 [tilespmem:s17], [sflag:$0x3], $0x40, s25, s15, $0xb8;
	[tilespmem:$0x1BE00] =	vst v63  }
0x53: {  	_ =	swait.ge [sflag:s11], $0x4000  }
0x54: {  	[sflag:s11] =	ssyncset.done $0x0  }
0x55: {  	s24 =	sadd.s32 $0x300, s24;
	[sflag:s11] =	ssyncadd.s32 $0xFFFFC000  }
.Ltmp4:
0x56: {  	_ = 	snop;
	(pc) =	sbr.rel .LBB2_7-.Ltmp4, $1  }
0x57: {  	_ =	sdelay $0x3  }
.LBB2_2:
0x58: {  	[tilespmem:s16], [sflag:$0x1] =	stream.indirect.gather [hbm4b:s4+s15], $0x40, s23, s15, $0xb8;
	[tilespmem:$0x1BE00] =	vst v63  }
0x59: {  	_ = 	snop  }
0x5a: {  	[tilespmem:s17], [sflag:$0x2] =	stream.indirect.gather [hbm4b:s4+s15], $0x40, s15, s15, $0xb8;
	[tilespmem:$0x1BE00] =	vst v63  }
0x5b: {  	_ =	swait.ge [sflag:s18], $0x4000  }
0x5c: {  	[sflag:s18] =	ssyncset.done $0x0  }
0x5d: {  	s29 =	simm.s32 $0x5000;
	[sflag:s18] =	ssyncadd.s32 $0xFFFFC000  }
0x5e: {  	[spmem:s2] =	stream.indirect.scatter.add.f32 [tilespmem:s16], [sflag:$0x3], $0x40, s29, s15, $0xb8;
	[tilespmem:$0x1BE00] =	vst v63  }
0x5f: {  	_ =	swait.ge [sflag:s11], $0x4000  }
0x60: {  	[sflag:s11] =	ssyncset.done $0x0  }
0x61: {  	s30 =	simm.s32 $0x200;
	[sflag:s11] =	ssyncadd.s32 $0xFFFFC000  }
0x62: {  	[tilespmem:s16], [sflag:$0x1] =	stream.indirect.gather [hbm4b:s4+s15], $0x40, s30, s15, $0xb8;
	[tilespmem:$0x1BE00] =	vst v63  }
0x63: {  	_ =	swait.ge [sflag:s19], $0x4000  }
0x64: {  	[sflag:s19] =	ssyncset.done $0x0  }
0x65: {  	s31 =	simm.s32 $0x5100;
	[sflag:s19] =	ssyncadd.s32 $0xFFFFC000  }
0x66: {  	[spmem:s2] =	stream.indirect.scatter.add.f32 [tilespmem:s17], [sflag:$0x3], $0x40, s31, s15, $0xb8;
	[tilespmem:$0x1BE00] =	vst v63  }
0x67: {  	_ =	swait.ge [sflag:s11], $0x4000  }
0x68: {  	[sflag:s11] =	ssyncset.done $0x0  }
0x69: {  	s23 =	simm.s32 $0x800;
	s24 =	simm.s32 $0x300;
	[sflag:s11] =	ssyncadd.s32 $0xFFFFC000  }
.LBB2_3:
0x6a: {  	[tilespmem:s17], [sflag:$0x2] =	stream.indirect.gather [hbm4b:s4+s15], $0x40, s24, s15, $0xb8;
	[tilespmem:$0x1BE00] =	vst v63  }
0x6b: {  	s24 =	smov.u32 s23  }
0x6c: {  	p1 =	seq.s32 s23, $0x13000;
	s23 =	sadd.s32 $0x800, s23;
	_ =	swait.ge [sflag:s18], $0x4000  }
0x6d: {  	s24 =	sshra.s32 s24, $0x2;
	[sflag:s18] =	ssyncset.done $0x0  }
0x6e: {  	s25 =	sadd.s32 $0x5000, s24;
	[sflag:s18] =	ssyncadd.s32 $0xFFFFC000  }
0x6f: {  	[spmem:s2] =	stream.indirect.scatter.add.f32 [tilespmem:s16], [sflag:$0x3], $0x40, s25, s15, $0xb8;
	[tilespmem:$0x1BE00] =	vst v63  }
0x70: {  	_ =	swait.ge [sflag:s11], $0x4000  }
0x71: {  	[sflag:s11] =	ssyncset.done $0x0  }
0x72: {  	s25 =	sadd.s32 $0x200, s24;
	[sflag:s11] =	ssyncadd.s32 $0xFFFFC000  }
0x73: {  	[tilespmem:s16], [sflag:$0x1] =	stream.indirect.gather [hbm4b:s4+s15], $0x40, s25, s15, $0xb8;
	[tilespmem:$0x1BE00] =	vst v63  }
0x74: {  	_ =	swait.ge [sflag:s19], $0x4000  }
0x75: {  	[sflag:s19] =	ssyncset.done $0x0  }
.Ltmp5:
0x76: {  	s25 =	sadd.s32 $0x5100, s24;
	[sflag:s19] =	ssyncadd.s32 $0xFFFFC000;
	(pc) =	sbr.rel @!p1 .LBB2_3-.Ltmp5, $4  }
0x77: {  	[spmem:s2] =	stream.indirect.scatter.add.f32 [tilespmem:s17], [sflag:$0x3], $0x40, s25, s15, $0xb8;
	[tilespmem:$0x1BE00] =	vst v63  }
0x78: {  	_ =	swait.ge [sflag:s11], $0x4000  }
0x79: {  	[sflag:s11] =	ssyncset.done $0x0  }
0x7a: {  	s24 =	sadd.s32 $0x300, s24;
	[sflag:s11] =	ssyncadd.s32 $0xFFFFC000  }
.Ltmp6:
0x7b: {  	(pc) =	sbr.rel .LBB2_8-.Ltmp6, $2  }
0x7c: {  	_ =	sdelay $0x2  }
0x7d: {  	[tilespmem:s17], [sflag:$0x2] =	stream.indirect.gather [hbm4b:s4+s15], $0x40, s24, s15, $0xb8;
	[tilespmem:$0x1BE00] =	vst v63  }
.LBB2_9:
0x7e: {  	_ =	sfence.sel $0x180000  }
0x7f: {  	[bflag:$0x0] =	sbarrier.arrive $0xFFFF  }
0x80: {  	p0 =	sne.s32 s1, $0x0;
	_ =	strace $0x9000004D  }
0x81: {  	s0 =	sadd.s32 @!p0 $0x100000, s0;
	[bflag:$0x2] =	sbarrier.arrive $0xFFFF  }
0x82: {  	[sflag:s0] =	ssyncadd.tile.s32 @!p0 $0x1;
	_ =	shalt  }
.Lfunc_end2:
_tile_overlayer_lowered:
.L_overlay_start_2:
0x83: {  	(tag) =	ssettag $0x2  }
0x84: {  	s0 =	rddreg [dreg:$0x0];
	s2 =	stileid.u32  }
0x85: {  	s1 =	rddreg [dreg:$0x1];
	p0 =	sne.s32 s2, $0x0  }
0x86: {  	s3 =	rddreg [dreg:$0x2];
	[bflag:$0x3] =	sbarrier.arrive $0xFFFF;
	s2 =	simm.s32 @!p0 $0x1C03  }
0x87: {  	[timem:s3], [sflag:s2] =	dma.local @!p0 [hbm:s0], s1  }
0x88: {  	s0 =	simm.s32 @!p0 $0x3  }
0x89: {  	_ =	swait.ge @!p0 [sflag:s0], s1  }
0x8a: {  	s1 =	ssub.s32 @!p0 $0x0, s1;
	[sflag:s0] =	ssyncset.done @!p0 $0x0  }
0x8b: {  	[sflag:s0] =	ssyncadd.s32 @!p0 s1  }
0x8c: {  	[bflag:$0x3] =	sbarrier.arrive $0xFFFF  }
0x8d: {  	_ =	shalt  }

// kernel: kernel.19.cloned.1.call-start
scs
__scs_entry_jumppad:
0x0: {  	(pc) =	sbr.rel $0x88, $3  }
0x1: {  	(tag) =	ssettag $0x0;
	lr =	simm.s32 $0x1  }
0x2: {  	[smem:$0x3F99] =	sst lr;
	_ =	strace $0xD0000000  }
0x3: {  	_ = 	snop  }
0x4: {  	_ = 	snop  }
0x5: {  	_ = 	snop  }
0x6: {  	_ = 	snop  }
0x7: {  	_ = 	snop  }
__scs_overlays_trampoline_lowered:
0x8: {  	[smem:$0x3FA8] =	sst s0  }
0x9: {  	[smem:$0x3FA9] =	sst s1  }
0xa: {  	[smem:$0x3FAA] =	sst s2  }
0xb: {  	[smem:$0x3FAB] =	sst s3  }
0xc: {  	[smem:$0x3FAC] =	sst s4  }
0xd: {  	[smem:$0x3FAD] =	sst s5  }
0xe: {  	[smem:$0x3FAE] =	sst s6  }
0xf: {  	[smem:$0x3FAF] =	sst s7  }
0x10: {  	[smem:$0x3FB0] =	sst s8  }
0x11: {  	[smem:$0x3FB1] =	sst s9;
	s0 =	simm.s32 @!p0 $0x0  }
0x12: {  	s1 =	sld [smem:$0x3F97];
	s0 =	simm.s32 @p0 $0x1  }
0x13: {  	[smem:$0x3FB2] =	sst s0;
	s0 =	simm.s32 @!p1 $0x0  }
0x14: {  	s2 =	sld [smem:$0x3F96];
	s0 =	simm.s32 @p1 $0x1  }
0x15: {  	[smem:$0x3FB3] =	sst s0;
	s0 =	simm.s32 @!p2 $0x0  }
0x16: {  	s3 =	sld [smem:$0x3FDB];
	s0 =	simm.s32 @p2 $0x1  }
0x17: {  	s4 =	simm.s32 $0x1BF5;
	[smem:$0x3FB5] =	sst s0  }
0x18: {  	s0 =	sld [smem:$0x3F98];
	_ =	swait.ge [sflag:s4], $0x0  }
0x19: {  	s7 =	sld [smem:$0x3F99]  }
0x1a: {  	s8 =	sadd.s32 $0xFFFFE003, lr  }
0x1b: {  	s9 =	sadd.s32 $0xFFFFFEF7, lr;
	s5 =	simm.s32 $0xFFFFFFFF;
	p2 =	slt.u32 s8, $0xFFFFF086  }
0x1c: {  	p1 =	slt.u32 s9, $0xF7A;
	s5 =	simm.s32 @!p2 $0x0  }
0x1d: {  	s5 =	simm.s32 @p1 $0x1;
	p0 =	seq.s32 s7, s2  }
0x1e: {  	s7 =	smul.u32 @!p0 $0xF7A, s2;
	p2 =	seq.s32 @!p0 s5, $0x0  }
0x1f: {  	s9 =	smul.u32 $0xF7A, s1;
	s8 =	simm.s32 @!p0 $0x1BF5;
	p2 =	por !p2, p0  }
0x20: {  	[sflag:s8] =	ssyncset.s32 @!p0 $0xFFFFF086;
	s6 =	sadd.s32 @!p0 s3, s7;
	s7 =	simm.s32 @!p0 $0x108  }
0x21: {  	s3 =	sadd.s32 s3, s9;
	s6 =	sadd.s32 @!p0 $0x88, s6;
	s7 =	simm.s32 @p2 $0x1082  }
0x22: {  	[simem:s7], [sflag:s8] =	dma.local @!p0 [hbm:s6], $0xF7A  }
0x23: {  	s9 =	sor.u32 $0xD0000000, s2;
	s6 =	simm.s32 $0x108;
	_ =	swait.ge @!p0 [sflag:s8], $0x0  }
0x24: {  	s3 =	sadd.s32 $0x88, s3;
	s6 =	simm.s32 @!p1 $0x1082;
	[sflag:s4] =	ssyncset.s32 $0xFFFFF086  }
0x25: {  	[simem:s6], [sflag:s4] =	dma.local [hbm:s3], $0xF7A  }
0x26: {  	[smem:$0x3F99] =	sst s1;
	(tag) =	ssettag s2;
	_ =	strace s9  }
0x27: {  	s1 =	sld [smem:$0x3FA9]  }
0x28: {  	s2 =	sld [smem:$0x3FAA]  }
0x29: {  	s4 =	sld [smem:$0x3FAC]  }
0x2a: {  	p0 =	seq.s32 s5, $0x0;
	s5 =	sld [smem:$0x3FAD]  }
0x2b: {  	s6 =	sld [smem:$0x3FAE]  }
0x2c: {  	s7 =	sld [smem:$0x3FAF]  }
0x2d: {  	s3 =	simm.s32 $0x108;
	s8 =	sld [smem:$0x3FB0]  }
0x2e: {  	s3 =	simm.s32 @!p0 $0x1082;
	s9 =	sld [smem:$0x3FB1]  }
0x2f: {  	lr =	sadd.s32 s0, s3;
	s0 =	sld [smem:$0x3FA8]  }
0x30: {  	s3 =	sld [smem:$0x3FAB]  }
0x31: {  	[smem:$0x3FB4] =	sst s10  }
0x32: {  	s10 =	sld [smem:$0x3FB2];
	_ =	sdelay $0x3  }
0x33: {  	p0 =	seq.s32 s10, $0x1;
	s10 =	sld [smem:$0x3FB4];
	_ =	sdelay $0x3  }
0x34: {  	[smem:$0x3FB4] =	sst s10  }
0x35: {  	s10 =	sld [smem:$0x3FB3];
	_ =	sdelay $0x3  }
0x36: {  	p1 =	seq.s32 s10, $0x1;
	s10 =	sld [smem:$0x3FB4];
	_ =	sdelay $0x3  }
0x37: {  	[smem:$0x3FB4] =	sst s10  }
0x38: {  	s10 =	sld [smem:$0x3FB5]  }
0x39: {  	_ = 	snop;
	(pc) =	sbr.ind lr, $3  }
0x3a: {  	_ = 	snop  }
0x3b: {  	_ = 	snop  }
0x3c: {  	p2 =	seq.s32 s10, $0x1;
	s10 =	sld [smem:$0x3FB4]  }
0x3d: {  	_ =	shalt  }
0x3e: {  	_ =	shalt  }
0x3f: {  	_ =	shalt  }
0x40: {  	_ =	shalt  }
0x41: {  	_ =	shalt  }
0x42: {  	_ =	shalt  }
0x43: {  	_ =	shalt  }
0x44: {  	_ =	shalt  }
0x45: {  	_ =	shalt  }
0x46: {  	_ =	shalt  }
0x47: {  	_ =	shalt  }
0x48: {  	_ =	shalt  }
0x49: {  	_ =	shalt  }
0x4a: {  	_ =	shalt  }
0x4b: {  	_ =	shalt  }
0x4c: {  	_ =	shalt  }
0x4d: {  	_ =	shalt  }
0x4e: {  	_ =	shalt  }
0x4f: {  	_ =	shalt  }
0x50: {  	_ =	shalt  }
0x51: {  	_ =	shalt  }
0x52: {  	_ =	shalt  }
0x53: {  	_ =	shalt  }
0x54: {  	_ =	shalt  }
0x55: {  	_ =	shalt  }
0x56: {  	_ =	shalt  }
0x57: {  	_ =	shalt  }
0x58: {  	_ =	shalt  }
0x59: {  	_ =	shalt  }
0x5a: {  	_ =	shalt  }
0x5b: {  	_ =	shalt  }
0x5c: {  	_ =	shalt  }
0x5d: {  	_ =	shalt  }
0x5e: {  	_ =	shalt  }
0x5f: {  	_ =	shalt  }
0x60: {  	_ =	shalt  }
0x61: {  	_ =	shalt  }
0x62: {  	_ =	shalt  }
0x63: {  	_ =	shalt  }
0x64: {  	_ =	shalt  }
0x65: {  	_ =	shalt  }
0x66: {  	_ =	shalt  }
0x67: {  	_ =	shalt  }
0x68: {  	_ =	shalt  }
0x69: {  	_ =	shalt  }
0x6a: {  	_ =	shalt  }
0x6b: {  	_ =	shalt  }
0x6c: {  	_ =	shalt  }
0x6d: {  	_ =	shalt  }
0x6e: {  	_ =	shalt  }
0x6f: {  	_ =	shalt  }
0x70: {  	_ =	shalt  }
0x71: {  	_ =	shalt  }
0x72: {  	_ =	shalt  }
0x73: {  	_ =	shalt  }
0x74: {  	_ =	shalt  }
0x75: {  	_ =	shalt  }
0x76: {  	_ =	shalt  }
0x77: {  	_ =	shalt  }
0x78: {  	_ =	shalt  }
0x79: {  	_ =	shalt  }
0x7a: {  	_ =	shalt  }
0x7b: {  	_ =	shalt  }
0x7c: {  	_ =	shalt  }
0x7d: {  	_ =	shalt  }
0x7e: {  	_ =	shalt  }
0x7f: {  	_ =	shalt  }
0x80: {  	_ =	shalt  }
0x81: {  	_ =	shalt  }
0x82: {  	_ =	shalt  }
0x83: {  	_ =	shalt  }
0x84: {  	_ =	shalt  }
0x85: {  	_ =	shalt  }
0x86: {  	_ =	shalt  }
0x87: {  	_ =	shalt  }
.Lfunc_end0:
.L_simem_size_0:
called_computation.3_lowered:
.L_overlay_start_0:
0x88: {  	s2 =	sld [smem:$0x3FD9]  }
0x89: {  	s3 =	sld [smem:$0x3FFE];
	_ =	sdelay $0x1  }
0x8a: {  	s1 =	srdreg.scid  }
0x8b: {  	s0 =	sand.u32 $0x1, s1  }
0x8c: {  	s16 =	sshll.u32 s0, $0xA;
	s2 =	sadd.s32 s3, s2  }
0x8d: {  	s2 =	sadd.s32 s2, s16  }
0x8e: {  	[smem:$0x3FC0] =	sst s2  }
0x8f: {  	_ = 	snop  }
0x90: {  	(tm) =	ssettm $0x1  }
0x91: {  	s17 =	sld [smem:$0x3FFB];
	_ =	sdelay $0x3  }
0x92: {  	_ =	strace s17  }
0x93: {  	s2 =	sld [smem:$0x3FFC];
	_ =	sdelay $0x3  }
0x94: {  	_ =	strace s2  }
0x95: {  	s2 =	sld [smem:$0x3FFD];
	_ =	sdelay $0x3  }
0x96: {  	_ =	strace s2  }
0x97: {  	_ =	strace $0x8FFFFFFF  }
0x98: {  	s18 =	sld [smem:$0x3FDB];
	_ =	sdelay $0x1  }
0x99: {  	s19 =	simm.s32 $_scs_section_size  }
0x9a: {  	s4 =	simm.s32 $_size__tile_overlayer_lowered;
	s5 =	simm.s32 $_tile_overlayer_lowered  }
0x9b: {  	s22 =	simm.s32 $0x1BFF;
	s21 =	sshll.u32 s5, $0x1;
	s2 =	sadd.s32 s19, s18  }
0x9c: {  	s6 =	simm.s32 $0x0;
	s20 =	sshll.u32 s4, $0x1;
	s4 =	sadd.s32 s21, s2  }
0x9d: {  	[timem:s6], [sflag:s22] =	dma.local [hbm:s4], s20  }
0x9e: {  	_ =	swait.ge [sflag:s22], s20  }
0x9f: {  	s3 =	ssub.s32 $0x0, s20;
	[sflag:s22] =	ssyncset.done $0x0  }
0xa0: {  	[sflag:s22] =	ssyncadd.s32 s3;
	_ =	sdelay $0x1  }
0xa1: {  	s23 =	simm.s32 $0x1B8B  }
0xa2: {  	_ =	swait.ge [sflag:s23], $0x1  }
0xa3: {  	[sflag:s23] =	ssyncset.done $0x0  }
0xa4: {  	s25 =	simm.s32 $0x1B8E;
	s24 =	sld [smem:$0x3FFE];
	[sflag:s23] =	ssyncadd.s32 $0xFFFFFFFF  }
0xa5: {  	s26 =	simm.s32 $execute0_lowered;
	[smem:$0x3FD2] =	sst s25  }
0xa6: {  	s4 =	sshll.u32 s26, $0x1;
	_ =	strace $0x8000004F;
	[dreg:$0x1] =	wrdreg $0xFFFFFFFF  }
0xa7: {  	s28 =	simm.s32 $_size_execute0_lowered;
	s2 =	sadd.s32 s2, s4;
	[dreg:$0x0] =	wrdreg $0x0  }
0xa8: {  	s4 =	sshll.u32 s28, $0x1;
	[dreg:$0x2] =	wrdreg s2  }
0xa9: {  	[dreg:$0x3] =	wrdreg s4  }
0xaa: {  	[dreg:$0x4] =	wrdreg $0xC0  }
0xab: {  	_ =	task [dreg:s6], $0x5FFFF  }
0xac: {  	[dreg:$0x1] =	wrdreg $0xFFFFFFFF  }
0xad: {  	[dreg:$0x0] =	wrdreg $0x60  }
0xae: {  	[dreg:$0x2] =	wrdreg s24  }
0xaf: {  	[dreg:$0x3] =	wrdreg $0x9  }
0xb0: {  	_ =	task.clear_ibuf [dreg:s6], $0x4FFFF;
	_ =	strace $0x9000004F  }
0xb1: {  	s29 =	simm.s32 $0x9;
	_ =	strace $0x80000051  }
0xb2: {  	_ =	swait.ge [sflag:s29], $0x1  }
0xb3: {  	[sflag:s29] =	ssyncadd.s32 $0xFFFFFFFF  }
0xb4: {  	_ =	strace $0x90000051  }
0xb5: {  	_ =	sfence  }
0xb6: {  	s30 =	sld [smem:$0x0];
	_ =	sdelay $0x2  }
0xb7: {  	s31 =	sshll.u32 s1, $0xD;
	s1 =	sshrl.u32 s1, $0x2  }
0xb8: {  	s3 =	sand.u32 $0x4000, s31;
	s1 =	sadd.s32 s1, s30  }
0xb9: {  	s0 =	sor.u32 s3, s0;
	s1 =	sshll.u32 s1, $0x11  }
0xba: {  	s0 =	sor.u32 s1, s0  }
0xbb: {  	s0 =	sadd.s32 $0x8F2B, s0  }
0xbc: {  	[sflag:s0] =	ssyncadd.remote.s32 $0x1  }
0xbd: {  	_ =	sfence.sel $0xFFFF  }
0xbe: {  	[dreg:$0x0] =	wrdreg $0xFFFFFFFF;
	(pc) =	sbr.abs _section_cstart, $3  }
0xbf: {  	[dreg:$0x1] =	wrdreg $0xFFFFFFFF  }
0xc0: {  	_ =	task.clear_ibuf [dreg:s6], $0x2FFFF;
	_ =	strace $0x9FFFFFFF  }
0xc1: {  	(tm) =	ssettm $0x7FFFFFFF  }
tec
execute0_lowered:
.L_overlay_start_1:
0x0: {  	(tag) =	ssettag $0x1  }
0x1: {  	s1 =	srdreg.scid  }
0x2: {  	s0 =	stileid.u32;
	s4 =	rddreg [dreg:$0x0]  }
0x3: {  	s2 =	simm.s32 $0x0;
	s10 =	simm.s32 $0x5000;
	s11 =	simm.s32 $0x7780  }
0x4: {  	s5 =	sand.u32 $0x1, s1;
	s6 =	smul.u32 $0x5000, s0;
	s1 =	rddreg [dreg:$0x1]  }
0x5: {  	s12 =	simm.s32 $0x0;
	[smem:$0x7FF] =	sst s2;
	s7 =	smul.u32 $0x2800, s5  }
0x6: {  	s3 =	sadd.s32 $0xC200, s4;
	s31 =	sshll.u32 s0, $0x4;
	_ =	strace $0x80000050  }
0x7: {  	s8 =	ssub.s32 $0x2, s5;
	s5 =	sshll.u32 s5, $0x8;
	s6 =	sadd.s32 s7, s6  }
0x8: {  	s9 =	sshrl.u32 s8, $0x1;
	s7 =	sadd.s32 s31, s4;
	s6 =	sshrl.u32 s6, $0x3  }
0x9: {  	s8 =	ssub.s32 s8, s9;
	s9 =	simm.s32 $0x2800;
	s6 =	sadd.s32 s6, s4  }
0xa: {  	s7 =	sadd.s32 s5, s7;
	s4 =	sadd.s32 $0x11800, s6;
	s5 =	sadd.s32 $0x2200, s6  }
0xb: {  	s6 =	sadd.s32 $0xC800, s7;
	s7 =	smax.u32 s8, $0x1;
	s8 =	simm.s32 $0x1  }
.LBB2_1:
0xc: {  	[tilespmem:s2], [sflag:$0x1] =	stream.linear.gather [hbm4b:s4+s2], $0x2800, $0x38;
	[tilespmem:$0x7800] =	vst v63  }
0xd: {  	_ =	swait.ge [sflag:s8], $0x2800  }
0xe: {  	[sflag:s8] =	ssyncset.done $0x0  }
0xf: {  	[sflag:s8] =	ssyncadd.s32 $0xFFFFD800  }
0x10: {  	[tilespmem:s9], [sflag:$0x1] =	stream.linear.gather [hbm4b:s5+s2], $0x2800, $0x38;
	[tilespmem:$0x7800] =	vst v63  }
0x11: {  	_ =	swait.ge [sflag:s8], $0x2800  }
0x12: {  	[sflag:s8] =	ssyncset.done $0x0  }
0x13: {  	[sflag:s8] =	ssyncadd.s32 $0xFFFFD800  }
0x14: {  	[tilespmem:s10], [sflag:$0x1] =	stream.linear.gather [hbm4b:s3+s2], $0x2780, $0x38;
	[tilespmem:$0x7800] =	vst v63  }
0x15: {  	_ =	swait.ge [sflag:s8], $0x2780  }
0x16: {  	[sflag:s8] =	ssyncset.done $0x0  }
0x17: {  	s13 =	simm.s32 $0x0;
	[sflag:s8] =	ssyncadd.s32 $0xFFFFD880  }
0x18: {  	v0 =	vld [tilespmem:s13+$0x2830]  }
0x19: {  	v1 =	vld [tilespmem:s13+$0x0]  }
0x1a: {  	v2 =	vld [tilespmem:s13+$0x2820]  }
0x1b: {  	v3 =	vld [tilespmem:s13+$0x10]  }
0x1c: {  	v4 =	vld [tilespmem:s13+$0x2810]  }
0x1d: {  	v5 =	vld [tilespmem:s13+$0x20]  }
0x1e: {  	v6 =	vld [tilespmem:s13+$0x2800]  }
0x1f: {  	v7 =	vld [tilespmem:s13+$0x30]  }
0x20: {  	v8 =	vld [tilespmem:s13+$0x40]  }
0x21: {  	v9 =	vld [tilespmem:s13+$0x50]  }
0x22: {  	v1 =	vld.idx.msk [tilespmem:v1+s10+$0x0], $0xffff  }
0x23: {  	v10 =	vld [tilespmem:s13+$0x60]  }
0x24: {  	v3 =	vld.idx.msk [tilespmem:v3+s10+$0x0], $0xffff  }
0x25: {  	v63 =	vld [tilespmem:s13+$0x2850]  }
0x26: {  	vm0 =	veq.s32 v6, $0x0;
	v5 =	vld.idx.msk [tilespmem:v5+s10+$0x0], $0xffff  }
0x27: {  	v11 =	vimm.f32 $0.0e+00;
	v6 =	vld [tilespmem:s13+$0x70];
	v1 =	vnsel vm0, $0x0, v1  }
0x28: {  	v7 =	vld.idx.msk [tilespmem:v7+s10+$0x0], $0xffff;
	vm0 =	veq.s32 v4, $0x0;
	v1 =	vadd.f32 v1, v11  }
0x29: {  	v4 =	vld [tilespmem:s13+$0x2840];
	v3 =	vnsel vm0, $0x0, v3  }
0x2a: {  	v8 =	vld.idx.msk [tilespmem:v8+s10+$0x0], $0xffff;
	vm0 =	veq.s32 v2, $0x0;
	v3 =	vadd.f32 v3, v1  }
0x2b: {  	v2 =	vnsel vm0, $0x0, v5;
	v1 =	vld.idx.msk [tilespmem:v9+s10+$0x0], $0xffff  }
0x2c: {  	vm0 =	veq.s32 v0, $0x0;
	v5 =	vadd.f32 v2, v3;
	v2 =	vld [tilespmem:s13+$0x2860]  }
0x2d: {  	v0 =	vnsel vm0, $0x0, v7;
	v3 =	vld.idx.msk [tilespmem:v10+s10+$0x0], $0xffff  }
0x2e: {  	vm0 =	veq.s32 v4, $0x0;
	v4 =	vld [tilespmem:s13+$0x2870];
	v7 =	vadd.f32 v0, v5  }
0x2f: {  	s13 =	simm.s32 $0x80;
	v8 =	vnsel vm0, $0x0, v8;
	v5 =	vld.idx.msk [tilespmem:v6+s10+$0x0], $0xffff  }
0x30: {  	s14 =	simm.s32 $0x400;
	vm0 =	veq.s32 v63, $0x0;
	v0 =	vld [tilespmem:s13+$0x2830];
	v6 =	vadd.f32 v8, v7  }
.LBB2_2:
0x31: {  	p0 =	sne.s32 s14, $0x9E00;
	v7 =	vld [tilespmem:s13+$0x0];
	v1 =	vnsel vm0, $0x0, v1  }
0x32: {  	vm0 =	veq.s32 v2, $0x0;
	v8 =	vld [tilespmem:s13+$0x2820];
	v1 =	vadd.f32 v1, v6  }
0x33: {  	v3 =	vnsel vm0, $0x0, v3;
	v2 =	vld [tilespmem:s13+$0x10]  }
0x34: {  	vm0 =	veq.s32 v4, $0x0;
	v6 =	vld [tilespmem:s13+$0x2810];
	v1 =	vadd.f32 v3, v1  }
0x35: {  	v4 =	vnsel vm0, $0x0, v5;
	v3 =	vld [tilespmem:s13+$0x20]  }
0x36: {  	v5 =	vld [tilespmem:s13+$0x2800];
	v1 =	vadd.f32 v4, v1  }
0x37: {  	v4 =	vld [tilespmem:s13+$0x30]  }
0x38: {  	v9 =	vld [tilespmem:s13+$0x40]  }
0x39: {  	v7 =	vld.idx.msk [tilespmem:v7+s10+$0x0], $0xffff  }
0x3a: {  	v10 =	vld [tilespmem:s13+$0x50]  }
0x3b: {  	v2 =	vld.idx.msk [tilespmem:v2+s10+$0x0], $0xffff  }
0x3c: {  	v11 =	vld [tilespmem:s13+$0x60]  }
0x3d: {  	v3 =	vld.idx.msk [tilespmem:v3+s10+$0x0], $0xffff  }
0x3e: {  	vm0 =	veq.s32 v5, $0x0;
	v5 =	vld [tilespmem:s13+$0x70]  }
0x3f: {  	v7 =	vnsel vm0, $0x0, v7;
	v4 =	vld.idx.msk [tilespmem:v4+s10+$0x0], $0xffff  }
0x40: {  	vm0 =	veq.s32 v6, $0x0;
	v1 =	vadd.f32 v7, v1;
	v6 =	vld [tilespmem:s13+$0x2840]  }
0x41: {  	v2 =	vnsel vm0, $0x0, v2;
	v7 =	vld.idx.msk [tilespmem:v9+s10+$0x0], $0xffff  }
0x42: {  	vm0 =	veq.s32 v8, $0x0;
	v2 =	vadd.f32 v2, v1;
	v8 =	vld [tilespmem:s13+$0x2850]  }
0x43: {  	v3 =	vnsel vm0, $0x0, v3;
	v1 =	vld.idx.msk [tilespmem:v10+s10+$0x0], $0xffff  }
.Ltmp0:
0x44: {  	vm0 =	veq.s32 v0, $0x0;
	v9 =	vadd.f32 v3, v2;
	v2 =	vld [tilespmem:s13+$0x2860];
	(pc) =	sbr.rel @p0 .LBB2_2-.Ltmp0, $4  }
0x45: {  	v0 =	vnsel vm0, $0x0, v4;
	v3 =	vld.idx.msk [tilespmem:v11+s10+$0x0], $0xffff  }
0x46: {  	v9 =	vadd.f32 v0, v9;
	vm0 =	veq.s32 v6, $0x0;
	v4 =	vld [tilespmem:s13+$0x2870]  }
0x47: {  	s13 =	sshra.s32 s14, $0x2;
	v6 =	vnsel vm0, $0x0, v7;
	v5 =	vld.idx.msk [tilespmem:v5+s10+$0x0], $0xffff  }
0x48: {  	s14 =	sadd.s32 $0x200, s14;
	v6 =	vadd.f32 v6, v9;
	vm0 =	veq.s32 v8, $0x0;
	v0 =	vld [tilespmem:s13+$0x2830]  }
0x49: {  	v7 =	vld [tilespmem:s13+$0x0]  }
0x4a: {  	v8 =	vld [tilespmem:s13+$0x2820]  }
0x4b: {  	v9 =	vld [tilespmem:s13+$0x10]  }
0x4c: {  	v10 =	vld [tilespmem:s13+$0x2810]  }
0x4d: {  	v11 =	vld [tilespmem:s13+$0x20]  }
0x4e: {  	v12 =	vld [tilespmem:s13+$0x2800]  }
0x4f: {  	v13 =	vld [tilespmem:s13+$0x30]  }
0x50: {  	v1 =	vnsel vm0, $0x0, v1;
	v14 =	vld [tilespmem:s13+$0x40]  }
0x51: {  	vm6 =	veq.s32 v2, $0x0;
	v1 =	vadd.f32 v1, v6;
	v49 =	vld.idx.msk [tilespmem:v7+s10+$0x0], $0xffff  }
0x52: {  	v50 =	vld [tilespmem:s13+$0x50];
	v3 =	vnsel vm6, $0x0, v3  }
0x53: {  	vm7 =	veq.s32 v4, $0x0;
	v1 =	vadd.f32 v3, v1;
	v51 =	vld.idx.msk [tilespmem:v9+s10+$0x0], $0xffff  }
0x54: {  	v52 =	vld [tilespmem:s13+$0x60];
	v4 =	vnsel vm7, $0x0, v5  }
0x55: {  	v1 =	vadd.f32 v4, v1;
	vm8 =	veq.s32 v12, $0x0;
	v53 =	vld.idx.msk [tilespmem:v11+s10+$0x0], $0xffff  }
0x56: {  	v54 =	vld [tilespmem:s13+$0x70];
	v2 =	vnsel vm8, $0x0, v49  }
0x57: {  	vm9 =	veq.s32 v10, $0x0;
	v55 =	vld.idx.msk [tilespmem:v13+s10+$0x0], $0xffff;
	v1 =	vadd.f32 v2, v1  }
0x58: {  	v56 =	vld [tilespmem:s13+$0x2840];
	v3 =	vnsel vm9, $0x0, v51  }
0x59: {  	vm10 =	veq.s32 v8, $0x0;
	v57 =	vld.idx.msk [tilespmem:v14+s10+$0x0], $0xffff;
	v1 =	vadd.f32 v3, v1  }
0x5a: {  	v58 =	vld [tilespmem:s13+$0x2850];
	v4 =	vnsel vm10, $0x0, v53  }
0x5b: {  	vm11 =	veq.s32 v0, $0x0;
	v6 =	vld.idx.msk [tilespmem:v50+s10+$0x0], $0xffff;
	v1 =	vadd.f32 v4, v1  }
0x5c: {  	v59 =	vld [tilespmem:s13+$0x2860];
	v60 =	vnsel vm11, $0x0, v55  }
0x5d: {  	vm12 =	veq.s32 v56, $0x0;
	v5 =	vld.idx.msk [tilespmem:v52+s10+$0x0], $0xffff;
	v1 =	vadd.f32 v60, v1  }
0x5e: {  	v61 =	vld [tilespmem:s13+$0x2870];
	v62 =	vnsel vm12, $0x0, v57  }
0x5f: {  	vm13 =	veq.s32 v58, $0x0;
	v7 =	vld.idx.msk [tilespmem:v54+s10+$0x0], $0xffff;
	v1 =	vadd.f32 v62, v1  }
0x60: {  	v3 =	vnsel vm13, $0x0, v6  }
0x61: {  	vm14 =	veq.s32 v59, $0x0;
	v1 =	vadd.f32 v3, v1  }
0x62: {  	v0 =	vnsel vm14, $0x0, v5  }
0x63: {  	vm15 =	veq.s32 v61, $0x0;
	v0 =	vadd.f32 v0, v1  }
0x64: {  	v63 =	vnsel vm15, $0x0, v7  }
0x65: {  	s12 =	sadd.s32 $0x1, s12;
	v0 =	vadd.f32 v63, v0  }
0x66: {  	p0 =	sne.s32 s12, s7  }
.Ltmp1:
0x67: {  	[tilespmem:$0x7780] =	vst v0;
	(pc) =	sbr.rel @p0 .LBB2_1-.Ltmp1, $4  }
0x68: {  	[hbm4b:s6+s2] =	stream.linear.scatter [tilespmem:s11], [sflag:$0x1], $0x80, $0x38;
	[tilespmem:$0x7800] =	vst v63  }
0x69: {  	_ =	swait.ge [sflag:s8], $0x80  }
0x6a: {  	[sflag:s8] =	ssyncset.done $0x0  }
0x6b: {  	[sflag:s8] =	ssyncadd.s32 $0xFFFFFF80  }
0x6c: {  	_ =	sfence.sel $0x180000  }
0x6d: {  	[bflag:$0x0] =	sbarrier.arrive $0xFFFF  }
0x6e: {  	p0 =	sne.s32 s0, $0x0;
	_ =	strace $0x90000050  }
0x6f: {  	s0 =	sadd.s32 @!p0 $0x100000, s1;
	[bflag:$0x2] =	sbarrier.arrive $0xFFFF  }
0x70: {  	[sflag:s0] =	ssyncadd.tile.s32 @!p0 $0x1;
	_ =	shalt  }
.Lfunc_end2:
_tile_overlayer_lowered:
.L_overlay_start_2:
0x71: {  	(tag) =	ssettag $0x2  }
0x72: {  	s0 =	rddreg [dreg:$0x0];
	s2 =	stileid.u32  }
0x73: {  	s1 =	rddreg [dreg:$0x1];
	p0 =	sne.s32 s2, $0x0  }
0x74: {  	s3 =	rddreg [dreg:$0x2];
	[bflag:$0x3] =	sbarrier.arrive $0xFFFF;
	s2 =	simm.s32 @!p0 $0x1C01  }
0x75: {  	[timem:s3], [sflag:s2] =	dma.local @!p0 [hbm:s0], s1  }
0x76: {  	s0 =	simm.s32 @!p0 $0x1  }
0x77: {  	_ =	swait.ge @!p0 [sflag:s0], s1  }
0x78: {  	s1 =	ssub.s32 @!p0 $0x0, s1;
	[sflag:s0] =	ssyncset.done @!p0 $0x0  }
0x79: {  	[sflag:s0] =	ssyncadd.s32 @!p0 s1  }
0x7a: {  	[bflag:$0x3] =	sbarrier.arrive $0xFFFF  }
0x7b: {  	_ =	shalt  }

</sc_bundles>
